<compile_context>
chip_gen: v7x
topology: tpu7x:2x2x1
jax: 0.10.2.dev20260603
libtpu: 0.0.44.dev20260713+nightly
codegen_flags: <defaults>
</compile_context>

<pallas_src>
import functools

import jax
import jax.numpy as jnp
from jax import lax
from jax.experimental import pallas as pl
from jax.experimental.pallas import tpu as pltpu
from jax.experimental.pallas import tpu_sc as plsc

_SCALE = 100.0
_B = 128


def _ect_block_kernel(seg_ref, x_ref, vt_ref, lg_ref, mask_ref,
                      slab_ref, out_ref, *, nblk):
    i = pl.program_id(0)
    bn = x_ref.shape[0]
    n_groups = lg_ref.shape[0]

    @pl.when(i == 0)
    def _init():
        out_ref[...] = jnp.zeros_like(out_ref)

    @pl.when(i < nblk)
    def _points_block():
        nh = jnp.dot(x_ref[...], vt_ref[...],
                     preferred_element_type=jnp.float32)
        seg = seg_ref[0, 0, :].reshape(bn, 1)
        col = jax.lax.broadcasted_iota(jnp.int32, (bn, _B), 1)
        onehot = (seg == col).astype(jnp.float32)
        for g in range(n_groups):
            z = _SCALE * (lg_ref[g : g + 1, :] - nh)
            ecc = jax.nn.sigmoid(z)
            part = jax.lax.dot_general(
                onehot, ecc, (((0,), (0,)), ((), ())),
                preferred_element_type=jnp.float32,
            )
            out_ref[:, g * 128 : (g + 1) * 128] += part

    @pl.when(i >= nblk)
    def _slab_block():
        out_ref[...] += jnp.sum(mask_ref[...] * slab_ref[...], axis=0)



_NC = 2
_NS = 16
_NW = _NC * _NS


def _sc_body(xw_hbm, segw_hbm, wv_hbm, cneg_hbm, slab_hbm,
             xbuf, segbuf, wvbuf, cnegbuf, accrow):
    c = lax.axis_index("c")
    sid = lax.axis_index("s")
    wid = c * _NS + sid
    cp = segbuf.shape[0]
    n_s = cnegbuf.shape[0] // 16
    sub = accrow.shape[0]

    pltpu.sync_copy(xw_hbm.at[wid], xbuf)
    pltpu.sync_copy(segw_hbm.at[wid], segbuf)
    pltpu.sync_copy(wv_hbm, wvbuf)
    pltpu.sync_copy(cneg_hbm, cnegbuf)

    z16 = jnp.zeros((16,), jnp.float32)

    def zero_accrow():
        for j in range(sub):
            accrow[j] = z16

    zero_accrow()

    wv = [wvbuf[pl.ds(j * 16, 16)] for j in range(6)]

    def flush(segv):
        base = (wid * (_B + 1) + jnp.max(segv)) * sub
        pltpu.sync_copy(accrow, slab_hbm.at[pl.ds(base, sub)])
        zero_accrow()

    def body(p, segv_prev):
        idxp = jnp.full((16,), p, jnp.int32)
        segv = plsc.load_gather(segbuf, [idxp])
        changed = jnp.any(segv != segv_prev)

        @pl.when(changed)
        def _do_flush():
            flush(segv_prev)

        x0 = plsc.load_gather(xbuf, [idxp])
        x1 = plsc.load_gather(xbuf, [idxp + cp])
        x2 = plsc.load_gather(xbuf, [idxp + 2 * cp])
        p100 = [x0 * wv[h] + x1 * wv[2 + h] + x2 * wv[4 + h] for h in range(2)]
        for s in range(n_s):
            cn = cnegbuf[pl.ds(s * 16, 16)]
            for h in range(2):
                e = jnp.exp(p100[h] + cn)
                r = 1.0 / (1.0 + e)
                plsc.addupdate(accrow.at[s * 2 + h], r)
        return segv

    segv0 = plsc.load_gather(segbuf, [jnp.zeros((16,), jnp.int32)])
    segv_last = lax.fori_loop(0, cp, body, segv0)
    flush(segv_last)


def _sc_slabs(x_sc, seg_sc, v, lin_flat):
    n = x_sc.shape[0]
    s = lin_flat.shape[0]
    t = v.shape[1]
    st = s * t
    sub = st // 16
    cp = max(-(-n // (_NW * 8)) * 8, 8)
    n_pad = _NW * cp
    xp = jnp.pad(x_sc, ((0, n_pad - n), (0, 0)))
    segp = jnp.pad(seg_sc.astype(jnp.int32), (0, n_pad - n),
                   constant_values=_B)
    xw = xp.T.reshape(3, _NW, cp).transpose(1, 0, 2).reshape(_NW, 3 * cp)
    segw = segp.reshape(_NW, cp)
    wv = (_SCALE * v).reshape(3, 2, 16).reshape(3 * 32)
    cneg = jnp.repeat(-_SCALE * lin_flat, 16)

    slab = functools.partial(
        pl.kernel,
        out_type=jax.ShapeDtypeStruct((_NW * (_B + 1) * sub, 16), jnp.float32),
        mesh=plsc.VectorSubcoreMesh(core_axis_name="c", subcore_axis_name="s"),
        compiler_params=pltpu.CompilerParams(needs_layout_passes=False),
        scratch_types=[
            pltpu.VMEM((3 * cp,), jnp.float32),
            pltpu.VMEM((cp,), jnp.int32),
            pltpu.VMEM((96,), jnp.float32),
            pltpu.VMEM((16 * s,), jnp.float32),
            pltpu.VMEM((sub, 16), jnp.float32),
        ],
    )(_sc_body)(xw, segw, wv, cneg)

    pres = (segw[:, :, None] == jnp.arange(_B, dtype=jnp.int32)).any(axis=1)
    slab3 = slab.reshape(_NW, _B + 1, st)
    return slab3, pres.astype(jnp.float32)[:, :, None]


def _tc_fused(x, seg_ids, v, lin_flat, mask, slab):
    n, _ = x.shape
    t = v.shape[1]
    s = lin_flat.shape[0]
    st = s * t
    assert st % 128 == 0 and 128 % t == 0
    s_per_group = 128 // t
    n_groups = st // 128

    bn = 2000
    g_steps = max(-(-n // bn), 1)
    n_pad = g_steps * bn
    if n_pad != n:
        x = jnp.pad(x, ((0, n_pad - n), (0, 0)))
        seg_ids = jnp.pad(seg_ids, (0, n_pad - n), constant_values=_B)
    seg3 = seg_ids.astype(jnp.int32).reshape(g_steps, 1, bn)

    vt = jnp.concatenate([v] * s_per_group, axis=1)
    lane = jnp.arange(128) // t
    lg = lin_flat[s_per_group * jnp.arange(n_groups)[:, None] + lane[None, :]]

    wpb = 4
    c_steps = _NW // wpb

    def pts(i):
        return jnp.minimum(i, g_steps - 1)

    def wrk(i):
        return jnp.maximum(i - g_steps, 0)

    out = pl.pallas_call(
        functools.partial(_ect_block_kernel, nblk=g_steps),
        grid=(g_steps + c_steps,),
        in_specs=[
            pl.BlockSpec((1, 1, bn), lambda i: (pts(i), 0, 0)),
            pl.BlockSpec((bn, x.shape[1]), lambda i: (pts(i), 0)),
            pl.BlockSpec(vt.shape, lambda i: (0, 0)),
            pl.BlockSpec(lg.shape, lambda i: (0, 0)),
            pl.BlockSpec((wpb, _B, 1), lambda i: (wrk(i), 0, 0)),
            pl.BlockSpec((wpb, _B, st), lambda i: (wrk(i), 0, 0), ),
        ],
        out_specs=pl.BlockSpec((_B, st), lambda i: (0, 0)),
        out_shape=jax.ShapeDtypeStruct((_B, st), jnp.float32),
    )(seg3, x, vt, lg, mask, slab)
    return out


def kernel(x, seg_ids, v, lin):
    n, _ = x.shape
    t = v.shape[1]
    lin_flat = lin.reshape(-1)
    s = lin_flat.shape[0]
    st = s * t

    n_sc = min(n // 50, n)
    n_tc = n - n_sc

    slab, mask = _sc_slabs(x[n_tc:], seg_ids[n_tc:], v, lin_flat)
    out = _tc_fused(x[:n_tc], seg_ids[:n_tc], v, lin_flat, mask, slab)
    return out.reshape(_B, 1, s, t)

# --- scband reference (transcript-rebuilt; emitter-appended) ---
"""Pipeline reference for scband-ectlayer-76948634075439 (READ-ONLY COPY).

The authoritative reference and input builder live on the scoring server;
editing this copy changes nothing except your own understanding.
"""

import jax, jax.numpy as jnp
import numpy as np

N = 50000      # total points across the batch
NDIMS = 3      # coordinate dimension
T = 32         # num_thetas (number of directions)
S = 32         # bump_steps (discretization of [-radius, radius])
B = 128        # number of point clouds in the batch
RADIUS = 1.1
SCALE = 100.0


def setup_inputs(seed: int = 0) -> dict:
    key = jax.random.key(seed)
    k1, k2, k3 = jax.random.split(key, 3)
    # node coordinates (point clouds are assumed normalized to the unit ball)
    x = jax.random.normal(k1, (N, NDIMS), dtype=jnp.float32)
    x = x / jnp.maximum(jnp.linalg.norm(x, axis=-1, keepdims=True), 1.0)
    # sorted batch index: which point cloud each point belongs to
    seg_ids = jnp.sort(jax.random.randint(k2, (N,), 0, B))
    # learned/fixed parameter: direction vectors, stored as [ndims, num_thetas]
    # (ECTLayer stores v.movedim(-1, -2)); unit directions scaled to radius
    v = jax.random.normal(k3, (NDIMS, T), dtype=jnp.float32)
    v = RADIUS * v / jnp.linalg.norm(v, axis=0, keepdims=True)
    # fixed parameter: discretization of [-radius, radius], shape [S,1,1,1]
    lin = jnp.linspace(-RADIUS, RADIUS, S, dtype=jnp.float32).reshape(-1, 1, 1, 1)
    return {"x": x, "seg_ids": seg_ids, "v": v, "lin": lin}


def reference(x, seg_ids, v, lin):
    # compute_ect_points: node heights = inner product of coords with directions
    nh = x @ v                              # [N, T]
    # compute_ecc: sigmoid bump; lin [S,1,1,1] - nh [N,T] -> [S,1,N,T]
    ecc = jax.nn.sigmoid(SCALE * (lin - nh))
    ecc = jnp.moveaxis(ecc, 0, 2)           # [1, N, S, T]
    ecc = jnp.moveaxis(ecc, 0, 1)           # [N, 1, S, T]
    # segment_add_coo over points -> per-point-cloud ECT [B, 1, S, T]
    ect = jax.ops.segment_sum(ecc, seg_ids, num_segments=B)
    return ect

if __name__ == "__main__":
    import jax
    _d = setup_inputs()
    print(jax.jit(kernel)(*tuple(_d.values())))

</pallas_src>

<mosaic_0001>
#map = affine_map<(d0, d1) -> (0, 0)>
#map1 = affine_map<(d0, d1) -> (0)>
module attributes {stable_mosaic.version = 14 : i64} {
  func.func @_sc_body(%arg0: i32, %arg1: i32, %arg2: memref<32x96xf32, #tpu.memory_space<hbm>>, %arg3: memref<32x32xi32, #tpu.memory_space<hbm>>, %arg4: memref<96xf32, #tpu.memory_space<hbm>>, %arg5: memref<512xf32, #tpu.memory_space<hbm>>, %arg6: memref<264192x16xf32, #tpu.memory_space<hbm>>, %arg7: memref<96xf32, #tpu.memory_space<vmem>>, %arg8: memref<32xi32, #tpu.memory_space<vmem>>, %arg9: memref<96xf32, #tpu.memory_space<vmem>>, %arg10: memref<512xf32, #tpu.memory_space<vmem>>, %arg11: memref<64x16xf32, #tpu.memory_space<vmem>>) attributes {dimension_semantics = [#tpu.dimension_semantics<core_parallel>, #tpu.dimension_semantics<subcore_parallel>], iteration_bounds = array<i64: 2, 16>, scalar_prefetch = 0 : i64, scratch_operands = 5 : i64, tpu.core_type = #tpu.core_type<sc_vector_subcore>, window_params = [{transform_indices = #map}, {transform_indices = #map}, {transform_indices = #map1}, {transform_indices = #map1}, {transform_indices = #map}]} {
    %mul3A = arith.constant 16 : i32
    %mul3A_0 = arith.muli %arg0, %mul3A : i32
    %add3A = arith.addi %mul3A_0, %arg1 : i32
    "tpu.region"() ({
      %run_scoped3A = tpu.sem_alloc : memref<!tpu.dma_semaphore, #tpu.memory_space<semaphore_mem>>
      %dma_start3A = arith.constant 0 : i32
      %dma_start3A_543 = tpu.memref_slice %arg2[%add3A, %dma_start3A] : memref<32x96xf32, #tpu.memory_space<hbm>> -> memref<1x96xf32, #tpu.memory_space<hbm>>
      %dma_start3A_544 = tpu.memref_squeeze %dma_start3A_543 : memref<1x96xf32, #tpu.memory_space<hbm>> -> memref<96xf32, #tpu.memory_space<hbm>>
      %dma_start3A_545 = arith.constant 0 : i32
      %dma_start3A_546 = tpu.memref_slice %arg2[%add3A, %dma_start3A_545] : memref<32x96xf32, #tpu.memory_space<hbm>> -> memref<1x96xf32, #tpu.memory_space<hbm>>
      %dma_start3A_547 = tpu.memref_squeeze %dma_start3A_546 : memref<1x96xf32, #tpu.memory_space<hbm>> -> memref<96xf32, #tpu.memory_space<hbm>>
      tpu.enqueue_dma source(%dma_start3A_547 : memref<96xf32, #tpu.memory_space<hbm>>) target(%arg7 : memref<96xf32, #tpu.memory_space<vmem>>) target_semaphore(%run_scoped3A : memref<!tpu.dma_semaphore, #tpu.memory_space<semaphore_mem>>)
      %dma_wait3A = arith.constant 0 : i32
      %dma_wait3A_548 = tpu.memref_slice %arg2[%add3A, %dma_wait3A] : memref<32x96xf32, #tpu.memory_space<hbm>> -> memref<1x96xf32, #tpu.memory_space<hbm>>
      %dma_wait3A_549 = tpu.memref_squeeze %dma_wait3A_548 : memref<1x96xf32, #tpu.memory_space<hbm>> -> memref<96xf32, #tpu.memory_space<hbm>>
      %dma_wait3A_550 = arith.constant 0 : i32
      %dma_wait3A_551 = tpu.memref_slice %arg2[%add3A, %dma_wait3A_550] : memref<32x96xf32, #tpu.memory_space<hbm>> -> memref<1x96xf32, #tpu.memory_space<hbm>>
      %dma_wait3A_552 = tpu.memref_squeeze %dma_wait3A_551 : memref<1x96xf32, #tpu.memory_space<hbm>> -> memref<96xf32, #tpu.memory_space<hbm>>
      tpu.wait_dma2 semaphore(%run_scoped3A : memref<!tpu.dma_semaphore, #tpu.memory_space<semaphore_mem>>) src(%dma_wait3A_552 : memref<96xf32, #tpu.memory_space<hbm>>) dst(%arg7 : memref<96xf32, #tpu.memory_space<vmem>>)
      tpu.yield
    }) : () -> ()
    "tpu.region"() ({
      %run_scoped3A = tpu.sem_alloc : memref<!tpu.dma_semaphore, #tpu.memory_space<semaphore_mem>>
      %dma_start3A = arith.constant 0 : i32
      %dma_start3A_543 = tpu.memref_slice %arg3[%add3A, %dma_start3A] : memref<32x32xi32, #tpu.memory_space<hbm>> -> memref<1x32xi32, #tpu.memory_space<hbm>>
      %dma_start3A_544 = tpu.memref_squeeze %dma_start3A_543 : memref<1x32xi32, #tpu.memory_space<hbm>> -> memref<32xi32, #tpu.memory_space<hbm>>
      %dma_start3A_545 = arith.constant 0 : i32
      %dma_start3A_546 = tpu.memref_slice %arg3[%add3A, %dma_start3A_545] : memref<32x32xi32, #tpu.memory_space<hbm>> -> memref<1x32xi32, #tpu.memory_space<hbm>>
      %dma_start3A_547 = tpu.memref_squeeze %dma_start3A_546 : memref<1x32xi32, #tpu.memory_space<hbm>> -> memref<32xi32, #tpu.memory_space<hbm>>
      tpu.enqueue_dma source(%dma_start3A_547 : memref<32xi32, #tpu.memory_space<hbm>>) target(%arg8 : memref<32xi32, #tpu.memory_space<vmem>>) target_semaphore(%run_scoped3A : memref<!tpu.dma_semaphore, #tpu.memory_space<semaphore_mem>>)
      %dma_wait3A = arith.constant 0 : i32
      %dma_wait3A_548 = tpu.memref_slice %arg3[%add3A, %dma_wait3A] : memref<32x32xi32, #tpu.memory_space<hbm>> -> memref<1x32xi32, #tpu.memory_space<hbm>>
      %dma_wait3A_549 = tpu.memref_squeeze %dma_wait3A_548 : memref<1x32xi32, #tpu.memory_space<hbm>> -> memref<32xi32, #tpu.memory_space<hbm>>
      %dma_wait3A_550 = arith.constant 0 : i32
      %dma_wait3A_551 = tpu.memref_slice %arg3[%add3A, %dma_wait3A_550] : memref<32x32xi32, #tpu.memory_space<hbm>> -> memref<1x32xi32, #tpu.memory_space<hbm>>
      %dma_wait3A_552 = tpu.memref_squeeze %dma_wait3A_551 : memref<1x32xi32, #tpu.memory_space<hbm>> -> memref<32xi32, #tpu.memory_space<hbm>>
      tpu.wait_dma2 semaphore(%run_scoped3A : memref<!tpu.dma_semaphore, #tpu.memory_space<semaphore_mem>>) src(%dma_wait3A_552 : memref<32xi32, #tpu.memory_space<hbm>>) dst(%arg8 : memref<32xi32, #tpu.memory_space<vmem>>)
      tpu.yield
    }) : () -> ()
    "tpu.region"() ({
      %run_scoped3A = tpu.sem_alloc : memref<!tpu.dma_semaphore, #tpu.memory_space<semaphore_mem>>
      tpu.enqueue_dma source(%arg4 : memref<96xf32, #tpu.memory_space<hbm>>) target(%arg9 : memref<96xf32, #tpu.memory_space<vmem>>) target_semaphore(%run_scoped3A : memref<!tpu.dma_semaphore, #tpu.memory_space<semaphore_mem>>)
      tpu.wait_dma2 semaphore(%run_scoped3A : memref<!tpu.dma_semaphore, #tpu.memory_space<semaphore_mem>>) src(%arg4 : memref<96xf32, #tpu.memory_space<hbm>>) dst(%arg9 : memref<96xf32, #tpu.memory_space<vmem>>)
      tpu.yield
    }) : () -> ()
    "tpu.region"() ({
      %run_scoped3A = tpu.sem_alloc : memref<!tpu.dma_semaphore, #tpu.memory_space<semaphore_mem>>
      tpu.enqueue_dma source(%arg5 : memref<512xf32, #tpu.memory_space<hbm>>) target(%arg10 : memref<512xf32, #tpu.memory_space<vmem>>) target_semaphore(%run_scoped3A : memref<!tpu.dma_semaphore, #tpu.memory_space<semaphore_mem>>)
      tpu.wait_dma2 semaphore(%run_scoped3A : memref<!tpu.dma_semaphore, #tpu.memory_space<semaphore_mem>>) src(%arg5 : memref<512xf32, #tpu.memory_space<hbm>>) dst(%arg10 : memref<512xf32, #tpu.memory_space<vmem>>)
      tpu.yield
    }) : () -> ()
    %broadcast_in_dim3A = arith.constant 0.000000e+00 : f32
    %broadcast_in_dim3A_1 = vector.broadcast %broadcast_in_dim3A : f32 to vector<16xf32>
    %swap3A = arith.constant 0 : i32
    %swap3A_2 = arith.index_cast %swap3A : i32 to index
    %swap3A_3 = arith.constant 0 : index
    %swap3A_4 = tpu.vector_load %arg11[%swap3A_2, %swap3A_3] {strides = array<i32>} : memref<64x16xf32, #tpu.memory_space<vmem>>, vector<16xf32>,
    tpu.vector_store %arg11[%swap3A_2, %swap3A_3], %broadcast_in_dim3A_1 {strides = array<i32>} : memref<64x16xf32, #tpu.memory_space<vmem>>, vector<16xf32>,
    %swap3A_5 = arith.constant 1 : i32
    %swap3A_6 = arith.index_cast %swap3A_5 : i32 to index
    %swap3A_7 = arith.constant 0 : index
    %swap3A_8 = tpu.vector_load %arg11[%swap3A_6, %swap3A_7] {strides = array<i32>} : memref<64x16xf32, #tpu.memory_space<vmem>>, vector<16xf32>,
    tpu.vector_store %arg11[%swap3A_6, %swap3A_7], %broadcast_in_dim3A_1 {strides = array<i32>} : memref<64x16xf32, #tpu.memory_space<vmem>>, vector<16xf32>,
    %swap3A_9 = arith.constant 2 : i32
    %swap3A_10 = arith.index_cast %swap3A_9 : i32 to index
    %swap3A_11 = arith.constant 0 : index
    %swap3A_12 = tpu.vector_load %arg11[%swap3A_10, %swap3A_11] {strides = array<i32>} : memref<64x16xf32, #tpu.memory_space<vmem>>, vector<16xf32>,
    tpu.vector_store %arg11[%swap3A_10, %swap3A_11], %broadcast_in_dim3A_1 {strides = array<i32>} : memref<64x16xf32, #tpu.memory_space<vmem>>, vector<16xf32>,
    %swap3A_13 = arith.constant 3 : i32
    %swap3A_14 = arith.index_cast %swap3A_13 : i32 to index
    %swap3A_15 = arith.constant 0 : index
    %swap3A_16 = tpu.vector_load %arg11[%swap3A_14, %swap3A_15] {strides = array<i32>} : memref<64x16xf32, #tpu.memory_space<vmem>>, vector<16xf32>,
    tpu.vector_store %arg11[%swap3A_14, %swap3A_15], %broadcast_in_dim3A_1 {strides = array<i32>} : memref<64x16xf32, #tpu.memory_space<vmem>>, vector<16xf32>,
    %swap3A_17 = arith.constant 4 : i32
    %swap3A_18 = arith.index_cast %swap3A_17 : i32 to index
    %swap3A_19 = arith.constant 0 : index
    %swap3A_20 = tpu.vector_load %arg11[%swap3A_18, %swap3A_19] {strides = array<i32>} : memref<64x16xf32, #tpu.memory_space<vmem>>, vector<16xf32>,
    tpu.vector_store %arg11[%swap3A_18, %swap3A_19], %broadcast_in_dim3A_1 {strides = array<i32>} : memref<64x16xf32, #tpu.memory_space<vmem>>, vector<16xf32>,
    %swap3A_21 = arith.constant 5 : i32
    %swap3A_22 = arith.index_cast %swap3A_21 : i32 to index
    %swap3A_23 = arith.constant 0 : index
    %swap3A_24 = tpu.vector_load %arg11[%swap3A_22, %swap3A_23] {strides = array<i32>} : memref<64x16xf32, #tpu.memory_space<vmem>>, vector<16xf32>,
    tpu.vector_store %arg11[%swap3A_22, %swap3A_23], %broadcast_in_dim3A_1 {strides = array<i32>} : memref<64x16xf32, #tpu.memory_space<vmem>>, vector<16xf32>,
    %swap3A_25 = arith.constant 6 : i32
    %swap3A_26 = arith.index_cast %swap3A_25 : i32 to index
    %swap3A_27 = arith.constant 0 : index
    %swap3A_28 = tpu.vector_load %arg11[%swap3A_26, %swap3A_27] {strides = array<i32>} : memref<64x16xf32, #tpu.memory_space<vmem>>, vector<16xf32>,
    tpu.vector_store %arg11[%swap3A_26, %swap3A_27], %broadcast_in_dim3A_1 {strides = array<i32>} : memref<64x16xf32, #tpu.memory_space<vmem>>, vector<16xf32>,
    %swap3A_29 = arith.constant 7 : i32
    %swap3A_30 = arith.index_cast %swap3A_29 : i32 to index
    %swap3A_31 = arith.constant 0 : index
    %swap3A_32 = tpu.vector_load %arg11[%swap3A_30, %swap3A_31] {strides = array<i32>} : memref<64x16xf32, #tpu.memory_space<vmem>>, vector<16xf32>,
    tpu.vector_store %arg11[%swap3A_30, %swap3A_31], %broadcast_in_dim3A_1 {strides = array<i32>} : memref<64x16xf32, #tpu.memory_space<vmem>>, vector<16xf32>,
    %swap3A_33 = arith.constant 8 : i32
    %swap3A_34 = arith.index_cast %swap3A_33 : i32 to index
    %swap3A_35 = arith.constant 0 : index
    %swap3A_36 = tpu.vector_load %arg11[%swap3A_34, %swap3A_35] {strides = array<i32>} : memref<64x16xf32, #tpu.memory_space<vmem>>, vector<16xf32>,
    tpu.vector_store %arg11[%swap3A_34, %swap3A_35], %broadcast_in_dim3A_1 {strides = array<i32>} : memref<64x16xf32, #tpu.memory_space<vmem>>, vector<16xf32>,
    %swap3A_37 = arith.constant 9 : i32
    %swap3A_38 = arith.index_cast %swap3A_37 : i32 to index
    %swap3A_39 = arith.constant 0 : index
    %swap3A_40 = tpu.vector_load %arg11[%swap3A_38, %swap3A_39] {strides = array<i32>} : memref<64x16xf32, #tpu.memory_space<vmem>>, vector<16xf32>,
    tpu.vector_store %arg11[%swap3A_38, %swap3A_39], %broadcast_in_dim3A_1 {strides = array<i32>} : memref<64x16xf32, #tpu.memory_space<vmem>>, vector<16xf32>,
    %swap3A_41 = arith.constant 10 : i32
    %swap3A_42 = arith.index_cast %swap3A_41 : i32 to index
    %swap3A_43 = arith.constant 0 : index
    %swap3A_44 = tpu.vector_load %arg11[%swap3A_42, %swap3A_43] {strides = array<i32>} : memref<64x16xf32, #tpu.memory_space<vmem>>, vector<16xf32>,
    tpu.vector_store %arg11[%swap3A_42, %swap3A_43], %broadcast_in_dim3A_1 {strides = array<i32>} : memref<64x16xf32, #tpu.memory_space<vmem>>, vector<16xf32>,
    %swap3A_45 = arith.constant 11 : i32
    %swap3A_46 = arith.index_cast %swap3A_45 : i32 to index
    %swap3A_47 = arith.constant 0 : index
    %swap3A_48 = tpu.vector_load %arg11[%swap3A_46, %swap3A_47] {strides = array<i32>} : memref<64x16xf32, #tpu.memory_space<vmem>>, vector<16xf32>,
    tpu.vector_store %arg11[%swap3A_46, %swap3A_47], %broadcast_in_dim3A_1 {strides = array<i32>} : memref<64x16xf32, #tpu.memory_space<vmem>>, vector<16xf32>,
    %swap3A_49 = arith.constant 12 : i32
    %swap3A_50 = arith.index_cast %swap3A_49 : i32 to index
    %swap3A_51 = arith.constant 0 : index
    %swap3A_52 = tpu.vector_load %arg11[%swap3A_50, %swap3A_51] {strides = array<i32>} : memref<64x16xf32, #tpu.memory_space<vmem>>, vector<16xf32>,
    tpu.vector_store %arg11[%swap3A_50, %swap3A_51], %broadcast_in_dim3A_1 {strides = array<i32>} : memref<64x16xf32, #tpu.memory_space<vmem>>, vector<16xf32>,
    %swap3A_53 = arith.constant 13 : i32
    %swap3A_54 = arith.index_cast %swap3A_53 : i32 to index
    %swap3A_55 = arith.constant 0 : index
    %swap3A_56 = tpu.vector_load %arg11[%swap3A_54, %swap3A_55] {strides = array<i32>} : memref<64x16xf32, #tpu.memory_space<vmem>>, vector<16xf32>,
    tpu.vector_store %arg11[%swap3A_54, %swap3A_55], %broadcast_in_dim3A_1 {strides = array<i32>} : memref<64x16xf32, #tpu.memory_space<vmem>>, vector<16xf32>,
    %swap3A_57 = arith.constant 14 : i32
    %swap3A_58 = arith.index_cast %swap3A_57 : i32 to index
    %swap3A_59 = arith.constant 0 : index
    %swap3A_60 = tpu.vector_load %arg11[%swap3A_58, %swap3A_59] {strides = array<i32>} : memref<64x16xf32, #tpu.memory_space<vmem>>, vector<16xf32>,
    tpu.vector_store %arg11[%swap3A_58, %swap3A_59], %broadcast_in_dim3A_1 {strides = array<i32>} : memref<64x16xf32, #tpu.memory_space<vmem>>, vector<16xf32>,
    %swap3A_61 = arith.constant 15 : i32
    %swap3A_62 = arith.index_cast %swap3A_61 : i32 to index
    %swap3A_63 = arith.constant 0 : index
    %swap3A_64 = tpu.vector_load %arg11[%swap3A_62, %swap3A_63] {strides = array<i32>} : memref<64x16xf32, #tpu.memory_space<vmem>>, vector<16xf32>,
    tpu.vector_store %arg11[%swap3A_62, %swap3A_63], %broadcast_in_dim3A_1 {strides = array<i32>} : memref<64x16xf32, #tpu.memory_space<vmem>>, vector<16xf32>,
    %swap3A_65 = arith.constant 16 : i32
    %swap3A_66 = arith.index_cast %swap3A_65 : i32 to index
    %swap3A_67 = arith.constant 0 : index
    %swap3A_68 = tpu.vector_load %arg11[%swap3A_66, %swap3A_67] {strides = array<i32>} : memref<64x16xf32, #tpu.memory_space<vmem>>, vector<16xf32>,
    tpu.vector_store %arg11[%swap3A_66, %swap3A_67], %broadcast_in_dim3A_1 {strides = array<i32>} : memref<64x16xf32, #tpu.memory_space<vmem>>, vector<16xf32>,
    %swap3A_69 = arith.constant 17 : i32
    %swap3A_70 = arith.index_cast %swap3A_69 : i32 to index
    %swap3A_71 = arith.constant 0 : index
    %swap3A_72 = tpu.vector_load %arg11[%swap3A_70, %swap3A_71] {strides = array<i32>} : memref<64x16xf32, #tpu.memory_space<vmem>>, vector<16xf32>,
    tpu.vector_store %arg11[%swap3A_70, %swap3A_71], %broadcast_in_dim3A_1 {strides = array<i32>} : memref<64x16xf32, #tpu.memory_space<vmem>>, vector<16xf32>,
    %swap3A_73 = arith.constant 18 : i32
    %swap3A_74 = arith.index_cast %swap3A_73 : i32 to index
    %swap3A_75 = arith.constant 0 : index
    %swap3A_76 = tpu.vector_load %arg11[%swap3A_74, %swap3A_75] {strides = array<i32>} : memref<64x16xf32, #tpu.memory_space<vmem>>, vector<16xf32>,
    tpu.vector_store %arg11[%swap3A_74, %swap3A_75], %broadcast_in_dim3A_1 {strides = array<i32>} : memref<64x16xf32, #tpu.memory_space<vmem>>, vector<16xf32>,
    %swap3A_77 = arith.constant 19 : i32
    %swap3A_78 = arith.index_cast %swap3A_77 : i32 to index
    %swap3A_79 = arith.constant 0 : index
    %swap3A_80 = tpu.vector_load %arg11[%swap3A_78, %swap3A_79] {strides = array<i32>} : memref<64x16xf32, #tpu.memory_space<vmem>>, vector<16xf32>,
    tpu.vector_store %arg11[%swap3A_78, %swap3A_79], %broadcast_in_dim3A_1 {strides = array<i32>} : memref<64x16xf32, #tpu.memory_space<vmem>>, vector<16xf32>,
    %swap3A_81 = arith.constant 20 : i32
    %swap3A_82 = arith.index_cast %swap3A_81 : i32 to index
    %swap3A_83 = arith.constant 0 : index
    %swap3A_84 = tpu.vector_load %arg11[%swap3A_82, %swap3A_83] {strides = array<i32>} : memref<64x16xf32, #tpu.memory_space<vmem>>, vector<16xf32>,
    tpu.vector_store %arg11[%swap3A_82, %swap3A_83], %broadcast_in_dim3A_1 {strides = array<i32>} : memref<64x16xf32, #tpu.memory_space<vmem>>, vector<16xf32>,
    %swap3A_85 = arith.constant 21 : i32
    %swap3A_86 = arith.index_cast %swap3A_85 : i32 to index
    %swap3A_87 = arith.constant 0 : index
    %swap3A_88 = tpu.vector_load %arg11[%swap3A_86, %swap3A_87] {strides = array<i32>} : memref<64x16xf32, #tpu.memory_space<vmem>>, vector<16xf32>,
    tpu.vector_store %arg11[%swap3A_86, %swap3A_87], %broadcast_in_dim3A_1 {strides = array<i32>} : memref<64x16xf32, #tpu.memory_space<vmem>>, vector<16xf32>,
    %swap3A_89 = arith.constant 22 : i32
    %swap3A_90 = arith.index_cast %swap3A_89 : i32 to index
    %swap3A_91 = arith.constant 0 : index
    %swap3A_92 = tpu.vector_load %arg11[%swap3A_90, %swap3A_91] {strides = array<i32>} : memref<64x16xf32, #tpu.memory_space<vmem>>, vector<16xf32>,
    tpu.vector_store %arg11[%swap3A_90, %swap3A_91], %broadcast_in_dim3A_1 {strides = array<i32>} : memref<64x16xf32, #tpu.memory_space<vmem>>, vector<16xf32>,
    %swap3A_93 = arith.constant 23 : i32
    %swap3A_94 = arith.index_cast %swap3A_93 : i32 to index
    %swap3A_95 = arith.constant 0 : index
    %swap3A_96 = tpu.vector_load %arg11[%swap3A_94, %swap3A_95] {strides = array<i32>} : memref<64x16xf32, #tpu.memory_space<vmem>>, vector<16xf32>,
    tpu.vector_store %arg11[%swap3A_94, %swap3A_95], %broadcast_in_dim3A_1 {strides = array<i32>} : memref<64x16xf32, #tpu.memory_space<vmem>>, vector<16xf32>,
    %swap3A_97 = arith.constant 24 : i32
    %swap3A_98 = arith.index_cast %swap3A_97 : i32 to index
    %swap3A_99 = arith.constant 0 : index
    %swap3A_100 = tpu.vector_load %arg11[%swap3A_98, %swap3A_99] {strides = array<i32>} : memref<64x16xf32, #tpu.memory_space<vmem>>, vector<16xf32>,
    tpu.vector_store %arg11[%swap3A_98, %swap3A_99], %broadcast_in_dim3A_1 {strides = array<i32>} : memref<64x16xf32, #tpu.memory_space<vmem>>, vector<16xf32>,
    %swap3A_101 = arith.constant 25 : i32
    %swap3A_102 = arith.index_cast %swap3A_101 : i32 to index
    %swap3A_103 = arith.constant 0 : index
    %swap3A_104 = tpu.vector_load %arg11[%swap3A_102, %swap3A_103] {strides = array<i32>} : memref<64x16xf32, #tpu.memory_space<vmem>>, vector<16xf32>,
    tpu.vector_store %arg11[%swap3A_102, %swap3A_103], %broadcast_in_dim3A_1 {strides = array<i32>} : memref<64x16xf32, #tpu.memory_space<vmem>>, vector<16xf32>,
    %swap3A_105 = arith.constant 26 : i32
    %swap3A_106 = arith.index_cast %swap3A_105 : i32 to index
    %swap3A_107 = arith.constant 0 : index
    %swap3A_108 = tpu.vector_load %arg11[%swap3A_106, %swap3A_107] {strides = array<i32>} : memref<64x16xf32, #tpu.memory_space<vmem>>, vector<16xf32>,
    tpu.vector_store %arg11[%swap3A_106, %swap3A_107], %broadcast_in_dim3A_1 {strides = array<i32>} : memref<64x16xf32, #tpu.memory_space<vmem>>, vector<16xf32>,
    %swap3A_109 = arith.constant 27 : i32
    %swap3A_110 = arith.index_cast %swap3A_109 : i32 to index
    %swap3A_111 = arith.constant 0 : index
    %swap3A_112 = tpu.vector_load %arg11[%swap3A_110, %swap3A_111] {strides = array<i32>} : memref<64x16xf32, #tpu.memory_space<vmem>>, vector<16xf32>,
    tpu.vector_store %arg11[%swap3A_110, %swap3A_111], %broadcast_in_dim3A_1 {strides = array<i32>} : memref<64x16xf32, #tpu.memory_space<vmem>>, vector<16xf32>,
    %swap3A_113 = arith.constant 28 : i32
    %swap3A_114 = arith.index_cast %swap3A_113 : i32 to index
    %swap3A_115 = arith.constant 0 : index
    %swap3A_116 = tpu.vector_load %arg11[%swap3A_114, %swap3A_115] {strides = array<i32>} : memref<64x16xf32, #tpu.memory_space<vmem>>, vector<16xf32>,
    tpu.vector_store %arg11[%swap3A_114, %swap3A_115], %broadcast_in_dim3A_1 {strides = array<i32>} : memref<64x16xf32, #tpu.memory_space<vmem>>, vector<16xf32>,
    %swap3A_117 = arith.constant 29 : i32
    %swap3A_118 = arith.index_cast %swap3A_117 : i32 to index
    %swap3A_119 = arith.constant 0 : index
    %swap3A_120 = tpu.vector_load %arg11[%swap3A_118, %swap3A_119] {strides = array<i32>} : memref<64x16xf32, #tpu.memory_space<vmem>>, vector<16xf32>,
    tpu.vector_store %arg11[%swap3A_118, %swap3A_119], %broadcast_in_dim3A_1 {strides = array<i32>} : memref<64x16xf32, #tpu.memory_space<vmem>>, vector<16xf32>,
    %swap3A_121 = arith.constant 30 : i32
    %swap3A_122 = arith.index_cast %swap3A_121 : i32 to index
    %swap3A_123 = arith.constant 0 : index
    %swap3A_124 = tpu.vector_load %arg11[%swap3A_122, %swap3A_123] {strides = array<i32>} : memref<64x16xf32, #tpu.memory_space<vmem>>, vector<16xf32>,
    tpu.vector_store %arg11[%swap3A_122, %swap3A_123], %broadcast_in_dim3A_1 {strides = array<i32>} : memref<64x16xf32, #tpu.memory_space<vmem>>, vector<16xf32>,
    %swap3A_125 = arith.constant 31 : i32
    %swap3A_126 = arith.index_cast %swap3A_125 : i32 to index
    %swap3A_127 = arith.constant 0 : index
    %swap3A_128 = tpu.vector_load %arg11[%swap3A_126, %swap3A_127] {strides = array<i32>} : memref<64x16xf32, #tpu.memory_space<vmem>>, vector<16xf32>,
    tpu.vector_store %arg11[%swap3A_126, %swap3A_127], %broadcast_in_dim3A_1 {strides = array<i32>} : memref<64x16xf32, #tpu.memory_space<vmem>>, vector<16xf32>,
    %swap3A_129 = arith.constant 32 : i32
    %swap3A_130 = arith.index_cast %swap3A_129 : i32 to index
    %swap3A_131 = arith.constant 0 : index
    %swap3A_132 = tpu.vector_load %arg11[%swap3A_130, %swap3A_131] {strides = array<i32>} : memref<64x16xf32, #tpu.memory_space<vmem>>, vector<16xf32>,
    tpu.vector_store %arg11[%swap3A_130, %swap3A_131], %broadcast_in_dim3A_1 {strides = array<i32>} : memref<64x16xf32, #tpu.memory_space<vmem>>, vector<16xf32>,
    %swap3A_133 = arith.constant 33 : i32
    %swap3A_134 = arith.index_cast %swap3A_133 : i32 to index
    %swap3A_135 = arith.constant 0 : index
    %swap3A_136 = tpu.vector_load %arg11[%swap3A_134, %swap3A_135] {strides = array<i32>} : memref<64x16xf32, #tpu.memory_space<vmem>>, vector<16xf32>,
    tpu.vector_store %arg11[%swap3A_134, %swap3A_135], %broadcast_in_dim3A_1 {strides = array<i32>} : memref<64x16xf32, #tpu.memory_space<vmem>>, vector<16xf32>,
    %swap3A_137 = arith.constant 34 : i32
    %swap3A_138 = arith.index_cast %swap3A_137 : i32 to index
    %swap3A_139 = arith.constant 0 : index
    %swap3A_140 = tpu.vector_load %arg11[%swap3A_138, %swap3A_139] {strides = array<i32>} : memref<64x16xf32, #tpu.memory_space<vmem>>, vector<16xf32>,
    tpu.vector_store %arg11[%swap3A_138, %swap3A_139], %broadcast_in_dim3A_1 {strides = array<i32>} : memref<64x16xf32, #tpu.memory_space<vmem>>, vector<16xf32>,
    %swap3A_141 = arith.constant 35 : i32
    %swap3A_142 = arith.index_cast %swap3A_141 : i32 to index
    %swap3A_143 = arith.constant 0 : index
    %swap3A_144 = tpu.vector_load %arg11[%swap3A_142, %swap3A_143] {strides = array<i32>} : memref<64x16xf32, #tpu.memory_space<vmem>>, vector<16xf32>,
    tpu.vector_store %arg11[%swap3A_142, %swap3A_143], %broadcast_in_dim3A_1 {strides = array<i32>} : memref<64x16xf32, #tpu.memory_space<vmem>>, vector<16xf32>,
    %swap3A_145 = arith.constant 36 : i32
    %swap3A_146 = arith.index_cast %swap3A_145 : i32 to index
    %swap3A_147 = arith.constant 0 : index
    %swap3A_148 = tpu.vector_load %arg11[%swap3A_146, %swap3A_147] {strides = array<i32>} : memref<64x16xf32, #tpu.memory_space<vmem>>, vector<16xf32>,
    tpu.vector_store %arg11[%swap3A_146, %swap3A_147], %broadcast_in_dim3A_1 {strides = array<i32>} : memref<64x16xf32, #tpu.memory_space<vmem>>, vector<16xf32>,
    %swap3A_149 = arith.constant 37 : i32
    %swap3A_150 = arith.index_cast %swap3A_149 : i32 to index
    %swap3A_151 = arith.constant 0 : index
    %swap3A_152 = tpu.vector_load %arg11[%swap3A_150, %swap3A_151] {strides = array<i32>} : memref<64x16xf32, #tpu.memory_space<vmem>>, vector<16xf32>,
    tpu.vector_store %arg11[%swap3A_150, %swap3A_151], %broadcast_in_dim3A_1 {strides = array<i32>} : memref<64x16xf32, #tpu.memory_space<vmem>>, vector<16xf32>,
    %swap3A_153 = arith.constant 38 : i32
    %swap3A_154 = arith.index_cast %swap3A_153 : i32 to index
    %swap3A_155 = arith.constant 0 : index
    %swap3A_156 = tpu.vector_load %arg11[%swap3A_154, %swap3A_155] {strides = array<i32>} : memref<64x16xf32, #tpu.memory_space<vmem>>, vector<16xf32>,
    tpu.vector_store %arg11[%swap3A_154, %swap3A_155], %broadcast_in_dim3A_1 {strides = array<i32>} : memref<64x16xf32, #tpu.memory_space<vmem>>, vector<16xf32>,
    %swap3A_157 = arith.constant 39 : i32
    %swap3A_158 = arith.index_cast %swap3A_157 : i32 to index
    %swap3A_159 = arith.constant 0 : index
    %swap3A_160 = tpu.vector_load %arg11[%swap3A_158, %swap3A_159] {strides = array<i32>} : memref<64x16xf32, #tpu.memory_space<vmem>>, vector<16xf32>,
    tpu.vector_store %arg11[%swap3A_158, %swap3A_159], %broadcast_in_dim3A_1 {strides = array<i32>} : memref<64x16xf32, #tpu.memory_space<vmem>>, vector<16xf32>,
    %swap3A_161 = arith.constant 40 : i32
    %swap3A_162 = arith.index_cast %swap3A_161 : i32 to index
    %swap3A_163 = arith.constant 0 : index
    %swap3A_164 = tpu.vector_load %arg11[%swap3A_162, %swap3A_163] {strides = array<i32>} : memref<64x16xf32, #tpu.memory_space<vmem>>, vector<16xf32>,
    tpu.vector_store %arg11[%swap3A_162, %swap3A_163], %broadcast_in_dim3A_1 {strides = array<i32>} : memref<64x16xf32, #tpu.memory_space<vmem>>, vector<16xf32>,
    %swap3A_165 = arith.constant 41 : i32
    %swap3A_166 = arith.index_cast %swap3A_165 : i32 to index
    %swap3A_167 = arith.constant 0 : index
    %swap3A_168 = tpu.vector_load %arg11[%swap3A_166, %swap3A_167] {strides = array<i32>} : memref<64x16xf32, #tpu.memory_space<vmem>>, vector<16xf32>,
    tpu.vector_store %arg11[%swap3A_166, %swap3A_167], %broadcast_in_dim3A_1 {strides = array<i32>} : memref<64x16xf32, #tpu.memory_space<vmem>>, vector<16xf32>,
    %swap3A_169 = arith.constant 42 : i32
    %swap3A_170 = arith.index_cast %swap3A_169 : i32 to index
    %swap3A_171 = arith.constant 0 : index
    %swap3A_172 = tpu.vector_load %arg11[%swap3A_170, %swap3A_171] {strides = array<i32>} : memref<64x16xf32, #tpu.memory_space<vmem>>, vector<16xf32>,
    tpu.vector_store %arg11[%swap3A_170, %swap3A_171], %broadcast_in_dim3A_1 {strides = array<i32>} : memref<64x16xf32, #tpu.memory_space<vmem>>, vector<16xf32>,
    %swap3A_173 = arith.constant 43 : i32
    %swap3A_174 = arith.index_cast %swap3A_173 : i32 to index
    %swap3A_175 = arith.constant 0 : index
    %swap3A_176 = tpu.vector_load %arg11[%swap3A_174, %swap3A_175] {strides = array<i32>} : memref<64x16xf32, #tpu.memory_space<vmem>>, vector<16xf32>,
    tpu.vector_store %arg11[%swap3A_174, %swap3A_175], %broadcast_in_dim3A_1 {strides = array<i32>} : memref<64x16xf32, #tpu.memory_space<vmem>>, vector<16xf32>,
    %swap3A_177 = arith.constant 44 : i32
    %swap3A_178 = arith.index_cast %swap3A_177 : i32 to index
    %swap3A_179 = arith.constant 0 : index
    %swap3A_180 = tpu.vector_load %arg11[%swap3A_178, %swap3A_179] {strides = array<i32>} : memref<64x16xf32, #tpu.memory_space<vmem>>, vector<16xf32>,
    tpu.vector_store %arg11[%swap3A_178, %swap3A_179], %broadcast_in_dim3A_1 {strides = array<i32>} : memref<64x16xf32, #tpu.memory_space<vmem>>, vector<16xf32>,
    %swap3A_181 = arith.constant 45 : i32
    %swap3A_182 = arith.index_cast %swap3A_181 : i32 to index
    %swap3A_183 = arith.constant 0 : index
    %swap3A_184 = tpu.vector_load %arg11[%swap3A_182, %swap3A_183] {strides = array<i32>} : memref<64x16xf32, #tpu.memory_space<vmem>>, vector<16xf32>,
    tpu.vector_store %arg11[%swap3A_182, %swap3A_183], %broadcast_in_dim3A_1 {strides = array<i32>} : memref<64x16xf32, #tpu.memory_space<vmem>>, vector<16xf32>,
    %swap3A_185 = arith.constant 46 : i32
    %swap3A_186 = arith.index_cast %swap3A_185 : i32 to index
    %swap3A_187 = arith.constant 0 : index
    %swap3A_188 = tpu.vector_load %arg11[%swap3A_186, %swap3A_187] {strides = array<i32>} : memref<64x16xf32, #tpu.memory_space<vmem>>, vector<16xf32>,
    tpu.vector_store %arg11[%swap3A_186, %swap3A_187], %broadcast_in_dim3A_1 {strides = array<i32>} : memref<64x16xf32, #tpu.memory_space<vmem>>, vector<16xf32>,
    %swap3A_189 = arith.constant 47 : i32
    %swap3A_190 = arith.index_cast %swap3A_189 : i32 to index
    %swap3A_191 = arith.constant 0 : index
    %swap3A_192 = tpu.vector_load %arg11[%swap3A_190, %swap3A_191] {strides = array<i32>} : memref<64x16xf32, #tpu.memory_space<vmem>>, vector<16xf32>,
    tpu.vector_store %arg11[%swap3A_190, %swap3A_191], %broadcast_in_dim3A_1 {strides = array<i32>} : memref<64x16xf32, #tpu.memory_space<vmem>>, vector<16xf32>,
    %swap3A_193 = arith.constant 48 : i32
    %swap3A_194 = arith.index_cast %swap3A_193 : i32 to index
    %swap3A_195 = arith.constant 0 : index
    %swap3A_196 = tpu.vector_load %arg11[%swap3A_194, %swap3A_195] {strides = array<i32>} : memref<64x16xf32, #tpu.memory_space<vmem>>, vector<16xf32>,
    tpu.vector_store %arg11[%swap3A_194, %swap3A_195], %broadcast_in_dim3A_1 {strides = array<i32>} : memref<64x16xf32, #tpu.memory_space<vmem>>, vector<16xf32>,
    %swap3A_197 = arith.constant 49 : i32
    %swap3A_198 = arith.index_cast %swap3A_197 : i32 to index
    %swap3A_199 = arith.constant 0 : index
    %swap3A_200 = tpu.vector_load %arg11[%swap3A_198, %swap3A_199] {strides = array<i32>} : memref<64x16xf32, #tpu.memory_space<vmem>>, vector<16xf32>,
    tpu.vector_store %arg11[%swap3A_198, %swap3A_199], %broadcast_in_dim3A_1 {strides = array<i32>} : memref<64x16xf32, #tpu.memory_space<vmem>>, vector<16xf32>,
    %swap3A_201 = arith.constant 50 : i32
    %swap3A_202 = arith.index_cast %swap3A_201 : i32 to index
    %swap3A_203 = arith.constant 0 : index
    %swap3A_204 = tpu.vector_load %arg11[%swap3A_202, %swap3A_203] {strides = array<i32>} : memref<64x16xf32, #tpu.memory_space<vmem>>, vector<16xf32>,
    tpu.vector_store %arg11[%swap3A_202, %swap3A_203], %broadcast_in_dim3A_1 {strides = array<i32>} : memref<64x16xf32, #tpu.memory_space<vmem>>, vector<16xf32>,
    %swap3A_205 = arith.constant 51 : i32
    %swap3A_206 = arith.index_cast %swap3A_205 : i32 to index
    %swap3A_207 = arith.constant 0 : index
    %swap3A_208 = tpu.vector_load %arg11[%swap3A_206, %swap3A_207] {strides = array<i32>} : memref<64x16xf32, #tpu.memory_space<vmem>>, vector<16xf32>,
    tpu.vector_store %arg11[%swap3A_206, %swap3A_207], %broadcast_in_dim3A_1 {strides = array<i32>} : memref<64x16xf32, #tpu.memory_space<vmem>>, vector<16xf32>,
    %swap3A_209 = arith.constant 52 : i32
    %swap3A_210 = arith.index_cast %swap3A_209 : i32 to index
    %swap3A_211 = arith.constant 0 : index
    %swap3A_212 = tpu.vector_load %arg11[%swap3A_210, %swap3A_211] {strides = array<i32>} : memref<64x16xf32, #tpu.memory_space<vmem>>, vector<16xf32>,
    tpu.vector_store %arg11[%swap3A_210, %swap3A_211], %broadcast_in_dim3A_1 {strides = array<i32>} : memref<64x16xf32, #tpu.memory_space<vmem>>, vector<16xf32>,
    %swap3A_213 = arith.constant 53 : i32
    %swap3A_214 = arith.index_cast %swap3A_213 : i32 to index
    %swap3A_215 = arith.constant 0 : index
    %swap3A_216 = tpu.vector_load %arg11[%swap3A_214, %swap3A_215] {strides = array<i32>} : memref<64x16xf32, #tpu.memory_space<vmem>>, vector<16xf32>,
    tpu.vector_store %arg11[%swap3A_214, %swap3A_215], %broadcast_in_dim3A_1 {strides = array<i32>} : memref<64x16xf32, #tpu.memory_space<vmem>>, vector<16xf32>,
    %swap3A_217 = arith.constant 54 : i32
    %swap3A_218 = arith.index_cast %swap3A_217 : i32 to index
    %swap3A_219 = arith.constant 0 : index
    %swap3A_220 = tpu.vector_load %arg11[%swap3A_218, %swap3A_219] {strides = array<i32>} : memref<64x16xf32, #tpu.memory_space<vmem>>, vector<16xf32>,
    tpu.vector_store %arg11[%swap3A_218, %swap3A_219], %broadcast_in_dim3A_1 {strides = array<i32>} : memref<64x16xf32, #tpu.memory_space<vmem>>, vector<16xf32>,
    %swap3A_221 = arith.constant 55 : i32
    %swap3A_222 = arith.index_cast %swap3A_221 : i32 to index
    %swap3A_223 = arith.constant 0 : index
    %swap3A_224 = tpu.vector_load %arg11[%swap3A_222, %swap3A_223] {strides = array<i32>} : memref<64x16xf32, #tpu.memory_space<vmem>>, vector<16xf32>,
    tpu.vector_store %arg11[%swap3A_222, %swap3A_223], %broadcast_in_dim3A_1 {strides = array<i32>} : memref<64x16xf32, #tpu.memory_space<vmem>>, vector<16xf32>,
    %swap3A_225 = arith.constant 56 : i32
    %swap3A_226 = arith.index_cast %swap3A_225 : i32 to index
    %swap3A_227 = arith.constant 0 : index
    %swap3A_228 = tpu.vector_load %arg11[%swap3A_226, %swap3A_227] {strides = array<i32>} : memref<64x16xf32, #tpu.memory_space<vmem>>, vector<16xf32>,
    tpu.vector_store %arg11[%swap3A_226, %swap3A_227], %broadcast_in_dim3A_1 {strides = array<i32>} : memref<64x16xf32, #tpu.memory_space<vmem>>, vector<16xf32>,
    %swap3A_229 = arith.constant 57 : i32
    %swap3A_230 = arith.index_cast %swap3A_229 : i32 to index
    %swap3A_231 = arith.constant 0 : index
    %swap3A_232 = tpu.vector_load %arg11[%swap3A_230, %swap3A_231] {strides = array<i32>} : memref<64x16xf32, #tpu.memory_space<vmem>>, vector<16xf32>,
    tpu.vector_store %arg11[%swap3A_230, %swap3A_231], %broadcast_in_dim3A_1 {strides = array<i32>} : memref<64x16xf32, #tpu.memory_space<vmem>>, vector<16xf32>,
    %swap3A_233 = arith.constant 58 : i32
    %swap3A_234 = arith.index_cast %swap3A_233 : i32 to index
    %swap3A_235 = arith.constant 0 : index
    %swap3A_236 = tpu.vector_load %arg11[%swap3A_234, %swap3A_235] {strides = array<i32>} : memref<64x16xf32, #tpu.memory_space<vmem>>, vector<16xf32>,
    tpu.vector_store %arg11[%swap3A_234, %swap3A_235], %broadcast_in_dim3A_1 {strides = array<i32>} : memref<64x16xf32, #tpu.memory_space<vmem>>, vector<16xf32>,
    %swap3A_237 = arith.constant 59 : i32
    %swap3A_238 = arith.index_cast %swap3A_237 : i32 to index
    %swap3A_239 = arith.constant 0 : index
    %swap3A_240 = tpu.vector_load %arg11[%swap3A_238, %swap3A_239] {strides = array<i32>} : memref<64x16xf32, #tpu.memory_space<vmem>>, vector<16xf32>,
    tpu.vector_store %arg11[%swap3A_238, %swap3A_239], %broadcast_in_dim3A_1 {strides = array<i32>} : memref<64x16xf32, #tpu.memory_space<vmem>>, vector<16xf32>,
    %swap3A_241 = arith.constant 60 : i32
    %swap3A_242 = arith.index_cast %swap3A_241 : i32 to index
    %swap3A_243 = arith.constant 0 : index
    %swap3A_244 = tpu.vector_load %arg11[%swap3A_242, %swap3A_243] {strides = array<i32>} : memref<64x16xf32, #tpu.memory_space<vmem>>, vector<16xf32>,
    tpu.vector_store %arg11[%swap3A_242, %swap3A_243], %broadcast_in_dim3A_1 {strides = array<i32>} : memref<64x16xf32, #tpu.memory_space<vmem>>, vector<16xf32>,
    %swap3A_245 = arith.constant 61 : i32
    %swap3A_246 = arith.index_cast %swap3A_245 : i32 to index
    %swap3A_247 = arith.constant 0 : index
    %swap3A_248 = tpu.vector_load %arg11[%swap3A_246, %swap3A_247] {strides = array<i32>} : memref<64x16xf32, #tpu.memory_space<vmem>>, vector<16xf32>,
    tpu.vector_store %arg11[%swap3A_246, %swap3A_247], %broadcast_in_dim3A_1 {strides = array<i32>} : memref<64x16xf32, #tpu.memory_space<vmem>>, vector<16xf32>,
    %swap3A_249 = arith.constant 62 : i32
    %swap3A_250 = arith.index_cast %swap3A_249 : i32 to index
    %swap3A_251 = arith.constant 0 : index
    %swap3A_252 = tpu.vector_load %arg11[%swap3A_250, %swap3A_251] {strides = array<i32>} : memref<64x16xf32, #tpu.memory_space<vmem>>, vector<16xf32>,
    tpu.vector_store %arg11[%swap3A_250, %swap3A_251], %broadcast_in_dim3A_1 {strides = array<i32>} : memref<64x16xf32, #tpu.memory_space<vmem>>, vector<16xf32>,
    %swap3A_253 = arith.constant 63 : i32
    %swap3A_254 = arith.index_cast %swap3A_253 : i32 to index
    %swap3A_255 = arith.constant 0 : index
    %swap3A_256 = tpu.vector_load %arg11[%swap3A_254, %swap3A_255] {strides = array<i32>} : memref<64x16xf32, #tpu.memory_space<vmem>>, vector<16xf32>,
    tpu.vector_store %arg11[%swap3A_254, %swap3A_255], %broadcast_in_dim3A_1 {strides = array<i32>} : memref<64x16xf32, #tpu.memory_space<vmem>>, vector<16xf32>,
    %get3A = arith.constant 0 : index
    %get3A_257 = tpu.vector_load %arg9[%get3A] {strides = array<i32>} : memref<96xf32, #tpu.memory_space<vmem>>, vector<16xf32>,
    %get3A_258 = arith.constant 16 : index
    %get3A_259 = tpu.vector_load %arg9[%get3A_258] {strides = array<i32>} : memref<96xf32, #tpu.memory_space<vmem>>, vector<16xf32>,
    %get3A_260 = arith.constant 32 : index
    %get3A_261 = tpu.vector_load %arg9[%get3A_260] {strides = array<i32>} : memref<96xf32, #tpu.memory_space<vmem>>, vector<16xf32>,
    %get3A_262 = arith.constant 48 : index
    %get3A_263 = tpu.vector_load %arg9[%get3A_262] {strides = array<i32>} : memref<96xf32, #tpu.memory_space<vmem>>, vector<16xf32>,
    %get3A_264 = arith.constant 64 : index
    %get3A_265 = tpu.vector_load %arg9[%get3A_264] {strides = array<i32>} : memref<96xf32, #tpu.memory_space<vmem>>, vector<16xf32>,
    %get3A_266 = arith.constant 80 : index
    %get3A_267 = tpu.vector_load %arg9[%get3A_266] {strides = array<i32>} : memref<96xf32, #tpu.memory_space<vmem>>, vector<16xf32>,
    %broadcast_in_dim3A_268 = arith.constant 0 : i32
    %broadcast_in_dim3A_269 = vector.broadcast %broadcast_in_dim3A_268 : i32 to vector<16xi32>
    %gather3A = tpu.vector_load_idx %arg8[%broadcast_in_dim3A_269] : memref<32xi32, #tpu.memory_space<vmem>>[vector<16xi32>], vector<16xi32>,
    %scan3A = arith.constant 0 : i32
    %scan3A_270 = arith.constant 32 : i32
    %scan3A_271 = arith.addi %scan3A, %scan3A_270 : i32
    %scan3A_272 = arith.constant 1 : i32
    %scan3A_273 = scf.for %scan3A_543 = %scan3A to %scan3A_271 step %scan3A_272 iter_args(%scan3A_544 = %gather3A) -> (vector<16xi32>)  : i32 {
      %broadcast_in_dim3A_545 = vector.broadcast %scan3A_543 : i32 to vector<16xi32>
      %gather3A_546 = tpu.vector_load_idx %arg8[%broadcast_in_dim3A_545] : memref<32xi32, #tpu.memory_space<vmem>>[vector<16xi32>], vector<16xi32>,
      %ne3A = arith.cmpi ne, %gather3A_546, %scan3A_544 : vector<16xi32>
      %reduce_or3A = arith.constant 1.000000e+00 : f32
      %reduce_or3A_547 = arith.constant 0.000000e+00 : f32
      %reduce_or3A_548 = vector.broadcast %reduce_or3A : f32 to vector<16xf32>
      %reduce_or3A_549 = vector.broadcast %reduce_or3A_547 : f32 to vector<16xf32>
      %reduce_or3A_550 = arith.select %ne3A, %reduce_or3A_548, %reduce_or3A_549 : vector<16xi1>, vector<16xf32>
      %reduce_or3A_551 = arith.constant true
      %reduce_or3A_552 = vector.broadcast %reduce_or3A_551 : i1 to vector<16xi1>
      %reduce_or3A_553 = tpu.scan <max>, %reduce_or3A_550 masked %reduce_or3A_552 : vector<16xf32>, vector<16xi1> -> vector<16xf32>
      %reduce_or3A_554 = vector.extract %reduce_or3A_553[15] : f32 from vector<16xf32>
      %reduce_or3A_555 = arith.constant 0.000000e+00 : f32
      %reduce_or3A_556 = arith.cmpf ogt, %reduce_or3A_554, %reduce_or3A_555 : f32
      %convert_element_type3A = arith.extui %reduce_or3A_556 : i1 to i32
      %cond3A = arith.constant 0 : i32
      %cond3A_557 = arith.cmpi ne, %convert_element_type3A, %cond3A : i32
      scf.if %cond3A_557 {
        %mul3A_1407 = arith.constant 129 : i32
        %mul3A_1408 = arith.muli %add3A, %mul3A_1407 : i32
        %reduce_max3A_1409 = arith.constant true
        %reduce_max3A_1410 = vector.broadcast %reduce_max3A_1409 : i1 to vector<16xi1>
        %reduce_max3A_1411 = arith.constant -2147483648 : i32
        %reduce_max3A_1412 = vector.broadcast %reduce_max3A_1411 : i32 to vector<16xi32>
        %reduce_max3A_1413 = arith.xori %scan3A_544, %reduce_max3A_1412 : vector<16xi32>
        %reduce_max3A_1414 = tpu.scan <max>, %reduce_max3A_1413 masked %reduce_max3A_1410 : vector<16xi32>, vector<16xi1> -> vector<16xi32>
        %reduce_max3A_1415 = arith.xori %reduce_max3A_1414, %reduce_max3A_1412 : vector<16xi32>
        %reduce_max3A_1416 = vector.extract %reduce_max3A_1415[15] : i32 from vector<16xi32>
        %add3A_1417 = arith.addi %mul3A_1408, %reduce_max3A_1416 : i32
        %mul3A_1418 = arith.constant 64 : i32
        %mul3A_1419 = arith.muli %add3A_1417, %mul3A_1418 : i32
        "tpu.region"() ({
          %run_scoped3A = tpu.sem_alloc : memref<!tpu.dma_semaphore, #tpu.memory_space<semaphore_mem>>
          %dma_start3A = arith.constant 0 : i32
          %dma_start3A_1676 = tpu.memref_slice %arg6[%mul3A_1419, %dma_start3A] : memref<264192x16xf32, #tpu.memory_space<hbm>> -> memref<64x16xf32, #tpu.memory_space<hbm>>
          %dma_start3A_1677 = arith.constant 0 : i32
          %dma_start3A_1678 = tpu.memref_slice %arg6[%mul3A_1419, %dma_start3A_1677] : memref<264192x16xf32, #tpu.memory_space<hbm>> -> memref<64x16xf32, #tpu.memory_space<hbm>>
          tpu.enqueue_dma source(%arg11 : memref<64x16xf32, #tpu.memory_space<vmem>>) target(%dma_start3A_1678 : memref<64x16xf32, #tpu.memory_space<hbm>>) target_semaphore(%run_scoped3A : memref<!tpu.dma_semaphore, #tpu.memory_space<semaphore_mem>>)
          %dma_wait3A = arith.constant 0 : i32
          %dma_wait3A_1679 = tpu.memref_slice %arg6[%mul3A_1419, %dma_wait3A] : memref<264192x16xf32, #tpu.memory_space<hbm>> -> memref<64x16xf32, #tpu.memory_space<hbm>>
          %dma_wait3A_1680 = arith.constant 0 : i32
          %dma_wait3A_1681 = tpu.memref_slice %arg6[%mul3A_1419, %dma_wait3A_1680] : memref<264192x16xf32, #tpu.memory_space<hbm>> -> memref<64x16xf32, #tpu.memory_space<hbm>>
          tpu.wait_dma2 semaphore(%run_scoped3A : memref<!tpu.dma_semaphore, #tpu.memory_space<semaphore_mem>>) src(%arg11 : memref<64x16xf32, #tpu.memory_space<vmem>>) dst(%dma_wait3A_1681 : memref<64x16xf32, #tpu.memory_space<hbm>>)
          tpu.yield
        }) : () -> ()
        %swap3A_1420 = arith.constant 0 : i32
        %swap3A_1421 = arith.index_cast %swap3A_1420 : i32 to index
        %swap3A_1422 = arith.constant 0 : index
        %swap3A_1423 = tpu.vector_load %arg11[%swap3A_1421, %swap3A_1422] {strides = array<i32>} : memref<64x16xf32, #tpu.memory_space<vmem>>, vector<16xf32>,
        tpu.vector_store %arg11[%swap3A_1421, %swap3A_1422], %broadcast_in_dim3A_1 {strides = array<i32>} : memref<64x16xf32, #tpu.memory_space<vmem>>, vector<16xf32>,
        %swap3A_1424 = arith.constant 1 : i32
        %swap3A_1425 = arith.index_cast %swap3A_1424 : i32 to index
        %swap3A_1426 = arith.constant 0 : index
        %swap3A_1427 = tpu.vector_load %arg11[%swap3A_1425, %swap3A_1426] {strides = array<i32>} : memref<64x16xf32, #tpu.memory_space<vmem>>, vector<16xf32>,
        tpu.vector_store %arg11[%swap3A_1425, %swap3A_1426], %broadcast_in_dim3A_1 {strides = array<i32>} : memref<64x16xf32, #tpu.memory_space<vmem>>, vector<16xf32>,
        %swap3A_1428 = arith.constant 2 : i32
        %swap3A_1429 = arith.index_cast %swap3A_1428 : i32 to index
        %swap3A_1430 = arith.constant 0 : index
        %swap3A_1431 = tpu.vector_load %arg11[%swap3A_1429, %swap3A_1430] {strides = array<i32>} : memref<64x16xf32, #tpu.memory_space<vmem>>, vector<16xf32>,
        tpu.vector_store %arg11[%swap3A_1429, %swap3A_1430], %broadcast_in_dim3A_1 {strides = array<i32>} : memref<64x16xf32, #tpu.memory_space<vmem>>, vector<16xf32>,
        %swap3A_1432 = arith.constant 3 : i32
        %swap3A_1433 = arith.index_cast %swap3A_1432 : i32 to index
        %swap3A_1434 = arith.constant 0 : index
        %swap3A_1435 = tpu.vector_load %arg11[%swap3A_1433, %swap3A_1434] {strides = array<i32>} : memref<64x16xf32, #tpu.memory_space<vmem>>, vector<16xf32>,
        tpu.vector_store %arg11[%swap3A_1433, %swap3A_1434], %broadcast_in_dim3A_1 {strides = array<i32>} : memref<64x16xf32, #tpu.memory_space<vmem>>, vector<16xf32>,
        %swap3A_1436 = arith.constant 4 : i32
        %swap3A_1437 = arith.index_cast %swap3A_1436 : i32 to index
        %swap3A_1438 = arith.constant 0 : index
        %swap3A_1439 = tpu.vector_load %arg11[%swap3A_1437, %swap3A_1438] {strides = array<i32>} : memref<64x16xf32, #tpu.memory_space<vmem>>, vector<16xf32>,
        tpu.vector_store %arg11[%swap3A_1437, %swap3A_1438], %broadcast_in_dim3A_1 {strides = array<i32>} : memref<64x16xf32, #tpu.memory_space<vmem>>, vector<16xf32>,
        %swap3A_1440 = arith.constant 5 : i32
        %swap3A_1441 = arith.index_cast %swap3A_1440 : i32 to index
        %swap3A_1442 = arith.constant 0 : index
        %swap3A_1443 = tpu.vector_load %arg11[%swap3A_1441, %swap3A_1442] {strides = array<i32>} : memref<64x16xf32, #tpu.memory_space<vmem>>, vector<16xf32>,
        tpu.vector_store %arg11[%swap3A_1441, %swap3A_1442], %broadcast_in_dim3A_1 {strides = array<i32>} : memref<64x16xf32, #tpu.memory_space<vmem>>, vector<16xf32>,
        %swap3A_1444 = arith.constant 6 : i32
        %swap3A_1445 = arith.index_cast %swap3A_1444 : i32 to index
        %swap3A_1446 = arith.constant 0 : index
        %swap3A_1447 = tpu.vector_load %arg11[%swap3A_1445, %swap3A_1446] {strides = array<i32>} : memref<64x16xf32, #tpu.memory_space<vmem>>, vector<16xf32>,
        tpu.vector_store %arg11[%swap3A_1445, %swap3A_1446], %broadcast_in_dim3A_1 {strides = array<i32>} : memref<64x16xf32, #tpu.memory_space<vmem>>, vector<16xf32>,
        %swap3A_1448 = arith.constant 7 : i32
        %swap3A_1449 = arith.index_cast %swap3A_1448 : i32 to index
        %swap3A_1450 = arith.constant 0 : index
        %swap3A_1451 = tpu.vector_load %arg11[%swap3A_1449, %swap3A_1450] {strides = array<i32>} : memref<64x16xf32, #tpu.memory_space<vmem>>, vector<16xf32>,
        tpu.vector_store %arg11[%swap3A_1449, %swap3A_1450], %broadcast_in_dim3A_1 {strides = array<i32>} : memref<64x16xf32, #tpu.memory_space<vmem>>, vector<16xf32>,
        %swap3A_1452 = arith.constant 8 : i32
        %swap3A_1453 = arith.index_cast %swap3A_1452 : i32 to index
        %swap3A_1454 = arith.constant 0 : index
        %swap3A_1455 = tpu.vector_load %arg11[%swap3A_1453, %swap3A_1454] {strides = array<i32>} : memref<64x16xf32, #tpu.memory_space<vmem>>, vector<16xf32>,
        tpu.vector_store %arg11[%swap3A_1453, %swap3A_1454], %broadcast_in_dim3A_1 {strides = array<i32>} : memref<64x16xf32, #tpu.memory_space<vmem>>, vector<16xf32>,
        %swap3A_1456 = arith.constant 9 : i32
        %swap3A_1457 = arith.index_cast %swap3A_1456 : i32 to index
        %swap3A_1458 = arith.constant 0 : index
        %swap3A_1459 = tpu.vector_load %arg11[%swap3A_1457, %swap3A_1458] {strides = array<i32>} : memref<64x16xf32, #tpu.memory_space<vmem>>, vector<16xf32>,
        tpu.vector_store %arg11[%swap3A_1457, %swap3A_1458], %broadcast_in_dim3A_1 {strides = array<i32>} : memref<64x16xf32, #tpu.memory_space<vmem>>, vector<16xf32>,
        %swap3A_1460 = arith.constant 10 : i32
        %swap3A_1461 = arith.index_cast %swap3A_1460 : i32 to index
        %swap3A_1462 = arith.constant 0 : index
        %swap3A_1463 = tpu.vector_load %arg11[%swap3A_1461, %swap3A_1462] {strides = array<i32>} : memref<64x16xf32, #tpu.memory_space<vmem>>, vector<16xf32>,
        tpu.vector_store %arg11[%swap3A_1461, %swap3A_1462], %broadcast_in_dim3A_1 {strides = array<i32>} : memref<64x16xf32, #tpu.memory_space<vmem>>, vector<16xf32>,
        %swap3A_1464 = arith.constant 11 : i32
        %swap3A_1465 = arith.index_cast %swap3A_1464 : i32 to index
        %swap3A_1466 = arith.constant 0 : index
        %swap3A_1467 = tpu.vector_load %arg11[%swap3A_1465, %swap3A_1466] {strides = array<i32>} : memref<64x16xf32, #tpu.memory_space<vmem>>, vector<16xf32>,
        tpu.vector_store %arg11[%swap3A_1465, %swap3A_1466], %broadcast_in_dim3A_1 {strides = array<i32>} : memref<64x16xf32, #tpu.memory_space<vmem>>, vector<16xf32>,
        %swap3A_1468 = arith.constant 12 : i32
        %swap3A_1469 = arith.index_cast %swap3A_1468 : i32 to index
        %swap3A_1470 = arith.constant 0 : index
        %swap3A_1471 = tpu.vector_load %arg11[%swap3A_1469, %swap3A_1470] {strides = array<i32>} : memref<64x16xf32, #tpu.memory_space<vmem>>, vector<16xf32>,
        tpu.vector_store %arg11[%swap3A_1469, %swap3A_1470], %broadcast_in_dim3A_1 {strides = array<i32>} : memref<64x16xf32, #tpu.memory_space<vmem>>, vector<16xf32>,
        %swap3A_1472 = arith.constant 13 : i32
        %swap3A_1473 = arith.index_cast %swap3A_1472 : i32 to index
        %swap3A_1474 = arith.constant 0 : index
        %swap3A_1475 = tpu.vector_load %arg11[%swap3A_1473, %swap3A_1474] {strides = array<i32>} : memref<64x16xf32, #tpu.memory_space<vmem>>, vector<16xf32>,
        tpu.vector_store %arg11[%swap3A_1473, %swap3A_1474], %broadcast_in_dim3A_1 {strides = array<i32>} : memref<64x16xf32, #tpu.memory_space<vmem>>, vector<16xf32>,
        %swap3A_1476 = arith.constant 14 : i32
        %swap3A_1477 = arith.index_cast %swap3A_1476 : i32 to index
        %swap3A_1478 = arith.constant 0 : index
        %swap3A_1479 = tpu.vector_load %arg11[%swap3A_1477, %swap3A_1478] {strides = array<i32>} : memref<64x16xf32, #tpu.memory_space<vmem>>, vector<16xf32>,
        tpu.vector_store %arg11[%swap3A_1477, %swap3A_1478], %broadcast_in_dim3A_1 {strides = array<i32>} : memref<64x16xf32, #tpu.memory_space<vmem>>, vector<16xf32>,
        %swap3A_1480 = arith.constant 15 : i32
        %swap3A_1481 = arith.index_cast %swap3A_1480 : i32 to index
        %swap3A_1482 = arith.constant 0 : index
        %swap3A_1483 = tpu.vector_load %arg11[%swap3A_1481, %swap3A_1482] {strides = array<i32>} : memref<64x16xf32, #tpu.memory_space<vmem>>, vector<16xf32>,
        tpu.vector_store %arg11[%swap3A_1481, %swap3A_1482], %broadcast_in_dim3A_1 {strides = array<i32>} : memref<64x16xf32, #tpu.memory_space<vmem>>, vector<16xf32>,
        %swap3A_1484 = arith.constant 16 : i32
        %swap3A_1485 = arith.index_cast %swap3A_1484 : i32 to index
        %swap3A_1486 = arith.constant 0 : index
        %swap3A_1487 = tpu.vector_load %arg11[%swap3A_1485, %swap3A_1486] {strides = array<i32>} : memref<64x16xf32, #tpu.memory_space<vmem>>, vector<16xf32>,
        tpu.vector_store %arg11[%swap3A_1485, %swap3A_1486], %broadcast_in_dim3A_1 {strides = array<i32>} : memref<64x16xf32, #tpu.memory_space<vmem>>, vector<16xf32>,
        %swap3A_1488 = arith.constant 17 : i32
        %swap3A_1489 = arith.index_cast %swap3A_1488 : i32 to index
        %swap3A_1490 = arith.constant 0 : index
        %swap3A_1491 = tpu.vector_load %arg11[%swap3A_1489, %swap3A_1490] {strides = array<i32>} : memref<64x16xf32, #tpu.memory_space<vmem>>, vector<16xf32>,
        tpu.vector_store %arg11[%swap3A_1489, %swap3A_1490], %broadcast_in_dim3A_1 {strides = array<i32>} : memref<64x16xf32, #tpu.memory_space<vmem>>, vector<16xf32>,
        %swap3A_1492 = arith.constant 18 : i32
        %swap3A_1493 = arith.index_cast %swap3A_1492 : i32 to index
        %swap3A_1494 = arith.constant 0 : index
        %swap3A_1495 = tpu.vector_load %arg11[%swap3A_1493, %swap3A_1494] {strides = array<i32>} : memref<64x16xf32, #tpu.memory_space<vmem>>, vector<16xf32>,
        tpu.vector_store %arg11[%swap3A_1493, %swap3A_1494], %broadcast_in_dim3A_1 {strides = array<i32>} : memref<64x16xf32, #tpu.memory_space<vmem>>, vector<16xf32>,
        %swap3A_1496 = arith.constant 19 : i32
        %swap3A_1497 = arith.index_cast %swap3A_1496 : i32 to index
        %swap3A_1498 = arith.constant 0 : index
        %swap3A_1499 = tpu.vector_load %arg11[%swap3A_1497, %swap3A_1498] {strides = array<i32>} : memref<64x16xf32, #tpu.memory_space<vmem>>, vector<16xf32>,
        tpu.vector_store %arg11[%swap3A_1497, %swap3A_1498], %broadcast_in_dim3A_1 {strides = array<i32>} : memref<64x16xf32, #tpu.memory_space<vmem>>, vector<16xf32>,
        %swap3A_1500 = arith.constant 20 : i32
        %swap3A_1501 = arith.index_cast %swap3A_1500 : i32 to index
        %swap3A_1502 = arith.constant 0 : index
        %swap3A_1503 = tpu.vector_load %arg11[%swap3A_1501, %swap3A_1502] {strides = array<i32>} : memref<64x16xf32, #tpu.memory_space<vmem>>, vector<16xf32>,
        tpu.vector_store %arg11[%swap3A_1501, %swap3A_1502], %broadcast_in_dim3A_1 {strides = array<i32>} : memref<64x16xf32, #tpu.memory_space<vmem>>, vector<16xf32>,
        %swap3A_1504 = arith.constant 21 : i32
        %swap3A_1505 = arith.index_cast %swap3A_1504 : i32 to index
        %swap3A_1506 = arith.constant 0 : index
        %swap3A_1507 = tpu.vector_load %arg11[%swap3A_1505, %swap3A_1506] {strides = array<i32>} : memref<64x16xf32, #tpu.memory_space<vmem>>, vector<16xf32>,
        tpu.vector_store %arg11[%swap3A_1505, %swap3A_1506], %broadcast_in_dim3A_1 {strides = array<i32>} : memref<64x16xf32, #tpu.memory_space<vmem>>, vector<16xf32>,
        %swap3A_1508 = arith.constant 22 : i32
        %swap3A_1509 = arith.index_cast %swap3A_1508 : i32 to index
        %swap3A_1510 = arith.constant 0 : index
        %swap3A_1511 = tpu.vector_load %arg11[%swap3A_1509, %swap3A_1510] {strides = array<i32>} : memref<64x16xf32, #tpu.memory_space<vmem>>, vector<16xf32>,
        tpu.vector_store %arg11[%swap3A_1509, %swap3A_1510], %broadcast_in_dim3A_1 {strides = array<i32>} : memref<64x16xf32, #tpu.memory_space<vmem>>, vector<16xf32>,
        %swap3A_1512 = arith.constant 23 : i32
        %swap3A_1513 = arith.index_cast %swap3A_1512 : i32 to index
        %swap3A_1514 = arith.constant 0 : index
        %swap3A_1515 = tpu.vector_load %arg11[%swap3A_1513, %swap3A_1514] {strides = array<i32>} : memref<64x16xf32, #tpu.memory_space<vmem>>, vector<16xf32>,
        tpu.vector_store %arg11[%swap3A_1513, %swap3A_1514], %broadcast_in_dim3A_1 {strides = array<i32>} : memref<64x16xf32, #tpu.memory_space<vmem>>, vector<16xf32>,
        %swap3A_1516 = arith.constant 24 : i32
        %swap3A_1517 = arith.index_cast %swap3A_1516 : i32 to index
        %swap3A_1518 = arith.constant 0 : index
        %swap3A_1519 = tpu.vector_load %arg11[%swap3A_1517, %swap3A_1518] {strides = array<i32>} : memref<64x16xf32, #tpu.memory_space<vmem>>, vector<16xf32>,
        tpu.vector_store %arg11[%swap3A_1517, %swap3A_1518], %broadcast_in_dim3A_1 {strides = array<i32>} : memref<64x16xf32, #tpu.memory_space<vmem>>, vector<16xf32>,
        %swap3A_1520 = arith.constant 25 : i32
        %swap3A_1521 = arith.index_cast %swap3A_1520 : i32 to index
        %swap3A_1522 = arith.constant 0 : index
        %swap3A_1523 = tpu.vector_load %arg11[%swap3A_1521, %swap3A_1522] {strides = array<i32>} : memref<64x16xf32, #tpu.memory_space<vmem>>, vector<16xf32>,
        tpu.vector_store %arg11[%swap3A_1521, %swap3A_1522], %broadcast_in_dim3A_1 {strides = array<i32>} : memref<64x16xf32, #tpu.memory_space<vmem>>, vector<16xf32>,
        %swap3A_1524 = arith.constant 26 : i32
        %swap3A_1525 = arith.index_cast %swap3A_1524 : i32 to index
        %swap3A_1526 = arith.constant 0 : index
        %swap3A_1527 = tpu.vector_load %arg11[%swap3A_1525, %swap3A_1526] {strides = array<i32>} : memref<64x16xf32, #tpu.memory_space<vmem>>, vector<16xf32>,
        tpu.vector_store %arg11[%swap3A_1525, %swap3A_1526], %broadcast_in_dim3A_1 {strides = array<i32>} : memref<64x16xf32, #tpu.memory_space<vmem>>, vector<16xf32>,
        %swap3A_1528 = arith.constant 27 : i32
        %swap3A_1529 = arith.index_cast %swap3A_1528 : i32 to index
        %swap3A_1530 = arith.constant 0 : index
        %swap3A_1531 = tpu.vector_load %arg11[%swap3A_1529, %swap3A_1530] {strides = array<i32>} : memref<64x16xf32, #tpu.memory_space<vmem>>, vector<16xf32>,
        tpu.vector_store %arg11[%swap3A_1529, %swap3A_1530], %broadcast_in_dim3A_1 {strides = array<i32>} : memref<64x16xf32, #tpu.memory_space<vmem>>, vector<16xf32>,
        %swap3A_1532 = arith.constant 28 : i32
        %swap3A_1533 = arith.index_cast %swap3A_1532 : i32 to index
        %swap3A_1534 = arith.constant 0 : index
        %swap3A_1535 = tpu.vector_load %arg11[%swap3A_1533, %swap3A_1534] {strides = array<i32>} : memref<64x16xf32, #tpu.memory_space<vmem>>, vector<16xf32>,
        tpu.vector_store %arg11[%swap3A_1533, %swap3A_1534], %broadcast_in_dim3A_1 {strides = array<i32>} : memref<64x16xf32, #tpu.memory_space<vmem>>, vector<16xf32>,
        %swap3A_1536 = arith.constant 29 : i32
        %swap3A_1537 = arith.index_cast %swap3A_1536 : i32 to index
        %swap3A_1538 = arith.constant 0 : index
        %swap3A_1539 = tpu.vector_load %arg11[%swap3A_1537, %swap3A_1538] {strides = array<i32>} : memref<64x16xf32, #tpu.memory_space<vmem>>, vector<16xf32>,
        tpu.vector_store %arg11[%swap3A_1537, %swap3A_1538], %broadcast_in_dim3A_1 {strides = array<i32>} : memref<64x16xf32, #tpu.memory_space<vmem>>, vector<16xf32>,
        %swap3A_1540 = arith.constant 30 : i32
        %swap3A_1541 = arith.index_cast %swap3A_1540 : i32 to index
        %swap3A_1542 = arith.constant 0 : index
        %swap3A_1543 = tpu.vector_load %arg11[%swap3A_1541, %swap3A_1542] {strides = array<i32>} : memref<64x16xf32, #tpu.memory_space<vmem>>, vector<16xf32>,
        tpu.vector_store %arg11[%swap3A_1541, %swap3A_1542], %broadcast_in_dim3A_1 {strides = array<i32>} : memref<64x16xf32, #tpu.memory_space<vmem>>, vector<16xf32>,
        %swap3A_1544 = arith.constant 31 : i32
        %swap3A_1545 = arith.index_cast %swap3A_1544 : i32 to index
        %swap3A_1546 = arith.constant 0 : index
        %swap3A_1547 = tpu.vector_load %arg11[%swap3A_1545, %swap3A_1546] {strides = array<i32>} : memref<64x16xf32, #tpu.memory_space<vmem>>, vector<16xf32>,
        tpu.vector_store %arg11[%swap3A_1545, %swap3A_1546], %broadcast_in_dim3A_1 {strides = array<i32>} : memref<64x16xf32, #tpu.memory_space<vmem>>, vector<16xf32>,
        %swap3A_1548 = arith.constant 32 : i32
        %swap3A_1549 = arith.index_cast %swap3A_1548 : i32 to index
        %swap3A_1550 = arith.constant 0 : index
        %swap3A_1551 = tpu.vector_load %arg11[%swap3A_1549, %swap3A_1550] {strides = array<i32>} : memref<64x16xf32, #tpu.memory_space<vmem>>, vector<16xf32>,
        tpu.vector_store %arg11[%swap3A_1549, %swap3A_1550], %broadcast_in_dim3A_1 {strides = array<i32>} : memref<64x16xf32, #tpu.memory_space<vmem>>, vector<16xf32>,
        %swap3A_1552 = arith.constant 33 : i32
        %swap3A_1553 = arith.index_cast %swap3A_1552 : i32 to index
        %swap3A_1554 = arith.constant 0 : index
        %swap3A_1555 = tpu.vector_load %arg11[%swap3A_1553, %swap3A_1554] {strides = array<i32>} : memref<64x16xf32, #tpu.memory_space<vmem>>, vector<16xf32>,
        tpu.vector_store %arg11[%swap3A_1553, %swap3A_1554], %broadcast_in_dim3A_1 {strides = array<i32>} : memref<64x16xf32, #tpu.memory_space<vmem>>, vector<16xf32>,
        %swap3A_1556 = arith.constant 34 : i32
        %swap3A_1557 = arith.index_cast %swap3A_1556 : i32 to index
        %swap3A_1558 = arith.constant 0 : index
        %swap3A_1559 = tpu.vector_load %arg11[%swap3A_1557, %swap3A_1558] {strides = array<i32>} : memref<64x16xf32, #tpu.memory_space<vmem>>, vector<16xf32>,
        tpu.vector_store %arg11[%swap3A_1557, %swap3A_1558], %broadcast_in_dim3A_1 {strides = array<i32>} : memref<64x16xf32, #tpu.memory_space<vmem>>, vector<16xf32>,
        %swap3A_1560 = arith.constant 35 : i32
        %swap3A_1561 = arith.index_cast %swap3A_1560 : i32 to index
        %swap3A_1562 = arith.constant 0 : index
        %swap3A_1563 = tpu.vector_load %arg11[%swap3A_1561, %swap3A_1562] {strides = array<i32>} : memref<64x16xf32, #tpu.memory_space<vmem>>, vector<16xf32>,
        tpu.vector_store %arg11[%swap3A_1561, %swap3A_1562], %broadcast_in_dim3A_1 {strides = array<i32>} : memref<64x16xf32, #tpu.memory_space<vmem>>, vector<16xf32>,
        %swap3A_1564 = arith.constant 36 : i32
        %swap3A_1565 = arith.index_cast %swap3A_1564 : i32 to index
        %swap3A_1566 = arith.constant 0 : index
        %swap3A_1567 = tpu.vector_load %arg11[%swap3A_1565, %swap3A_1566] {strides = array<i32>} : memref<64x16xf32, #tpu.memory_space<vmem>>, vector<16xf32>,
        tpu.vector_store %arg11[%swap3A_1565, %swap3A_1566], %broadcast_in_dim3A_1 {strides = array<i32>} : memref<64x16xf32, #tpu.memory_space<vmem>>, vector<16xf32>,
        %swap3A_1568 = arith.constant 37 : i32
        %swap3A_1569 = arith.index_cast %swap3A_1568 : i32 to index
        %swap3A_1570 = arith.constant 0 : index
        %swap3A_1571 = tpu.vector_load %arg11[%swap3A_1569, %swap3A_1570] {strides = array<i32>} : memref<64x16xf32, #tpu.memory_space<vmem>>, vector<16xf32>,
        tpu.vector_store %arg11[%swap3A_1569, %swap3A_1570], %broadcast_in_dim3A_1 {strides = array<i32>} : memref<64x16xf32, #tpu.memory_space<vmem>>, vector<16xf32>,
        %swap3A_1572 = arith.constant 38 : i32
        %swap3A_1573 = arith.index_cast %swap3A_1572 : i32 to index
        %swap3A_1574 = arith.constant 0 : index
        %swap3A_1575 = tpu.vector_load %arg11[%swap3A_1573, %swap3A_1574] {strides = array<i32>} : memref<64x16xf32, #tpu.memory_space<vmem>>, vector<16xf32>,
        tpu.vector_store %arg11[%swap3A_1573, %swap3A_1574], %broadcast_in_dim3A_1 {strides = array<i32>} : memref<64x16xf32, #tpu.memory_space<vmem>>, vector<16xf32>,
        %swap3A_1576 = arith.constant 39 : i32
        %swap3A_1577 = arith.index_cast %swap3A_1576 : i32 to index
        %swap3A_1578 = arith.constant 0 : index
        %swap3A_1579 = tpu.vector_load %arg11[%swap3A_1577, %swap3A_1578] {strides = array<i32>} : memref<64x16xf32, #tpu.memory_space<vmem>>, vector<16xf32>,
        tpu.vector_store %arg11[%swap3A_1577, %swap3A_1578], %broadcast_in_dim3A_1 {strides = array<i32>} : memref<64x16xf32, #tpu.memory_space<vmem>>, vector<16xf32>,
        %swap3A_1580 = arith.constant 40 : i32
        %swap3A_1581 = arith.index_cast %swap3A_1580 : i32 to index
        %swap3A_1582 = arith.constant 0 : index
        %swap3A_1583 = tpu.vector_load %arg11[%swap3A_1581, %swap3A_1582] {strides = array<i32>} : memref<64x16xf32, #tpu.memory_space<vmem>>, vector<16xf32>,
        tpu.vector_store %arg11[%swap3A_1581, %swap3A_1582], %broadcast_in_dim3A_1 {strides = array<i32>} : memref<64x16xf32, #tpu.memory_space<vmem>>, vector<16xf32>,
        %swap3A_1584 = arith.constant 41 : i32
        %swap3A_1585 = arith.index_cast %swap3A_1584 : i32 to index
        %swap3A_1586 = arith.constant 0 : index
        %swap3A_1587 = tpu.vector_load %arg11[%swap3A_1585, %swap3A_1586] {strides = array<i32>} : memref<64x16xf32, #tpu.memory_space<vmem>>, vector<16xf32>,
        tpu.vector_store %arg11[%swap3A_1585, %swap3A_1586], %broadcast_in_dim3A_1 {strides = array<i32>} : memref<64x16xf32, #tpu.memory_space<vmem>>, vector<16xf32>,
        %swap3A_1588 = arith.constant 42 : i32
        %swap3A_1589 = arith.index_cast %swap3A_1588 : i32 to index
        %swap3A_1590 = arith.constant 0 : index
        %swap3A_1591 = tpu.vector_load %arg11[%swap3A_1589, %swap3A_1590] {strides = array<i32>} : memref<64x16xf32, #tpu.memory_space<vmem>>, vector<16xf32>,
        tpu.vector_store %arg11[%swap3A_1589, %swap3A_1590], %broadcast_in_dim3A_1 {strides = array<i32>} : memref<64x16xf32, #tpu.memory_space<vmem>>, vector<16xf32>,
        %swap3A_1592 = arith.constant 43 : i32
        %swap3A_1593 = arith.index_cast %swap3A_1592 : i32 to index
        %swap3A_1594 = arith.constant 0 : index
        %swap3A_1595 = tpu.vector_load %arg11[%swap3A_1593, %swap3A_1594] {strides = array<i32>} : memref<64x16xf32, #tpu.memory_space<vmem>>, vector<16xf32>,
        tpu.vector_store %arg11[%swap3A_1593, %swap3A_1594], %broadcast_in_dim3A_1 {strides = array<i32>} : memref<64x16xf32, #tpu.memory_space<vmem>>, vector<16xf32>,
        %swap3A_1596 = arith.constant 44 : i32
        %swap3A_1597 = arith.index_cast %swap3A_1596 : i32 to index
        %swap3A_1598 = arith.constant 0 : index
        %swap3A_1599 = tpu.vector_load %arg11[%swap3A_1597, %swap3A_1598] {strides = array<i32>} : memref<64x16xf32, #tpu.memory_space<vmem>>, vector<16xf32>,
        tpu.vector_store %arg11[%swap3A_1597, %swap3A_1598], %broadcast_in_dim3A_1 {strides = array<i32>} : memref<64x16xf32, #tpu.memory_space<vmem>>, vector<16xf32>,
        %swap3A_1600 = arith.constant 45 : i32
        %swap3A_1601 = arith.index_cast %swap3A_1600 : i32 to index
        %swap3A_1602 = arith.constant 0 : index
        %swap3A_1603 = tpu.vector_load %arg11[%swap3A_1601, %swap3A_1602] {strides = array<i32>} : memref<64x16xf32, #tpu.memory_space<vmem>>, vector<16xf32>,
        tpu.vector_store %arg11[%swap3A_1601, %swap3A_1602], %broadcast_in_dim3A_1 {strides = array<i32>} : memref<64x16xf32, #tpu.memory_space<vmem>>, vector<16xf32>,
        %swap3A_1604 = arith.constant 46 : i32
        %swap3A_1605 = arith.index_cast %swap3A_1604 : i32 to index
        %swap3A_1606 = arith.constant 0 : index
        %swap3A_1607 = tpu.vector_load %arg11[%swap3A_1605, %swap3A_1606] {strides = array<i32>} : memref<64x16xf32, #tpu.memory_space<vmem>>, vector<16xf32>,
        tpu.vector_store %arg11[%swap3A_1605, %swap3A_1606], %broadcast_in_dim3A_1 {strides = array<i32>} : memref<64x16xf32, #tpu.memory_space<vmem>>, vector<16xf32>,
        %swap3A_1608 = arith.constant 47 : i32
        %swap3A_1609 = arith.index_cast %swap3A_1608 : i32 to index
        %swap3A_1610 = arith.constant 0 : index
        %swap3A_1611 = tpu.vector_load %arg11[%swap3A_1609, %swap3A_1610] {strides = array<i32>} : memref<64x16xf32, #tpu.memory_space<vmem>>, vector<16xf32>,
        tpu.vector_store %arg11[%swap3A_1609, %swap3A_1610], %broadcast_in_dim3A_1 {strides = array<i32>} : memref<64x16xf32, #tpu.memory_space<vmem>>, vector<16xf32>,
        %swap3A_1612 = arith.constant 48 : i32
        %swap3A_1613 = arith.index_cast %swap3A_1612 : i32 to index
        %swap3A_1614 = arith.constant 0 : index
        %swap3A_1615 = tpu.vector_load %arg11[%swap3A_1613, %swap3A_1614] {strides = array<i32>} : memref<64x16xf32, #tpu.memory_space<vmem>>, vector<16xf32>,
        tpu.vector_store %arg11[%swap3A_1613, %swap3A_1614], %broadcast_in_dim3A_1 {strides = array<i32>} : memref<64x16xf32, #tpu.memory_space<vmem>>, vector<16xf32>,
        %swap3A_1616 = arith.constant 49 : i32
        %swap3A_1617 = arith.index_cast %swap3A_1616 : i32 to index
        %swap3A_1618 = arith.constant 0 : index
        %swap3A_1619 = tpu.vector_load %arg11[%swap3A_1617, %swap3A_1618] {strides = array<i32>} : memref<64x16xf32, #tpu.memory_space<vmem>>, vector<16xf32>,
        tpu.vector_store %arg11[%swap3A_1617, %swap3A_1618], %broadcast_in_dim3A_1 {strides = array<i32>} : memref<64x16xf32, #tpu.memory_space<vmem>>, vector<16xf32>,
        %swap3A_1620 = arith.constant 50 : i32
        %swap3A_1621 = arith.index_cast %swap3A_1620 : i32 to index
        %swap3A_1622 = arith.constant 0 : index
        %swap3A_1623 = tpu.vector_load %arg11[%swap3A_1621, %swap3A_1622] {strides = array<i32>} : memref<64x16xf32, #tpu.memory_space<vmem>>, vector<16xf32>,
        tpu.vector_store %arg11[%swap3A_1621, %swap3A_1622], %broadcast_in_dim3A_1 {strides = array<i32>} : memref<64x16xf32, #tpu.memory_space<vmem>>, vector<16xf32>,
        %swap3A_1624 = arith.constant 51 : i32
        %swap3A_1625 = arith.index_cast %swap3A_1624 : i32 to index
        %swap3A_1626 = arith.constant 0 : index
        %swap3A_1627 = tpu.vector_load %arg11[%swap3A_1625, %swap3A_1626] {strides = array<i32>} : memref<64x16xf32, #tpu.memory_space<vmem>>, vector<16xf32>,
        tpu.vector_store %arg11[%swap3A_1625, %swap3A_1626], %broadcast_in_dim3A_1 {strides = array<i32>} : memref<64x16xf32, #tpu.memory_space<vmem>>, vector<16xf32>,
        %swap3A_1628 = arith.constant 52 : i32
        %swap3A_1629 = arith.index_cast %swap3A_1628 : i32 to index
        %swap3A_1630 = arith.constant 0 : index
        %swap3A_1631 = tpu.vector_load %arg11[%swap3A_1629, %swap3A_1630] {strides = array<i32>} : memref<64x16xf32, #tpu.memory_space<vmem>>, vector<16xf32>,
        tpu.vector_store %arg11[%swap3A_1629, %swap3A_1630], %broadcast_in_dim3A_1 {strides = array<i32>} : memref<64x16xf32, #tpu.memory_space<vmem>>, vector<16xf32>,
        %swap3A_1632 = arith.constant 53 : i32
        %swap3A_1633 = arith.index_cast %swap3A_1632 : i32 to index
        %swap3A_1634 = arith.constant 0 : index
        %swap3A_1635 = tpu.vector_load %arg11[%swap3A_1633, %swap3A_1634] {strides = array<i32>} : memref<64x16xf32, #tpu.memory_space<vmem>>, vector<16xf32>,
        tpu.vector_store %arg11[%swap3A_1633, %swap3A_1634], %broadcast_in_dim3A_1 {strides = array<i32>} : memref<64x16xf32, #tpu.memory_space<vmem>>, vector<16xf32>,
        %swap3A_1636 = arith.constant 54 : i32
        %swap3A_1637 = arith.index_cast %swap3A_1636 : i32 to index
        %swap3A_1638 = arith.constant 0 : index
        %swap3A_1639 = tpu.vector_load %arg11[%swap3A_1637, %swap3A_1638] {strides = array<i32>} : memref<64x16xf32, #tpu.memory_space<vmem>>, vector<16xf32>,
        tpu.vector_store %arg11[%swap3A_1637, %swap3A_1638], %broadcast_in_dim3A_1 {strides = array<i32>} : memref<64x16xf32, #tpu.memory_space<vmem>>, vector<16xf32>,
        %swap3A_1640 = arith.constant 55 : i32
        %swap3A_1641 = arith.index_cast %swap3A_1640 : i32 to index
        %swap3A_1642 = arith.constant 0 : index
        %swap3A_1643 = tpu.vector_load %arg11[%swap3A_1641, %swap3A_1642] {strides = array<i32>} : memref<64x16xf32, #tpu.memory_space<vmem>>, vector<16xf32>,
        tpu.vector_store %arg11[%swap3A_1641, %swap3A_1642], %broadcast_in_dim3A_1 {strides = array<i32>} : memref<64x16xf32, #tpu.memory_space<vmem>>, vector<16xf32>,
        %swap3A_1644 = arith.constant 56 : i32
        %swap3A_1645 = arith.index_cast %swap3A_1644 : i32 to index
        %swap3A_1646 = arith.constant 0 : index
        %swap3A_1647 = tpu.vector_load %arg11[%swap3A_1645, %swap3A_1646] {strides = array<i32>} : memref<64x16xf32, #tpu.memory_space<vmem>>, vector<16xf32>,
        tpu.vector_store %arg11[%swap3A_1645, %swap3A_1646], %broadcast_in_dim3A_1 {strides = array<i32>} : memref<64x16xf32, #tpu.memory_space<vmem>>, vector<16xf32>,
        %swap3A_1648 = arith.constant 57 : i32
        %swap3A_1649 = arith.index_cast %swap3A_1648 : i32 to index
        %swap3A_1650 = arith.constant 0 : index
        %swap3A_1651 = tpu.vector_load %arg11[%swap3A_1649, %swap3A_1650] {strides = array<i32>} : memref<64x16xf32, #tpu.memory_space<vmem>>, vector<16xf32>,
        tpu.vector_store %arg11[%swap3A_1649, %swap3A_1650], %broadcast_in_dim3A_1 {strides = array<i32>} : memref<64x16xf32, #tpu.memory_space<vmem>>, vector<16xf32>,
        %swap3A_1652 = arith.constant 58 : i32
        %swap3A_1653 = arith.index_cast %swap3A_1652 : i32 to index
        %swap3A_1654 = arith.constant 0 : index
        %swap3A_1655 = tpu.vector_load %arg11[%swap3A_1653, %swap3A_1654] {strides = array<i32>} : memref<64x16xf32, #tpu.memory_space<vmem>>, vector<16xf32>,
        tpu.vector_store %arg11[%swap3A_1653, %swap3A_1654], %broadcast_in_dim3A_1 {strides = array<i32>} : memref<64x16xf32, #tpu.memory_space<vmem>>, vector<16xf32>,
        %swap3A_1656 = arith.constant 59 : i32
        %swap3A_1657 = arith.index_cast %swap3A_1656 : i32 to index
        %swap3A_1658 = arith.constant 0 : index
        %swap3A_1659 = tpu.vector_load %arg11[%swap3A_1657, %swap3A_1658] {strides = array<i32>} : memref<64x16xf32, #tpu.memory_space<vmem>>, vector<16xf32>,
        tpu.vector_store %arg11[%swap3A_1657, %swap3A_1658], %broadcast_in_dim3A_1 {strides = array<i32>} : memref<64x16xf32, #tpu.memory_space<vmem>>, vector<16xf32>,
        %swap3A_1660 = arith.constant 60 : i32
        %swap3A_1661 = arith.index_cast %swap3A_1660 : i32 to index
        %swap3A_1662 = arith.constant 0 : index
        %swap3A_1663 = tpu.vector_load %arg11[%swap3A_1661, %swap3A_1662] {strides = array<i32>} : memref<64x16xf32, #tpu.memory_space<vmem>>, vector<16xf32>,
        tpu.vector_store %arg11[%swap3A_1661, %swap3A_1662], %broadcast_in_dim3A_1 {strides = array<i32>} : memref<64x16xf32, #tpu.memory_space<vmem>>, vector<16xf32>,
        %swap3A_1664 = arith.constant 61 : i32
        %swap3A_1665 = arith.index_cast %swap3A_1664 : i32 to index
        %swap3A_1666 = arith.constant 0 : index
        %swap3A_1667 = tpu.vector_load %arg11[%swap3A_1665, %swap3A_1666] {strides = array<i32>} : memref<64x16xf32, #tpu.memory_space<vmem>>, vector<16xf32>,
        tpu.vector_store %arg11[%swap3A_1665, %swap3A_1666], %broadcast_in_dim3A_1 {strides = array<i32>} : memref<64x16xf32, #tpu.memory_space<vmem>>, vector<16xf32>,
        %swap3A_1668 = arith.constant 62 : i32
        %swap3A_1669 = arith.index_cast %swap3A_1668 : i32 to index
        %swap3A_1670 = arith.constant 0 : index
        %swap3A_1671 = tpu.vector_load %arg11[%swap3A_1669, %swap3A_1670] {strides = array<i32>} : memref<64x16xf32, #tpu.memory_space<vmem>>, vector<16xf32>,
        tpu.vector_store %arg11[%swap3A_1669, %swap3A_1670], %broadcast_in_dim3A_1 {strides = array<i32>} : memref<64x16xf32, #tpu.memory_space<vmem>>, vector<16xf32>,
        %swap3A_1672 = arith.constant 63 : i32
        %swap3A_1673 = arith.index_cast %swap3A_1672 : i32 to index
        %swap3A_1674 = arith.constant 0 : index
        %swap3A_1675 = tpu.vector_load %arg11[%swap3A_1673, %swap3A_1674] {strides = array<i32>} : memref<64x16xf32, #tpu.memory_space<vmem>>, vector<16xf32>,
        tpu.vector_store %arg11[%swap3A_1673, %swap3A_1674], %broadcast_in_dim3A_1 {strides = array<i32>} : memref<64x16xf32, #tpu.memory_space<vmem>>, vector<16xf32>,
      } else {
      }
      %gather3A_558 = tpu.vector_load_idx %arg7[%broadcast_in_dim3A_545] : memref<96xf32, #tpu.memory_space<vmem>>[vector<16xi32>], vector<16xf32>,
      %add3A_559 = arith.constant 32 : i32
      %add3A_560 = vector.broadcast %add3A_559 : i32 to vector<16xi32>
      %add3A_561 = arith.addi %broadcast_in_dim3A_545, %add3A_560 : vector<16xi32>
      %gather3A_562 = tpu.vector_load_idx %arg7[%add3A_561] : memref<96xf32, #tpu.memory_space<vmem>>[vector<16xi32>], vector<16xf32>,
      %add3A_563 = arith.constant 64 : i32
      %add3A_564 = vector.broadcast %add3A_563 : i32 to vector<16xi32>
      %add3A_565 = arith.addi %broadcast_in_dim3A_545, %add3A_564 : vector<16xi32>
      %gather3A_566 = tpu.vector_load_idx %arg7[%add3A_565] : memref<96xf32, #tpu.memory_space<vmem>>[vector<16xi32>], vector<16xf32>,
      %mul3A_567 = arith.mulf %gather3A_558, %get3A_257 : vector<16xf32>
      %mul3A_568 = arith.mulf %gather3A_562, %get3A_261 : vector<16xf32>
      %add3A_569 = arith.addf %mul3A_567, %mul3A_568 : vector<16xf32>
      %mul3A_570 = arith.mulf %gather3A_566, %get3A_265 : vector<16xf32>
      %add3A_571 = arith.addf %add3A_569, %mul3A_570 : vector<16xf32>
      %mul3A_572 = arith.mulf %gather3A_558, %get3A_259 : vector<16xf32>
      %mul3A_573 = arith.mulf %gather3A_562, %get3A_263 : vector<16xf32>
      %add3A_574 = arith.addf %mul3A_572, %mul3A_573 : vector<16xf32>
      %mul3A_575 = arith.mulf %gather3A_566, %get3A_267 : vector<16xf32>
      %add3A_576 = arith.addf %add3A_574, %mul3A_575 : vector<16xf32>
      %get3A_577 = arith.constant 0 : index
      %get3A_578 = tpu.vector_load %arg10[%get3A_577] {strides = array<i32>} : memref<512xf32, #tpu.memory_space<vmem>>, vector<16xf32>,
      %add3A_579 = arith.addf %add3A_571, %get3A_578 : vector<16xf32>
      %exp3A = math.exp %add3A_579 : vector<16xf32>
      %add3A_580 = arith.constant 1.000000e+00 : f32
      %add3A_581 = vector.broadcast %add3A_580 : f32 to vector<16xf32>
      %add3A_582 = arith.addf %add3A_581, %exp3A : vector<16xf32>
      %div3A = arith.constant 1.000000e+00 : f32
      %div3A_583 = vector.broadcast %div3A : f32 to vector<16xf32>
      %div3A_584 = arith.divf %div3A_583, %add3A_582 : vector<16xf32>
      %swap3A_585 = arith.constant 0 : i32
      %swap3A_586 = arith.index_cast %swap3A_585 : i32 to index
      %swap3A_587 = arith.constant 0 : index
      %swap3A_588 = tpu.vector_load %arg11[%swap3A_586, %swap3A_587] {strides = array<i32>} : memref<64x16xf32, #tpu.memory_space<vmem>>, vector<16xf32>,
      tpu.vector_store %arg11[%swap3A_586, %swap3A_587], %div3A_584 {add = true, strides = array<i32>} : memref<64x16xf32, #tpu.memory_space<vmem>>, vector<16xf32>,
      %add3A_589 = arith.addf %add3A_576, %get3A_578 : vector<16xf32>
      %exp3A_590 = math.exp %add3A_589 : vector<16xf32>
      %add3A_591 = arith.constant 1.000000e+00 : f32
      %add3A_592 = vector.broadcast %add3A_591 : f32 to vector<16xf32>
      %add3A_593 = arith.addf %add3A_592, %exp3A_590 : vector<16xf32>
      %div3A_594 = arith.constant 1.000000e+00 : f32
      %div3A_595 = vector.broadcast %div3A_594 : f32 to vector<16xf32>
      %div3A_596 = arith.divf %div3A_595, %add3A_593 : vector<16xf32>
      %swap3A_597 = arith.constant 1 : i32
      %swap3A_598 = arith.index_cast %swap3A_597 : i32 to index
      %swap3A_599 = arith.constant 0 : index
      %swap3A_600 = tpu.vector_load %arg11[%swap3A_598, %swap3A_599] {strides = array<i32>} : memref<64x16xf32, #tpu.memory_space<vmem>>, vector<16xf32>,
      tpu.vector_store %arg11[%swap3A_598, %swap3A_599], %div3A_596 {add = true, strides = array<i32>} : memref<64x16xf32, #tpu.memory_space<vmem>>, vector<16xf32>,
      %get3A_601 = arith.constant 16 : index
      %get3A_602 = tpu.vector_load %arg10[%get3A_601] {strides = array<i32>} : memref<512xf32, #tpu.memory_space<vmem>>, vector<16xf32>,
      %add3A_603 = arith.addf %add3A_571, %get3A_602 : vector<16xf32>
      %exp3A_604 = math.exp %add3A_603 : vector<16xf32>
      %add3A_605 = arith.constant 1.000000e+00 : f32
      %add3A_606 = vector.broadcast %add3A_605 : f32 to vector<16xf32>
      %add3A_607 = arith.addf %add3A_606, %exp3A_604 : vector<16xf32>
      %div3A_608 = arith.constant 1.000000e+00 : f32
      %div3A_609 = vector.broadcast %div3A_608 : f32 to vector<16xf32>
      %div3A_610 = arith.divf %div3A_609, %add3A_607 : vector<16xf32>
      %swap3A_611 = arith.constant 2 : i32
      %swap3A_612 = arith.index_cast %swap3A_611 : i32 to index
      %swap3A_613 = arith.constant 0 : index
      %swap3A_614 = tpu.vector_load %arg11[%swap3A_612, %swap3A_613] {strides = array<i32>} : memref<64x16xf32, #tpu.memory_space<vmem>>, vector<16xf32>,
      tpu.vector_store %arg11[%swap3A_612, %swap3A_613], %div3A_610 {add = true, strides = array<i32>} : memref<64x16xf32, #tpu.memory_space<vmem>>, vector<16xf32>,
      %add3A_615 = arith.addf %add3A_576, %get3A_602 : vector<16xf32>
      %exp3A_616 = math.exp %add3A_615 : vector<16xf32>
      %add3A_617 = arith.constant 1.000000e+00 : f32
      %add3A_618 = vector.broadcast %add3A_617 : f32 to vector<16xf32>
      %add3A_619 = arith.addf %add3A_618, %exp3A_616 : vector<16xf32>
      %div3A_620 = arith.constant 1.000000e+00 : f32
      %div3A_621 = vector.broadcast %div3A_620 : f32 to vector<16xf32>
      %div3A_622 = arith.divf %div3A_621, %add3A_619 : vector<16xf32>
      %swap3A_623 = arith.constant 3 : i32
      %swap3A_624 = arith.index_cast %swap3A_623 : i32 to index
      %swap3A_625 = arith.constant 0 : index
      %swap3A_626 = tpu.vector_load %arg11[%swap3A_624, %swap3A_625] {strides = array<i32>} : memref<64x16xf32, #tpu.memory_space<vmem>>, vector<16xf32>,
      tpu.vector_store %arg11[%swap3A_624, %swap3A_625], %div3A_622 {add = true, strides = array<i32>} : memref<64x16xf32, #tpu.memory_space<vmem>>, vector<16xf32>,
      %get3A_627 = arith.constant 32 : index
      %get3A_628 = tpu.vector_load %arg10[%get3A_627] {strides = array<i32>} : memref<512xf32, #tpu.memory_space<vmem>>, vector<16xf32>,
      %add3A_629 = arith.addf %add3A_571, %get3A_628 : vector<16xf32>
      %exp3A_630 = math.exp %add3A_629 : vector<16xf32>
      %add3A_631 = arith.constant 1.000000e+00 : f32
      %add3A_632 = vector.broadcast %add3A_631 : f32 to vector<16xf32>
      %add3A_633 = arith.addf %add3A_632, %exp3A_630 : vector<16xf32>
      %div3A_634 = arith.constant 1.000000e+00 : f32
      %div3A_635 = vector.broadcast %div3A_634 : f32 to vector<16xf32>
      %div3A_636 = arith.divf %div3A_635, %add3A_633 : vector<16xf32>
      %swap3A_637 = arith.constant 4 : i32
      %swap3A_638 = arith.index_cast %swap3A_637 : i32 to index
      %swap3A_639 = arith.constant 0 : index
      %swap3A_640 = tpu.vector_load %arg11[%swap3A_638, %swap3A_639] {strides = array<i32>} : memref<64x16xf32, #tpu.memory_space<vmem>>, vector<16xf32>,
      tpu.vector_store %arg11[%swap3A_638, %swap3A_639], %div3A_636 {add = true, strides = array<i32>} : memref<64x16xf32, #tpu.memory_space<vmem>>, vector<16xf32>,
      %add3A_641 = arith.addf %add3A_576, %get3A_628 : vector<16xf32>
      %exp3A_642 = math.exp %add3A_641 : vector<16xf32>
      %add3A_643 = arith.constant 1.000000e+00 : f32
      %add3A_644 = vector.broadcast %add3A_643 : f32 to vector<16xf32>
      %add3A_645 = arith.addf %add3A_644, %exp3A_642 : vector<16xf32>
      %div3A_646 = arith.constant 1.000000e+00 : f32
      %div3A_647 = vector.broadcast %div3A_646 : f32 to vector<16xf32>
      %div3A_648 = arith.divf %div3A_647, %add3A_645 : vector<16xf32>
      %swap3A_649 = arith.constant 5 : i32
      %swap3A_650 = arith.index_cast %swap3A_649 : i32 to index
      %swap3A_651 = arith.constant 0 : index
      %swap3A_652 = tpu.vector_load %arg11[%swap3A_650, %swap3A_651] {strides = array<i32>} : memref<64x16xf32, #tpu.memory_space<vmem>>, vector<16xf32>,
      tpu.vector_store %arg11[%swap3A_650, %swap3A_651], %div3A_648 {add = true, strides = array<i32>} : memref<64x16xf32, #tpu.memory_space<vmem>>, vector<16xf32>,
      %get3A_653 = arith.constant 48 : index
      %get3A_654 = tpu.vector_load %arg10[%get3A_653] {strides = array<i32>} : memref<512xf32, #tpu.memory_space<vmem>>, vector<16xf32>,
      %add3A_655 = arith.addf %add3A_571, %get3A_654 : vector<16xf32>
      %exp3A_656 = math.exp %add3A_655 : vector<16xf32>
      %add3A_657 = arith.constant 1.000000e+00 : f32
      %add3A_658 = vector.broadcast %add3A_657 : f32 to vector<16xf32>
      %add3A_659 = arith.addf %add3A_658, %exp3A_656 : vector<16xf32>
      %div3A_660 = arith.constant 1.000000e+00 : f32
      %div3A_661 = vector.broadcast %div3A_660 : f32 to vector<16xf32>
      %div3A_662 = arith.divf %div3A_661, %add3A_659 : vector<16xf32>
      %swap3A_663 = arith.constant 6 : i32
      %swap3A_664 = arith.index_cast %swap3A_663 : i32 to index
      %swap3A_665 = arith.constant 0 : index
      %swap3A_666 = tpu.vector_load %arg11[%swap3A_664, %swap3A_665] {strides = array<i32>} : memref<64x16xf32, #tpu.memory_space<vmem>>, vector<16xf32>,
      tpu.vector_store %arg11[%swap3A_664, %swap3A_665], %div3A_662 {add = true, strides = array<i32>} : memref<64x16xf32, #tpu.memory_space<vmem>>, vector<16xf32>,
      %add3A_667 = arith.addf %add3A_576, %get3A_654 : vector<16xf32>
      %exp3A_668 = math.exp %add3A_667 : vector<16xf32>
      %add3A_669 = arith.constant 1.000000e+00 : f32
      %add3A_670 = vector.broadcast %add3A_669 : f32 to vector<16xf32>
      %add3A_671 = arith.addf %add3A_670, %exp3A_668 : vector<16xf32>
      %div3A_672 = arith.constant 1.000000e+00 : f32
      %div3A_673 = vector.broadcast %div3A_672 : f32 to vector<16xf32>
      %div3A_674 = arith.divf %div3A_673, %add3A_671 : vector<16xf32>
      %swap3A_675 = arith.constant 7 : i32
      %swap3A_676 = arith.index_cast %swap3A_675 : i32 to index
      %swap3A_677 = arith.constant 0 : index
      %swap3A_678 = tpu.vector_load %arg11[%swap3A_676, %swap3A_677] {strides = array<i32>} : memref<64x16xf32, #tpu.memory_space<vmem>>, vector<16xf32>,
      tpu.vector_store %arg11[%swap3A_676, %swap3A_677], %div3A_674 {add = true, strides = array<i32>} : memref<64x16xf32, #tpu.memory_space<vmem>>, vector<16xf32>,
      %get3A_679 = arith.constant 64 : index
      %get3A_680 = tpu.vector_load %arg10[%get3A_679] {strides = array<i32>} : memref<512xf32, #tpu.memory_space<vmem>>, vector<16xf32>,
      %add3A_681 = arith.addf %add3A_571, %get3A_680 : vector<16xf32>
      %exp3A_682 = math.exp %add3A_681 : vector<16xf32>
      %add3A_683 = arith.constant 1.000000e+00 : f32
      %add3A_684 = vector.broadcast %add3A_683 : f32 to vector<16xf32>
      %add3A_685 = arith.addf %add3A_684, %exp3A_682 : vector<16xf32>
      %div3A_686 = arith.constant 1.000000e+00 : f32
      %div3A_687 = vector.broadcast %div3A_686 : f32 to vector<16xf32>
      %div3A_688 = arith.divf %div3A_687, %add3A_685 : vector<16xf32>
      %swap3A_689 = arith.constant 8 : i32
      %swap3A_690 = arith.index_cast %swap3A_689 : i32 to index
      %swap3A_691 = arith.constant 0 : index
      %swap3A_692 = tpu.vector_load %arg11[%swap3A_690, %swap3A_691] {strides = array<i32>} : memref<64x16xf32, #tpu.memory_space<vmem>>, vector<16xf32>,
      tpu.vector_store %arg11[%swap3A_690, %swap3A_691], %div3A_688 {add = true, strides = array<i32>} : memref<64x16xf32, #tpu.memory_space<vmem>>, vector<16xf32>,
      %add3A_693 = arith.addf %add3A_576, %get3A_680 : vector<16xf32>
      %exp3A_694 = math.exp %add3A_693 : vector<16xf32>
      %add3A_695 = arith.constant 1.000000e+00 : f32
      %add3A_696 = vector.broadcast %add3A_695 : f32 to vector<16xf32>
      %add3A_697 = arith.addf %add3A_696, %exp3A_694 : vector<16xf32>
      %div3A_698 = arith.constant 1.000000e+00 : f32
      %div3A_699 = vector.broadcast %div3A_698 : f32 to vector<16xf32>
      %div3A_700 = arith.divf %div3A_699, %add3A_697 : vector<16xf32>
      %swap3A_701 = arith.constant 9 : i32
      %swap3A_702 = arith.index_cast %swap3A_701 : i32 to index
      %swap3A_703 = arith.constant 0 : index
      %swap3A_704 = tpu.vector_load %arg11[%swap3A_702, %swap3A_703] {strides = array<i32>} : memref<64x16xf32, #tpu.memory_space<vmem>>, vector<16xf32>,
      tpu.vector_store %arg11[%swap3A_702, %swap3A_703], %div3A_700 {add = true, strides = array<i32>} : memref<64x16xf32, #tpu.memory_space<vmem>>, vector<16xf32>,
      %get3A_705 = arith.constant 80 : index
      %get3A_706 = tpu.vector_load %arg10[%get3A_705] {strides = array<i32>} : memref<512xf32, #tpu.memory_space<vmem>>, vector<16xf32>,
      %add3A_707 = arith.addf %add3A_571, %get3A_706 : vector<16xf32>
      %exp3A_708 = math.exp %add3A_707 : vector<16xf32>
      %add3A_709 = arith.constant 1.000000e+00 : f32
      %add3A_710 = vector.broadcast %add3A_709 : f32 to vector<16xf32>
      %add3A_711 = arith.addf %add3A_710, %exp3A_708 : vector<16xf32>
      %div3A_712 = arith.constant 1.000000e+00 : f32
      %div3A_713 = vector.broadcast %div3A_712 : f32 to vector<16xf32>
      %div3A_714 = arith.divf %div3A_713, %add3A_711 : vector<16xf32>
      %swap3A_715 = arith.constant 10 : i32
      %swap3A_716 = arith.index_cast %swap3A_715 : i32 to index
      %swap3A_717 = arith.constant 0 : index
      %swap3A_718 = tpu.vector_load %arg11[%swap3A_716, %swap3A_717] {strides = array<i32>} : memref<64x16xf32, #tpu.memory_space<vmem>>, vector<16xf32>,
      tpu.vector_store %arg11[%swap3A_716, %swap3A_717], %div3A_714 {add = true, strides = array<i32>} : memref<64x16xf32, #tpu.memory_space<vmem>>, vector<16xf32>,
      %add3A_719 = arith.addf %add3A_576, %get3A_706 : vector<16xf32>
      %exp3A_720 = math.exp %add3A_719 : vector<16xf32>
      %add3A_721 = arith.constant 1.000000e+00 : f32
      %add3A_722 = vector.broadcast %add3A_721 : f32 to vector<16xf32>
      %add3A_723 = arith.addf %add3A_722, %exp3A_720 : vector<16xf32>
      %div3A_724 = arith.constant 1.000000e+00 : f32
      %div3A_725 = vector.broadcast %div3A_724 : f32 to vector<16xf32>
      %div3A_726 = arith.divf %div3A_725, %add3A_723 : vector<16xf32>
      %swap3A_727 = arith.constant 11 : i32
      %swap3A_728 = arith.index_cast %swap3A_727 : i32 to index
      %swap3A_729 = arith.constant 0 : index
      %swap3A_730 = tpu.vector_load %arg11[%swap3A_728, %swap3A_729] {strides = array<i32>} : memref<64x16xf32, #tpu.memory_space<vmem>>, vector<16xf32>,
      tpu.vector_store %arg11[%swap3A_728, %swap3A_729], %div3A_726 {add = true, strides = array<i32>} : memref<64x16xf32, #tpu.memory_space<vmem>>, vector<16xf32>,
      %get3A_731 = arith.constant 96 : index
      %get3A_732 = tpu.vector_load %arg10[%get3A_731] {strides = array<i32>} : memref<512xf32, #tpu.memory_space<vmem>>, vector<16xf32>,
      %add3A_733 = arith.addf %add3A_571, %get3A_732 : vector<16xf32>
      %exp3A_734 = math.exp %add3A_733 : vector<16xf32>
      %add3A_735 = arith.constant 1.000000e+00 : f32
      %add3A_736 = vector.broadcast %add3A_735 : f32 to vector<16xf32>
      %add3A_737 = arith.addf %add3A_736, %exp3A_734 : vector<16xf32>
      %div3A_738 = arith.constant 1.000000e+00 : f32
      %div3A_739 = vector.broadcast %div3A_738 : f32 to vector<16xf32>
      %div3A_740 = arith.divf %div3A_739, %add3A_737 : vector<16xf32>
      %swap3A_741 = arith.constant 12 : i32
      %swap3A_742 = arith.index_cast %swap3A_741 : i32 to index
      %swap3A_743 = arith.constant 0 : index
      %swap3A_744 = tpu.vector_load %arg11[%swap3A_742, %swap3A_743] {strides = array<i32>} : memref<64x16xf32, #tpu.memory_space<vmem>>, vector<16xf32>,
      tpu.vector_store %arg11[%swap3A_742, %swap3A_743], %div3A_740 {add = true, strides = array<i32>} : memref<64x16xf32, #tpu.memory_space<vmem>>, vector<16xf32>,
      %add3A_745 = arith.addf %add3A_576, %get3A_732 : vector<16xf32>
      %exp3A_746 = math.exp %add3A_745 : vector<16xf32>
      %add3A_747 = arith.constant 1.000000e+00 : f32
      %add3A_748 = vector.broadcast %add3A_747 : f32 to vector<16xf32>
      %add3A_749 = arith.addf %add3A_748, %exp3A_746 : vector<16xf32>
      %div3A_750 = arith.constant 1.000000e+00 : f32
      %div3A_751 = vector.broadcast %div3A_750 : f32 to vector<16xf32>
      %div3A_752 = arith.divf %div3A_751, %add3A_749 : vector<16xf32>
      %swap3A_753 = arith.constant 13 : i32
      %swap3A_754 = arith.index_cast %swap3A_753 : i32 to index
      %swap3A_755 = arith.constant 0 : index
      %swap3A_756 = tpu.vector_load %arg11[%swap3A_754, %swap3A_755] {strides = array<i32>} : memref<64x16xf32, #tpu.memory_space<vmem>>, vector<16xf32>,
      tpu.vector_store %arg11[%swap3A_754, %swap3A_755], %div3A_752 {add = true, strides = array<i32>} : memref<64x16xf32, #tpu.memory_space<vmem>>, vector<16xf32>,
      %get3A_757 = arith.constant 112 : index
      %get3A_758 = tpu.vector_load %arg10[%get3A_757] {strides = array<i32>} : memref<512xf32, #tpu.memory_space<vmem>>, vector<16xf32>,
      %add3A_759 = arith.addf %add3A_571, %get3A_758 : vector<16xf32>
      %exp3A_760 = math.exp %add3A_759 : vector<16xf32>
      %add3A_761 = arith.constant 1.000000e+00 : f32
      %add3A_762 = vector.broadcast %add3A_761 : f32 to vector<16xf32>
      %add3A_763 = arith.addf %add3A_762, %exp3A_760 : vector<16xf32>
      %div3A_764 = arith.constant 1.000000e+00 : f32
      %div3A_765 = vector.broadcast %div3A_764 : f32 to vector<16xf32>
      %div3A_766 = arith.divf %div3A_765, %add3A_763 : vector<16xf32>
      %swap3A_767 = arith.constant 14 : i32
      %swap3A_768 = arith.index_cast %swap3A_767 : i32 to index
      %swap3A_769 = arith.constant 0 : index
      %swap3A_770 = tpu.vector_load %arg11[%swap3A_768, %swap3A_769] {strides = array<i32>} : memref<64x16xf32, #tpu.memory_space<vmem>>, vector<16xf32>,
      tpu.vector_store %arg11[%swap3A_768, %swap3A_769], %div3A_766 {add = true, strides = array<i32>} : memref<64x16xf32, #tpu.memory_space<vmem>>, vector<16xf32>,
      %add3A_771 = arith.addf %add3A_576, %get3A_758 : vector<16xf32>
      %exp3A_772 = math.exp %add3A_771 : vector<16xf32>
      %add3A_773 = arith.constant 1.000000e+00 : f32
      %add3A_774 = vector.broadcast %add3A_773 : f32 to vector<16xf32>
      %add3A_775 = arith.addf %add3A_774, %exp3A_772 : vector<16xf32>
      %div3A_776 = arith.constant 1.000000e+00 : f32
      %div3A_777 = vector.broadcast %div3A_776 : f32 to vector<16xf32>
      %div3A_778 = arith.divf %div3A_777, %add3A_775 : vector<16xf32>
      %swap3A_779 = arith.constant 15 : i32
      %swap3A_780 = arith.index_cast %swap3A_779 : i32 to index
      %swap3A_781 = arith.constant 0 : index
      %swap3A_782 = tpu.vector_load %arg11[%swap3A_780, %swap3A_781] {strides = array<i32>} : memref<64x16xf32, #tpu.memory_space<vmem>>, vector<16xf32>,
      tpu.vector_store %arg11[%swap3A_780, %swap3A_781], %div3A_778 {add = true, strides = array<i32>} : memref<64x16xf32, #tpu.memory_space<vmem>>, vector<16xf32>,
      %get3A_783 = arith.constant 128 : index
      %get3A_784 = tpu.vector_load %arg10[%get3A_783] {strides = array<i32>} : memref<512xf32, #tpu.memory_space<vmem>>, vector<16xf32>,
      %add3A_785 = arith.addf %add3A_571, %get3A_784 : vector<16xf32>
      %exp3A_786 = math.exp %add3A_785 : vector<16xf32>
      %add3A_787 = arith.constant 1.000000e+00 : f32
      %add3A_788 = vector.broadcast %add3A_787 : f32 to vector<16xf32>
      %add3A_789 = arith.addf %add3A_788, %exp3A_786 : vector<16xf32>
      %div3A_790 = arith.constant 1.000000e+00 : f32
      %div3A_791 = vector.broadcast %div3A_790 : f32 to vector<16xf32>
      %div3A_792 = arith.divf %div3A_791, %add3A_789 : vector<16xf32>
      %swap3A_793 = arith.constant 16 : i32
      %swap3A_794 = arith.index_cast %swap3A_793 : i32 to index
      %swap3A_795 = arith.constant 0 : index
      %swap3A_796 = tpu.vector_load %arg11[%swap3A_794, %swap3A_795] {strides = array<i32>} : memref<64x16xf32, #tpu.memory_space<vmem>>, vector<16xf32>,
      tpu.vector_store %arg11[%swap3A_794, %swap3A_795], %div3A_792 {add = true, strides = array<i32>} : memref<64x16xf32, #tpu.memory_space<vmem>>, vector<16xf32>,
      %add3A_797 = arith.addf %add3A_576, %get3A_784 : vector<16xf32>
      %exp3A_798 = math.exp %add3A_797 : vector<16xf32>
      %add3A_799 = arith.constant 1.000000e+00 : f32
      %add3A_800 = vector.broadcast %add3A_799 : f32 to vector<16xf32>
      %add3A_801 = arith.addf %add3A_800, %exp3A_798 : vector<16xf32>
      %div3A_802 = arith.constant 1.000000e+00 : f32
      %div3A_803 = vector.broadcast %div3A_802 : f32 to vector<16xf32>
      %div3A_804 = arith.divf %div3A_803, %add3A_801 : vector<16xf32>
      %swap3A_805 = arith.constant 17 : i32
      %swap3A_806 = arith.index_cast %swap3A_805 : i32 to index
      %swap3A_807 = arith.constant 0 : index
      %swap3A_808 = tpu.vector_load %arg11[%swap3A_806, %swap3A_807] {strides = array<i32>} : memref<64x16xf32, #tpu.memory_space<vmem>>, vector<16xf32>,
      tpu.vector_store %arg11[%swap3A_806, %swap3A_807], %div3A_804 {add = true, strides = array<i32>} : memref<64x16xf32, #tpu.memory_space<vmem>>, vector<16xf32>,
      %get3A_809 = arith.constant 144 : index
      %get3A_810 = tpu.vector_load %arg10[%get3A_809] {strides = array<i32>} : memref<512xf32, #tpu.memory_space<vmem>>, vector<16xf32>,
      %add3A_811 = arith.addf %add3A_571, %get3A_810 : vector<16xf32>
      %exp3A_812 = math.exp %add3A_811 : vector<16xf32>
      %add3A_813 = arith.constant 1.000000e+00 : f32
      %add3A_814 = vector.broadcast %add3A_813 : f32 to vector<16xf32>
      %add3A_815 = arith.addf %add3A_814, %exp3A_812 : vector<16xf32>
      %div3A_816 = arith.constant 1.000000e+00 : f32
      %div3A_817 = vector.broadcast %div3A_816 : f32 to vector<16xf32>
      %div3A_818 = arith.divf %div3A_817, %add3A_815 : vector<16xf32>
      %swap3A_819 = arith.constant 18 : i32
      %swap3A_820 = arith.index_cast %swap3A_819 : i32 to index
      %swap3A_821 = arith.constant 0 : index
      %swap3A_822 = tpu.vector_load %arg11[%swap3A_820, %swap3A_821] {strides = array<i32>} : memref<64x16xf32, #tpu.memory_space<vmem>>, vector<16xf32>,
      tpu.vector_store %arg11[%swap3A_820, %swap3A_821], %div3A_818 {add = true, strides = array<i32>} : memref<64x16xf32, #tpu.memory_space<vmem>>, vector<16xf32>,
      %add3A_823 = arith.addf %add3A_576, %get3A_810 : vector<16xf32>
      %exp3A_824 = math.exp %add3A_823 : vector<16xf32>
      %add3A_825 = arith.constant 1.000000e+00 : f32
      %add3A_826 = vector.broadcast %add3A_825 : f32 to vector<16xf32>
      %add3A_827 = arith.addf %add3A_826, %exp3A_824 : vector<16xf32>
      %div3A_828 = arith.constant 1.000000e+00 : f32
      %div3A_829 = vector.broadcast %div3A_828 : f32 to vector<16xf32>
      %div3A_830 = arith.divf %div3A_829, %add3A_827 : vector<16xf32>
      %swap3A_831 = arith.constant 19 : i32
      %swap3A_832 = arith.index_cast %swap3A_831 : i32 to index
      %swap3A_833 = arith.constant 0 : index
      %swap3A_834 = tpu.vector_load %arg11[%swap3A_832, %swap3A_833] {strides = array<i32>} : memref<64x16xf32, #tpu.memory_space<vmem>>, vector<16xf32>,
      tpu.vector_store %arg11[%swap3A_832, %swap3A_833], %div3A_830 {add = true, strides = array<i32>} : memref<64x16xf32, #tpu.memory_space<vmem>>, vector<16xf32>,
      %get3A_835 = arith.constant 160 : index
      %get3A_836 = tpu.vector_load %arg10[%get3A_835] {strides = array<i32>} : memref<512xf32, #tpu.memory_space<vmem>>, vector<16xf32>,
      %add3A_837 = arith.addf %add3A_571, %get3A_836 : vector<16xf32>
      %exp3A_838 = math.exp %add3A_837 : vector<16xf32>
      %add3A_839 = arith.constant 1.000000e+00 : f32
      %add3A_840 = vector.broadcast %add3A_839 : f32 to vector<16xf32>
      %add3A_841 = arith.addf %add3A_840, %exp3A_838 : vector<16xf32>
      %div3A_842 = arith.constant 1.000000e+00 : f32
      %div3A_843 = vector.broadcast %div3A_842 : f32 to vector<16xf32>
      %div3A_844 = arith.divf %div3A_843, %add3A_841 : vector<16xf32>
      %swap3A_845 = arith.constant 20 : i32
      %swap3A_846 = arith.index_cast %swap3A_845 : i32 to index
      %swap3A_847 = arith.constant 0 : index
      %swap3A_848 = tpu.vector_load %arg11[%swap3A_846, %swap3A_847] {strides = array<i32>} : memref<64x16xf32, #tpu.memory_space<vmem>>, vector<16xf32>,
      tpu.vector_store %arg11[%swap3A_846, %swap3A_847], %div3A_844 {add = true, strides = array<i32>} : memref<64x16xf32, #tpu.memory_space<vmem>>, vector<16xf32>,
      %add3A_849 = arith.addf %add3A_576, %get3A_836 : vector<16xf32>
      %exp3A_850 = math.exp %add3A_849 : vector<16xf32>
      %add3A_851 = arith.constant 1.000000e+00 : f32
      %add3A_852 = vector.broadcast %add3A_851 : f32 to vector<16xf32>
      %add3A_853 = arith.addf %add3A_852, %exp3A_850 : vector<16xf32>
      %div3A_854 = arith.constant 1.000000e+00 : f32
      %div3A_855 = vector.broadcast %div3A_854 : f32 to vector<16xf32>
      %div3A_856 = arith.divf %div3A_855, %add3A_853 : vector<16xf32>
      %swap3A_857 = arith.constant 21 : i32
      %swap3A_858 = arith.index_cast %swap3A_857 : i32 to index
      %swap3A_859 = arith.constant 0 : index
      %swap3A_860 = tpu.vector_load %arg11[%swap3A_858, %swap3A_859] {strides = array<i32>} : memref<64x16xf32, #tpu.memory_space<vmem>>, vector<16xf32>,
      tpu.vector_store %arg11[%swap3A_858, %swap3A_859], %div3A_856 {add = true, strides = array<i32>} : memref<64x16xf32, #tpu.memory_space<vmem>>, vector<16xf32>,
      %get3A_861 = arith.constant 176 : index
      %get3A_862 = tpu.vector_load %arg10[%get3A_861] {strides = array<i32>} : memref<512xf32, #tpu.memory_space<vmem>>, vector<16xf32>,
      %add3A_863 = arith.addf %add3A_571, %get3A_862 : vector<16xf32>
      %exp3A_864 = math.exp %add3A_863 : vector<16xf32>
      %add3A_865 = arith.constant 1.000000e+00 : f32
      %add3A_866 = vector.broadcast %add3A_865 : f32 to vector<16xf32>
      %add3A_867 = arith.addf %add3A_866, %exp3A_864 : vector<16xf32>
      %div3A_868 = arith.constant 1.000000e+00 : f32
      %div3A_869 = vector.broadcast %div3A_868 : f32 to vector<16xf32>
      %div3A_870 = arith.divf %div3A_869, %add3A_867 : vector<16xf32>
      %swap3A_871 = arith.constant 22 : i32
      %swap3A_872 = arith.index_cast %swap3A_871 : i32 to index
      %swap3A_873 = arith.constant 0 : index
      %swap3A_874 = tpu.vector_load %arg11[%swap3A_872, %swap3A_873] {strides = array<i32>} : memref<64x16xf32, #tpu.memory_space<vmem>>, vector<16xf32>,
      tpu.vector_store %arg11[%swap3A_872, %swap3A_873], %div3A_870 {add = true, strides = array<i32>} : memref<64x16xf32, #tpu.memory_space<vmem>>, vector<16xf32>,
      %add3A_875 = arith.addf %add3A_576, %get3A_862 : vector<16xf32>
      %exp3A_876 = math.exp %add3A_875 : vector<16xf32>
      %add3A_877 = arith.constant 1.000000e+00 : f32
      %add3A_878 = vector.broadcast %add3A_877 : f32 to vector<16xf32>
      %add3A_879 = arith.addf %add3A_878, %exp3A_876 : vector<16xf32>
      %div3A_880 = arith.constant 1.000000e+00 : f32
      %div3A_881 = vector.broadcast %div3A_880 : f32 to vector<16xf32>
      %div3A_882 = arith.divf %div3A_881, %add3A_879 : vector<16xf32>
      %swap3A_883 = arith.constant 23 : i32
      %swap3A_884 = arith.index_cast %swap3A_883 : i32 to index
      %swap3A_885 = arith.constant 0 : index
      %swap3A_886 = tpu.vector_load %arg11[%swap3A_884, %swap3A_885] {strides = array<i32>} : memref<64x16xf32, #tpu.memory_space<vmem>>, vector<16xf32>,
      tpu.vector_store %arg11[%swap3A_884, %swap3A_885], %div3A_882 {add = true, strides = array<i32>} : memref<64x16xf32, #tpu.memory_space<vmem>>, vector<16xf32>,
      %get3A_887 = arith.constant 192 : index
      %get3A_888 = tpu.vector_load %arg10[%get3A_887] {strides = array<i32>} : memref<512xf32, #tpu.memory_space<vmem>>, vector<16xf32>,
      %add3A_889 = arith.addf %add3A_571, %get3A_888 : vector<16xf32>
      %exp3A_890 = math.exp %add3A_889 : vector<16xf32>
      %add3A_891 = arith.constant 1.000000e+00 : f32
      %add3A_892 = vector.broadcast %add3A_891 : f32 to vector<16xf32>
      %add3A_893 = arith.addf %add3A_892, %exp3A_890 : vector<16xf32>
      %div3A_894 = arith.constant 1.000000e+00 : f32
      %div3A_895 = vector.broadcast %div3A_894 : f32 to vector<16xf32>
      %div3A_896 = arith.divf %div3A_895, %add3A_893 : vector<16xf32>
      %swap3A_897 = arith.constant 24 : i32
      %swap3A_898 = arith.index_cast %swap3A_897 : i32 to index
      %swap3A_899 = arith.constant 0 : index
      %swap3A_900 = tpu.vector_load %arg11[%swap3A_898, %swap3A_899] {strides = array<i32>} : memref<64x16xf32, #tpu.memory_space<vmem>>, vector<16xf32>,
      tpu.vector_store %arg11[%swap3A_898, %swap3A_899], %div3A_896 {add = true, strides = array<i32>} : memref<64x16xf32, #tpu.memory_space<vmem>>, vector<16xf32>,
      %add3A_901 = arith.addf %add3A_576, %get3A_888 : vector<16xf32>
      %exp3A_902 = math.exp %add3A_901 : vector<16xf32>
      %add3A_903 = arith.constant 1.000000e+00 : f32
      %add3A_904 = vector.broadcast %add3A_903 : f32 to vector<16xf32>
      %add3A_905 = arith.addf %add3A_904, %exp3A_902 : vector<16xf32>
      %div3A_906 = arith.constant 1.000000e+00 : f32
      %div3A_907 = vector.broadcast %div3A_906 : f32 to vector<16xf32>
      %div3A_908 = arith.divf %div3A_907, %add3A_905 : vector<16xf32>
      %swap3A_909 = arith.constant 25 : i32
      %swap3A_910 = arith.index_cast %swap3A_909 : i32 to index
      %swap3A_911 = arith.constant 0 : index
      %swap3A_912 = tpu.vector_load %arg11[%swap3A_910, %swap3A_911] {strides = array<i32>} : memref<64x16xf32, #tpu.memory_space<vmem>>, vector<16xf32>,
      tpu.vector_store %arg11[%swap3A_910, %swap3A_911], %div3A_908 {add = true, strides = array<i32>} : memref<64x16xf32, #tpu.memory_space<vmem>>, vector<16xf32>,
      %get3A_913 = arith.constant 208 : index
      %get3A_914 = tpu.vector_load %arg10[%get3A_913] {strides = array<i32>} : memref<512xf32, #tpu.memory_space<vmem>>, vector<16xf32>,
      %add3A_915 = arith.addf %add3A_571, %get3A_914 : vector<16xf32>
      %exp3A_916 = math.exp %add3A_915 : vector<16xf32>
      %add3A_917 = arith.constant 1.000000e+00 : f32
      %add3A_918 = vector.broadcast %add3A_917 : f32 to vector<16xf32>
      %add3A_919 = arith.addf %add3A_918, %exp3A_916 : vector<16xf32>
      %div3A_920 = arith.constant 1.000000e+00 : f32
      %div3A_921 = vector.broadcast %div3A_920 : f32 to vector<16xf32>
      %div3A_922 = arith.divf %div3A_921, %add3A_919 : vector<16xf32>
      %swap3A_923 = arith.constant 26 : i32
      %swap3A_924 = arith.index_cast %swap3A_923 : i32 to index
      %swap3A_925 = arith.constant 0 : index
      %swap3A_926 = tpu.vector_load %arg11[%swap3A_924, %swap3A_925] {strides = array<i32>} : memref<64x16xf32, #tpu.memory_space<vmem>>, vector<16xf32>,
      tpu.vector_store %arg11[%swap3A_924, %swap3A_925], %div3A_922 {add = true, strides = array<i32>} : memref<64x16xf32, #tpu.memory_space<vmem>>, vector<16xf32>,
      %add3A_927 = arith.addf %add3A_576, %get3A_914 : vector<16xf32>
      %exp3A_928 = math.exp %add3A_927 : vector<16xf32>
      %add3A_929 = arith.constant 1.000000e+00 : f32
      %add3A_930 = vector.broadcast %add3A_929 : f32 to vector<16xf32>
      %add3A_931 = arith.addf %add3A_930, %exp3A_928 : vector<16xf32>
      %div3A_932 = arith.constant 1.000000e+00 : f32
      %div3A_933 = vector.broadcast %div3A_932 : f32 to vector<16xf32>
      %div3A_934 = arith.divf %div3A_933, %add3A_931 : vector<16xf32>
      %swap3A_935 = arith.constant 27 : i32
      %swap3A_936 = arith.index_cast %swap3A_935 : i32 to index
      %swap3A_937 = arith.constant 0 : index
      %swap3A_938 = tpu.vector_load %arg11[%swap3A_936, %swap3A_937] {strides = array<i32>} : memref<64x16xf32, #tpu.memory_space<vmem>>, vector<16xf32>,
      tpu.vector_store %arg11[%swap3A_936, %swap3A_937], %div3A_934 {add = true, strides = array<i32>} : memref<64x16xf32, #tpu.memory_space<vmem>>, vector<16xf32>,
      %get3A_939 = arith.constant 224 : index
      %get3A_940 = tpu.vector_load %arg10[%get3A_939] {strides = array<i32>} : memref<512xf32, #tpu.memory_space<vmem>>, vector<16xf32>,
      %add3A_941 = arith.addf %add3A_571, %get3A_940 : vector<16xf32>
      %exp3A_942 = math.exp %add3A_941 : vector<16xf32>
      %add3A_943 = arith.constant 1.000000e+00 : f32
      %add3A_944 = vector.broadcast %add3A_943 : f32 to vector<16xf32>
      %add3A_945 = arith.addf %add3A_944, %exp3A_942 : vector<16xf32>
      %div3A_946 = arith.constant 1.000000e+00 : f32
      %div3A_947 = vector.broadcast %div3A_946 : f32 to vector<16xf32>
      %div3A_948 = arith.divf %div3A_947, %add3A_945 : vector<16xf32>
      %swap3A_949 = arith.constant 28 : i32
      %swap3A_950 = arith.index_cast %swap3A_949 : i32 to index
      %swap3A_951 = arith.constant 0 : index
      %swap3A_952 = tpu.vector_load %arg11[%swap3A_950, %swap3A_951] {strides = array<i32>} : memref<64x16xf32, #tpu.memory_space<vmem>>, vector<16xf32>,
      tpu.vector_store %arg11[%swap3A_950, %swap3A_951], %div3A_948 {add = true, strides = array<i32>} : memref<64x16xf32, #tpu.memory_space<vmem>>, vector<16xf32>,
      %add3A_953 = arith.addf %add3A_576, %get3A_940 : vector<16xf32>
      %exp3A_954 = math.exp %add3A_953 : vector<16xf32>
      %add3A_955 = arith.constant 1.000000e+00 : f32
      %add3A_956 = vector.broadcast %add3A_955 : f32 to vector<16xf32>
      %add3A_957 = arith.addf %add3A_956, %exp3A_954 : vector<16xf32>
      %div3A_958 = arith.constant 1.000000e+00 : f32
      %div3A_959 = vector.broadcast %div3A_958 : f32 to vector<16xf32>
      %div3A_960 = arith.divf %div3A_959, %add3A_957 : vector<16xf32>
      %swap3A_961 = arith.constant 29 : i32
      %swap3A_962 = arith.index_cast %swap3A_961 : i32 to index
      %swap3A_963 = arith.constant 0 : index
      %swap3A_964 = tpu.vector_load %arg11[%swap3A_962, %swap3A_963] {strides = array<i32>} : memref<64x16xf32, #tpu.memory_space<vmem>>, vector<16xf32>,
      tpu.vector_store %arg11[%swap3A_962, %swap3A_963], %div3A_960 {add = true, strides = array<i32>} : memref<64x16xf32, #tpu.memory_space<vmem>>, vector<16xf32>,
      %get3A_965 = arith.constant 240 : index
      %get3A_966 = tpu.vector_load %arg10[%get3A_965] {strides = array<i32>} : memref<512xf32, #tpu.memory_space<vmem>>, vector<16xf32>,
      %add3A_967 = arith.addf %add3A_571, %get3A_966 : vector<16xf32>
      %exp3A_968 = math.exp %add3A_967 : vector<16xf32>
      %add3A_969 = arith.constant 1.000000e+00 : f32
      %add3A_970 = vector.broadcast %add3A_969 : f32 to vector<16xf32>
      %add3A_971 = arith.addf %add3A_970, %exp3A_968 : vector<16xf32>
      %div3A_972 = arith.constant 1.000000e+00 : f32
      %div3A_973 = vector.broadcast %div3A_972 : f32 to vector<16xf32>
      %div3A_974 = arith.divf %div3A_973, %add3A_971 : vector<16xf32>
      %swap3A_975 = arith.constant 30 : i32
      %swap3A_976 = arith.index_cast %swap3A_975 : i32 to index
      %swap3A_977 = arith.constant 0 : index
      %swap3A_978 = tpu.vector_load %arg11[%swap3A_976, %swap3A_977] {strides = array<i32>} : memref<64x16xf32, #tpu.memory_space<vmem>>, vector<16xf32>,
      tpu.vector_store %arg11[%swap3A_976, %swap3A_977], %div3A_974 {add = true, strides = array<i32>} : memref<64x16xf32, #tpu.memory_space<vmem>>, vector<16xf32>,
      %add3A_979 = arith.addf %add3A_576, %get3A_966 : vector<16xf32>
      %exp3A_980 = math.exp %add3A_979 : vector<16xf32>
      %add3A_981 = arith.constant 1.000000e+00 : f32
      %add3A_982 = vector.broadcast %add3A_981 : f32 to vector<16xf32>
      %add3A_983 = arith.addf %add3A_982, %exp3A_980 : vector<16xf32>
      %div3A_984 = arith.constant 1.000000e+00 : f32
      %div3A_985 = vector.broadcast %div3A_984 : f32 to vector<16xf32>
      %div3A_986 = arith.divf %div3A_985, %add3A_983 : vector<16xf32>
      %swap3A_987 = arith.constant 31 : i32
      %swap3A_988 = arith.index_cast %swap3A_987 : i32 to index
      %swap3A_989 = arith.constant 0 : index
      %swap3A_990 = tpu.vector_load %arg11[%swap3A_988, %swap3A_989] {strides = array<i32>} : memref<64x16xf32, #tpu.memory_space<vmem>>, vector<16xf32>,
      tpu.vector_store %arg11[%swap3A_988, %swap3A_989], %div3A_986 {add = true, strides = array<i32>} : memref<64x16xf32, #tpu.memory_space<vmem>>, vector<16xf32>,
      %get3A_991 = arith.constant 256 : index
      %get3A_992 = tpu.vector_load %arg10[%get3A_991] {strides = array<i32>} : memref<512xf32, #tpu.memory_space<vmem>>, vector<16xf32>,
      %add3A_993 = arith.addf %add3A_571, %get3A_992 : vector<16xf32>
      %exp3A_994 = math.exp %add3A_993 : vector<16xf32>
      %add3A_995 = arith.constant 1.000000e+00 : f32
      %add3A_996 = vector.broadcast %add3A_995 : f32 to vector<16xf32>
      %add3A_997 = arith.addf %add3A_996, %exp3A_994 : vector<16xf32>
      %div3A_998 = arith.constant 1.000000e+00 : f32
      %div3A_999 = vector.broadcast %div3A_998 : f32 to vector<16xf32>
      %div3A_1000 = arith.divf %div3A_999, %add3A_997 : vector<16xf32>
      %swap3A_1001 = arith.constant 32 : i32
      %swap3A_1002 = arith.index_cast %swap3A_1001 : i32 to index
      %swap3A_1003 = arith.constant 0 : index
      %swap3A_1004 = tpu.vector_load %arg11[%swap3A_1002, %swap3A_1003] {strides = array<i32>} : memref<64x16xf32, #tpu.memory_space<vmem>>, vector<16xf32>,
      tpu.vector_store %arg11[%swap3A_1002, %swap3A_1003], %div3A_1000 {add = true, strides = array<i32>} : memref<64x16xf32, #tpu.memory_space<vmem>>, vector<16xf32>,
      %add3A_1005 = arith.addf %add3A_576, %get3A_992 : vector<16xf32>
      %exp3A_1006 = math.exp %add3A_1005 : vector<16xf32>
      %add3A_1007 = arith.constant 1.000000e+00 : f32
      %add3A_1008 = vector.broadcast %add3A_1007 : f32 to vector<16xf32>
      %add3A_1009 = arith.addf %add3A_1008, %exp3A_1006 : vector<16xf32>
      %div3A_1010 = arith.constant 1.000000e+00 : f32
      %div3A_1011 = vector.broadcast %div3A_1010 : f32 to vector<16xf32>
      %div3A_1012 = arith.divf %div3A_1011, %add3A_1009 : vector<16xf32>
      %swap3A_1013 = arith.constant 33 : i32
      %swap3A_1014 = arith.index_cast %swap3A_1013 : i32 to index
      %swap3A_1015 = arith.constant 0 : index
      %swap3A_1016 = tpu.vector_load %arg11[%swap3A_1014, %swap3A_1015] {strides = array<i32>} : memref<64x16xf32, #tpu.memory_space<vmem>>, vector<16xf32>,
      tpu.vector_store %arg11[%swap3A_1014, %swap3A_1015], %div3A_1012 {add = true, strides = array<i32>} : memref<64x16xf32, #tpu.memory_space<vmem>>, vector<16xf32>,
      %get3A_1017 = arith.constant 272 : index
      %get3A_1018 = tpu.vector_load %arg10[%get3A_1017] {strides = array<i32>} : memref<512xf32, #tpu.memory_space<vmem>>, vector<16xf32>,
      %add3A_1019 = arith.addf %add3A_571, %get3A_1018 : vector<16xf32>
      %exp3A_1020 = math.exp %add3A_1019 : vector<16xf32>
      %add3A_1021 = arith.constant 1.000000e+00 : f32
      %add3A_1022 = vector.broadcast %add3A_1021 : f32 to vector<16xf32>
      %add3A_1023 = arith.addf %add3A_1022, %exp3A_1020 : vector<16xf32>
      %div3A_1024 = arith.constant 1.000000e+00 : f32
      %div3A_1025 = vector.broadcast %div3A_1024 : f32 to vector<16xf32>
      %div3A_1026 = arith.divf %div3A_1025, %add3A_1023 : vector<16xf32>
      %swap3A_1027 = arith.constant 34 : i32
      %swap3A_1028 = arith.index_cast %swap3A_1027 : i32 to index
      %swap3A_1029 = arith.constant 0 : index
      %swap3A_1030 = tpu.vector_load %arg11[%swap3A_1028, %swap3A_1029] {strides = array<i32>} : memref<64x16xf32, #tpu.memory_space<vmem>>, vector<16xf32>,
      tpu.vector_store %arg11[%swap3A_1028, %swap3A_1029], %div3A_1026 {add = true, strides = array<i32>} : memref<64x16xf32, #tpu.memory_space<vmem>>, vector<16xf32>,
      %add3A_1031 = arith.addf %add3A_576, %get3A_1018 : vector<16xf32>
      %exp3A_1032 = math.exp %add3A_1031 : vector<16xf32>
      %add3A_1033 = arith.constant 1.000000e+00 : f32
      %add3A_1034 = vector.broadcast %add3A_1033 : f32 to vector<16xf32>
      %add3A_1035 = arith.addf %add3A_1034, %exp3A_1032 : vector<16xf32>
      %div3A_1036 = arith.constant 1.000000e+00 : f32
      %div3A_1037 = vector.broadcast %div3A_1036 : f32 to vector<16xf32>
      %div3A_1038 = arith.divf %div3A_1037, %add3A_1035 : vector<16xf32>
      %swap3A_1039 = arith.constant 35 : i32
      %swap3A_1040 = arith.index_cast %swap3A_1039 : i32 to index
      %swap3A_1041 = arith.constant 0 : index
      %swap3A_1042 = tpu.vector_load %arg11[%swap3A_1040, %swap3A_1041] {strides = array<i32>} : memref<64x16xf32, #tpu.memory_space<vmem>>, vector<16xf32>,
      tpu.vector_store %arg11[%swap3A_1040, %swap3A_1041], %div3A_1038 {add = true, strides = array<i32>} : memref<64x16xf32, #tpu.memory_space<vmem>>, vector<16xf32>,
      %get3A_1043 = arith.constant 288 : index
      %get3A_1044 = tpu.vector_load %arg10[%get3A_1043] {strides = array<i32>} : memref<512xf32, #tpu.memory_space<vmem>>, vector<16xf32>,
      %add3A_1045 = arith.addf %add3A_571, %get3A_1044 : vector<16xf32>
      %exp3A_1046 = math.exp %add3A_1045 : vector<16xf32>
      %add3A_1047 = arith.constant 1.000000e+00 : f32
      %add3A_1048 = vector.broadcast %add3A_1047 : f32 to vector<16xf32>
      %add3A_1049 = arith.addf %add3A_1048, %exp3A_1046 : vector<16xf32>
      %div3A_1050 = arith.constant 1.000000e+00 : f32
      %div3A_1051 = vector.broadcast %div3A_1050 : f32 to vector<16xf32>
      %div3A_1052 = arith.divf %div3A_1051, %add3A_1049 : vector<16xf32>
      %swap3A_1053 = arith.constant 36 : i32
      %swap3A_1054 = arith.index_cast %swap3A_1053 : i32 to index
      %swap3A_1055 = arith.constant 0 : index
      %swap3A_1056 = tpu.vector_load %arg11[%swap3A_1054, %swap3A_1055] {strides = array<i32>} : memref<64x16xf32, #tpu.memory_space<vmem>>, vector<16xf32>,
      tpu.vector_store %arg11[%swap3A_1054, %swap3A_1055], %div3A_1052 {add = true, strides = array<i32>} : memref<64x16xf32, #tpu.memory_space<vmem>>, vector<16xf32>,
      %add3A_1057 = arith.addf %add3A_576, %get3A_1044 : vector<16xf32>
      %exp3A_1058 = math.exp %add3A_1057 : vector<16xf32>
      %add3A_1059 = arith.constant 1.000000e+00 : f32
      %add3A_1060 = vector.broadcast %add3A_1059 : f32 to vector<16xf32>
      %add3A_1061 = arith.addf %add3A_1060, %exp3A_1058 : vector<16xf32>
      %div3A_1062 = arith.constant 1.000000e+00 : f32
      %div3A_1063 = vector.broadcast %div3A_1062 : f32 to vector<16xf32>
      %div3A_1064 = arith.divf %div3A_1063, %add3A_1061 : vector<16xf32>
      %swap3A_1065 = arith.constant 37 : i32
      %swap3A_1066 = arith.index_cast %swap3A_1065 : i32 to index
      %swap3A_1067 = arith.constant 0 : index
      %swap3A_1068 = tpu.vector_load %arg11[%swap3A_1066, %swap3A_1067] {strides = array<i32>} : memref<64x16xf32, #tpu.memory_space<vmem>>, vector<16xf32>,
      tpu.vector_store %arg11[%swap3A_1066, %swap3A_1067], %div3A_1064 {add = true, strides = array<i32>} : memref<64x16xf32, #tpu.memory_space<vmem>>, vector<16xf32>,
      %get3A_1069 = arith.constant 304 : index
      %get3A_1070 = tpu.vector_load %arg10[%get3A_1069] {strides = array<i32>} : memref<512xf32, #tpu.memory_space<vmem>>, vector<16xf32>,
      %add3A_1071 = arith.addf %add3A_571, %get3A_1070 : vector<16xf32>
      %exp3A_1072 = math.exp %add3A_1071 : vector<16xf32>
      %add3A_1073 = arith.constant 1.000000e+00 : f32
      %add3A_1074 = vector.broadcast %add3A_1073 : f32 to vector<16xf32>
      %add3A_1075 = arith.addf %add3A_1074, %exp3A_1072 : vector<16xf32>
      %div3A_1076 = arith.constant 1.000000e+00 : f32
      %div3A_1077 = vector.broadcast %div3A_1076 : f32 to vector<16xf32>
      %div3A_1078 = arith.divf %div3A_1077, %add3A_1075 : vector<16xf32>
      %swap3A_1079 = arith.constant 38 : i32
      %swap3A_1080 = arith.index_cast %swap3A_1079 : i32 to index
      %swap3A_1081 = arith.constant 0 : index
      %swap3A_1082 = tpu.vector_load %arg11[%swap3A_1080, %swap3A_1081] {strides = array<i32>} : memref<64x16xf32, #tpu.memory_space<vmem>>, vector<16xf32>,
      tpu.vector_store %arg11[%swap3A_1080, %swap3A_1081], %div3A_1078 {add = true, strides = array<i32>} : memref<64x16xf32, #tpu.memory_space<vmem>>, vector<16xf32>,
      %add3A_1083 = arith.addf %add3A_576, %get3A_1070 : vector<16xf32>
      %exp3A_1084 = math.exp %add3A_1083 : vector<16xf32>
      %add3A_1085 = arith.constant 1.000000e+00 : f32
      %add3A_1086 = vector.broadcast %add3A_1085 : f32 to vector<16xf32>
      %add3A_1087 = arith.addf %add3A_1086, %exp3A_1084 : vector<16xf32>
      %div3A_1088 = arith.constant 1.000000e+00 : f32
      %div3A_1089 = vector.broadcast %div3A_1088 : f32 to vector<16xf32>
      %div3A_1090 = arith.divf %div3A_1089, %add3A_1087 : vector<16xf32>
      %swap3A_1091 = arith.constant 39 : i32
      %swap3A_1092 = arith.index_cast %swap3A_1091 : i32 to index
      %swap3A_1093 = arith.constant 0 : index
      %swap3A_1094 = tpu.vector_load %arg11[%swap3A_1092, %swap3A_1093] {strides = array<i32>} : memref<64x16xf32, #tpu.memory_space<vmem>>, vector<16xf32>,
      tpu.vector_store %arg11[%swap3A_1092, %swap3A_1093], %div3A_1090 {add = true, strides = array<i32>} : memref<64x16xf32, #tpu.memory_space<vmem>>, vector<16xf32>,
      %get3A_1095 = arith.constant 320 : index
      %get3A_1096 = tpu.vector_load %arg10[%get3A_1095] {strides = array<i32>} : memref<512xf32, #tpu.memory_space<vmem>>, vector<16xf32>,
      %add3A_1097 = arith.addf %add3A_571, %get3A_1096 : vector<16xf32>
      %exp3A_1098 = math.exp %add3A_1097 : vector<16xf32>
      %add3A_1099 = arith.constant 1.000000e+00 : f32
      %add3A_1100 = vector.broadcast %add3A_1099 : f32 to vector<16xf32>
      %add3A_1101 = arith.addf %add3A_1100, %exp3A_1098 : vector<16xf32>
      %div3A_1102 = arith.constant 1.000000e+00 : f32
      %div3A_1103 = vector.broadcast %div3A_1102 : f32 to vector<16xf32>
      %div3A_1104 = arith.divf %div3A_1103, %add3A_1101 : vector<16xf32>
      %swap3A_1105 = arith.constant 40 : i32
      %swap3A_1106 = arith.index_cast %swap3A_1105 : i32 to index
      %swap3A_1107 = arith.constant 0 : index
      %swap3A_1108 = tpu.vector_load %arg11[%swap3A_1106, %swap3A_1107] {strides = array<i32>} : memref<64x16xf32, #tpu.memory_space<vmem>>, vector<16xf32>,
      tpu.vector_store %arg11[%swap3A_1106, %swap3A_1107], %div3A_1104 {add = true, strides = array<i32>} : memref<64x16xf32, #tpu.memory_space<vmem>>, vector<16xf32>,
      %add3A_1109 = arith.addf %add3A_576, %get3A_1096 : vector<16xf32>
      %exp3A_1110 = math.exp %add3A_1109 : vector<16xf32>
      %add3A_1111 = arith.constant 1.000000e+00 : f32
      %add3A_1112 = vector.broadcast %add3A_1111 : f32 to vector<16xf32>
      %add3A_1113 = arith.addf %add3A_1112, %exp3A_1110 : vector<16xf32>
      %div3A_1114 = arith.constant 1.000000e+00 : f32
      %div3A_1115 = vector.broadcast %div3A_1114 : f32 to vector<16xf32>
      %div3A_1116 = arith.divf %div3A_1115, %add3A_1113 : vector<16xf32>
      %swap3A_1117 = arith.constant 41 : i32
      %swap3A_1118 = arith.index_cast %swap3A_1117 : i32 to index
      %swap3A_1119 = arith.constant 0 : index
      %swap3A_1120 = tpu.vector_load %arg11[%swap3A_1118, %swap3A_1119] {strides = array<i32>} : memref<64x16xf32, #tpu.memory_space<vmem>>, vector<16xf32>,
      tpu.vector_store %arg11[%swap3A_1118, %swap3A_1119], %div3A_1116 {add = true, strides = array<i32>} : memref<64x16xf32, #tpu.memory_space<vmem>>, vector<16xf32>,
      %get3A_1121 = arith.constant 336 : index
      %get3A_1122 = tpu.vector_load %arg10[%get3A_1121] {strides = array<i32>} : memref<512xf32, #tpu.memory_space<vmem>>, vector<16xf32>,
      %add3A_1123 = arith.addf %add3A_571, %get3A_1122 : vector<16xf32>
      %exp3A_1124 = math.exp %add3A_1123 : vector<16xf32>
      %add3A_1125 = arith.constant 1.000000e+00 : f32
      %add3A_1126 = vector.broadcast %add3A_1125 : f32 to vector<16xf32>
      %add3A_1127 = arith.addf %add3A_1126, %exp3A_1124 : vector<16xf32>
      %div3A_1128 = arith.constant 1.000000e+00 : f32
      %div3A_1129 = vector.broadcast %div3A_1128 : f32 to vector<16xf32>
      %div3A_1130 = arith.divf %div3A_1129, %add3A_1127 : vector<16xf32>
      %swap3A_1131 = arith.constant 42 : i32
      %swap3A_1132 = arith.index_cast %swap3A_1131 : i32 to index
      %swap3A_1133 = arith.constant 0 : index
      %swap3A_1134 = tpu.vector_load %arg11[%swap3A_1132, %swap3A_1133] {strides = array<i32>} : memref<64x16xf32, #tpu.memory_space<vmem>>, vector<16xf32>,
      tpu.vector_store %arg11[%swap3A_1132, %swap3A_1133], %div3A_1130 {add = true, strides = array<i32>} : memref<64x16xf32, #tpu.memory_space<vmem>>, vector<16xf32>,
      %add3A_1135 = arith.addf %add3A_576, %get3A_1122 : vector<16xf32>
      %exp3A_1136 = math.exp %add3A_1135 : vector<16xf32>
      %add3A_1137 = arith.constant 1.000000e+00 : f32
      %add3A_1138 = vector.broadcast %add3A_1137 : f32 to vector<16xf32>
      %add3A_1139 = arith.addf %add3A_1138, %exp3A_1136 : vector<16xf32>
      %div3A_1140 = arith.constant 1.000000e+00 : f32
      %div3A_1141 = vector.broadcast %div3A_1140 : f32 to vector<16xf32>
      %div3A_1142 = arith.divf %div3A_1141, %add3A_1139 : vector<16xf32>
      %swap3A_1143 = arith.constant 43 : i32
      %swap3A_1144 = arith.index_cast %swap3A_1143 : i32 to index
      %swap3A_1145 = arith.constant 0 : index
      %swap3A_1146 = tpu.vector_load %arg11[%swap3A_1144, %swap3A_1145] {strides = array<i32>} : memref<64x16xf32, #tpu.memory_space<vmem>>, vector<16xf32>,
      tpu.vector_store %arg11[%swap3A_1144, %swap3A_1145], %div3A_1142 {add = true, strides = array<i32>} : memref<64x16xf32, #tpu.memory_space<vmem>>, vector<16xf32>,
      %get3A_1147 = arith.constant 352 : index
      %get3A_1148 = tpu.vector_load %arg10[%get3A_1147] {strides = array<i32>} : memref<512xf32, #tpu.memory_space<vmem>>, vector<16xf32>,
      %add3A_1149 = arith.addf %add3A_571, %get3A_1148 : vector<16xf32>
      %exp3A_1150 = math.exp %add3A_1149 : vector<16xf32>
      %add3A_1151 = arith.constant 1.000000e+00 : f32
      %add3A_1152 = vector.broadcast %add3A_1151 : f32 to vector<16xf32>
      %add3A_1153 = arith.addf %add3A_1152, %exp3A_1150 : vector<16xf32>
      %div3A_1154 = arith.constant 1.000000e+00 : f32
      %div3A_1155 = vector.broadcast %div3A_1154 : f32 to vector<16xf32>
      %div3A_1156 = arith.divf %div3A_1155, %add3A_1153 : vector<16xf32>
      %swap3A_1157 = arith.constant 44 : i32
      %swap3A_1158 = arith.index_cast %swap3A_1157 : i32 to index
      %swap3A_1159 = arith.constant 0 : index
      %swap3A_1160 = tpu.vector_load %arg11[%swap3A_1158, %swap3A_1159] {strides = array<i32>} : memref<64x16xf32, #tpu.memory_space<vmem>>, vector<16xf32>,
      tpu.vector_store %arg11[%swap3A_1158, %swap3A_1159], %div3A_1156 {add = true, strides = array<i32>} : memref<64x16xf32, #tpu.memory_space<vmem>>, vector<16xf32>,
      %add3A_1161 = arith.addf %add3A_576, %get3A_1148 : vector<16xf32>
      %exp3A_1162 = math.exp %add3A_1161 : vector<16xf32>
      %add3A_1163 = arith.constant 1.000000e+00 : f32
      %add3A_1164 = vector.broadcast %add3A_1163 : f32 to vector<16xf32>
      %add3A_1165 = arith.addf %add3A_1164, %exp3A_1162 : vector<16xf32>
      %div3A_1166 = arith.constant 1.000000e+00 : f32
      %div3A_1167 = vector.broadcast %div3A_1166 : f32 to vector<16xf32>
      %div3A_1168 = arith.divf %div3A_1167, %add3A_1165 : vector<16xf32>
      %swap3A_1169 = arith.constant 45 : i32
      %swap3A_1170 = arith.index_cast %swap3A_1169 : i32 to index
      %swap3A_1171 = arith.constant 0 : index
      %swap3A_1172 = tpu.vector_load %arg11[%swap3A_1170, %swap3A_1171] {strides = array<i32>} : memref<64x16xf32, #tpu.memory_space<vmem>>, vector<16xf32>,
      tpu.vector_store %arg11[%swap3A_1170, %swap3A_1171], %div3A_1168 {add = true, strides = array<i32>} : memref<64x16xf32, #tpu.memory_space<vmem>>, vector<16xf32>,
      %get3A_1173 = arith.constant 368 : index
      %get3A_1174 = tpu.vector_load %arg10[%get3A_1173] {strides = array<i32>} : memref<512xf32, #tpu.memory_space<vmem>>, vector<16xf32>,
      %add3A_1175 = arith.addf %add3A_571, %get3A_1174 : vector<16xf32>
      %exp3A_1176 = math.exp %add3A_1175 : vector<16xf32>
      %add3A_1177 = arith.constant 1.000000e+00 : f32
      %add3A_1178 = vector.broadcast %add3A_1177 : f32 to vector<16xf32>
      %add3A_1179 = arith.addf %add3A_1178, %exp3A_1176 : vector<16xf32>
      %div3A_1180 = arith.constant 1.000000e+00 : f32
      %div3A_1181 = vector.broadcast %div3A_1180 : f32 to vector<16xf32>
      %div3A_1182 = arith.divf %div3A_1181, %add3A_1179 : vector<16xf32>
      %swap3A_1183 = arith.constant 46 : i32
      %swap3A_1184 = arith.index_cast %swap3A_1183 : i32 to index
      %swap3A_1185 = arith.constant 0 : index
      %swap3A_1186 = tpu.vector_load %arg11[%swap3A_1184, %swap3A_1185] {strides = array<i32>} : memref<64x16xf32, #tpu.memory_space<vmem>>, vector<16xf32>,
      tpu.vector_store %arg11[%swap3A_1184, %swap3A_1185], %div3A_1182 {add = true, strides = array<i32>} : memref<64x16xf32, #tpu.memory_space<vmem>>, vector<16xf32>,
      %add3A_1187 = arith.addf %add3A_576, %get3A_1174 : vector<16xf32>
      %exp3A_1188 = math.exp %add3A_1187 : vector<16xf32>
      %add3A_1189 = arith.constant 1.000000e+00 : f32
      %add3A_1190 = vector.broadcast %add3A_1189 : f32 to vector<16xf32>
      %add3A_1191 = arith.addf %add3A_1190, %exp3A_1188 : vector<16xf32>
      %div3A_1192 = arith.constant 1.000000e+00 : f32
      %div3A_1193 = vector.broadcast %div3A_1192 : f32 to vector<16xf32>
      %div3A_1194 = arith.divf %div3A_1193, %add3A_1191 : vector<16xf32>
      %swap3A_1195 = arith.constant 47 : i32
      %swap3A_1196 = arith.index_cast %swap3A_1195 : i32 to index
      %swap3A_1197 = arith.constant 0 : index
      %swap3A_1198 = tpu.vector_load %arg11[%swap3A_1196, %swap3A_1197] {strides = array<i32>} : memref<64x16xf32, #tpu.memory_space<vmem>>, vector<16xf32>,
      tpu.vector_store %arg11[%swap3A_1196, %swap3A_1197], %div3A_1194 {add = true, strides = array<i32>} : memref<64x16xf32, #tpu.memory_space<vmem>>, vector<16xf32>,
      %get3A_1199 = arith.constant 384 : index
      %get3A_1200 = tpu.vector_load %arg10[%get3A_1199] {strides = array<i32>} : memref<512xf32, #tpu.memory_space<vmem>>, vector<16xf32>,
      %add3A_1201 = arith.addf %add3A_571, %get3A_1200 : vector<16xf32>
      %exp3A_1202 = math.exp %add3A_1201 : vector<16xf32>
      %add3A_1203 = arith.constant 1.000000e+00 : f32
      %add3A_1204 = vector.broadcast %add3A_1203 : f32 to vector<16xf32>
      %add3A_1205 = arith.addf %add3A_1204, %exp3A_1202 : vector<16xf32>
      %div3A_1206 = arith.constant 1.000000e+00 : f32
      %div3A_1207 = vector.broadcast %div3A_1206 : f32 to vector<16xf32>
      %div3A_1208 = arith.divf %div3A_1207, %add3A_1205 : vector<16xf32>
      %swap3A_1209 = arith.constant 48 : i32
      %swap3A_1210 = arith.index_cast %swap3A_1209 : i32 to index
      %swap3A_1211 = arith.constant 0 : index
      %swap3A_1212 = tpu.vector_load %arg11[%swap3A_1210, %swap3A_1211] {strides = array<i32>} : memref<64x16xf32, #tpu.memory_space<vmem>>, vector<16xf32>,
      tpu.vector_store %arg11[%swap3A_1210, %swap3A_1211], %div3A_1208 {add = true, strides = array<i32>} : memref<64x16xf32, #tpu.memory_space<vmem>>, vector<16xf32>,
      %add3A_1213 = arith.addf %add3A_576, %get3A_1200 : vector<16xf32>
      %exp3A_1214 = math.exp %add3A_1213 : vector<16xf32>
      %add3A_1215 = arith.constant 1.000000e+00 : f32
      %add3A_1216 = vector.broadcast %add3A_1215 : f32 to vector<16xf32>
      %add3A_1217 = arith.addf %add3A_1216, %exp3A_1214 : vector<16xf32>
      %div3A_1218 = arith.constant 1.000000e+00 : f32
      %div3A_1219 = vector.broadcast %div3A_1218 : f32 to vector<16xf32>
      %div3A_1220 = arith.divf %div3A_1219, %add3A_1217 : vector<16xf32>
      %swap3A_1221 = arith.constant 49 : i32
      %swap3A_1222 = arith.index_cast %swap3A_1221 : i32 to index
      %swap3A_1223 = arith.constant 0 : index
      %swap3A_1224 = tpu.vector_load %arg11[%swap3A_1222, %swap3A_1223] {strides = array<i32>} : memref<64x16xf32, #tpu.memory_space<vmem>>, vector<16xf32>,
      tpu.vector_store %arg11[%swap3A_1222, %swap3A_1223], %div3A_1220 {add = true, strides = array<i32>} : memref<64x16xf32, #tpu.memory_space<vmem>>, vector<16xf32>,
      %get3A_1225 = arith.constant 400 : index
      %get3A_1226 = tpu.vector_load %arg10[%get3A_1225] {strides = array<i32>} : memref<512xf32, #tpu.memory_space<vmem>>, vector<16xf32>,
      %add3A_1227 = arith.addf %add3A_571, %get3A_1226 : vector<16xf32>
      %exp3A_1228 = math.exp %add3A_1227 : vector<16xf32>
      %add3A_1229 = arith.constant 1.000000e+00 : f32
      %add3A_1230 = vector.broadcast %add3A_1229 : f32 to vector<16xf32>
      %add3A_1231 = arith.addf %add3A_1230, %exp3A_1228 : vector<16xf32>
      %div3A_1232 = arith.constant 1.000000e+00 : f32
      %div3A_1233 = vector.broadcast %div3A_1232 : f32 to vector<16xf32>
      %div3A_1234 = arith.divf %div3A_1233, %add3A_1231 : vector<16xf32>
      %swap3A_1235 = arith.constant 50 : i32
      %swap3A_1236 = arith.index_cast %swap3A_1235 : i32 to index
      %swap3A_1237 = arith.constant 0 : index
      %swap3A_1238 = tpu.vector_load %arg11[%swap3A_1236, %swap3A_1237] {strides = array<i32>} : memref<64x16xf32, #tpu.memory_space<vmem>>, vector<16xf32>,
      tpu.vector_store %arg11[%swap3A_1236, %swap3A_1237], %div3A_1234 {add = true, strides = array<i32>} : memref<64x16xf32, #tpu.memory_space<vmem>>, vector<16xf32>,
      %add3A_1239 = arith.addf %add3A_576, %get3A_1226 : vector<16xf32>
      %exp3A_1240 = math.exp %add3A_1239 : vector<16xf32>
      %add3A_1241 = arith.constant 1.000000e+00 : f32
      %add3A_1242 = vector.broadcast %add3A_1241 : f32 to vector<16xf32>
      %add3A_1243 = arith.addf %add3A_1242, %exp3A_1240 : vector<16xf32>
      %div3A_1244 = arith.constant 1.000000e+00 : f32
      %div3A_1245 = vector.broadcast %div3A_1244 : f32 to vector<16xf32>
      %div3A_1246 = arith.divf %div3A_1245, %add3A_1243 : vector<16xf32>
      %swap3A_1247 = arith.constant 51 : i32
      %swap3A_1248 = arith.index_cast %swap3A_1247 : i32 to index
      %swap3A_1249 = arith.constant 0 : index
      %swap3A_1250 = tpu.vector_load %arg11[%swap3A_1248, %swap3A_1249] {strides = array<i32>} : memref<64x16xf32, #tpu.memory_space<vmem>>, vector<16xf32>,
      tpu.vector_store %arg11[%swap3A_1248, %swap3A_1249], %div3A_1246 {add = true, strides = array<i32>} : memref<64x16xf32, #tpu.memory_space<vmem>>, vector<16xf32>,
      %get3A_1251 = arith.constant 416 : index
      %get3A_1252 = tpu.vector_load %arg10[%get3A_1251] {strides = array<i32>} : memref<512xf32, #tpu.memory_space<vmem>>, vector<16xf32>,
      %add3A_1253 = arith.addf %add3A_571, %get3A_1252 : vector<16xf32>
      %exp3A_1254 = math.exp %add3A_1253 : vector<16xf32>
      %add3A_1255 = arith.constant 1.000000e+00 : f32
      %add3A_1256 = vector.broadcast %add3A_1255 : f32 to vector<16xf32>
      %add3A_1257 = arith.addf %add3A_1256, %exp3A_1254 : vector<16xf32>
      %div3A_1258 = arith.constant 1.000000e+00 : f32
      %div3A_1259 = vector.broadcast %div3A_1258 : f32 to vector<16xf32>
      %div3A_1260 = arith.divf %div3A_1259, %add3A_1257 : vector<16xf32>
      %swap3A_1261 = arith.constant 52 : i32
      %swap3A_1262 = arith.index_cast %swap3A_1261 : i32 to index
      %swap3A_1263 = arith.constant 0 : index
      %swap3A_1264 = tpu.vector_load %arg11[%swap3A_1262, %swap3A_1263] {strides = array<i32>} : memref<64x16xf32, #tpu.memory_space<vmem>>, vector<16xf32>,
      tpu.vector_store %arg11[%swap3A_1262, %swap3A_1263], %div3A_1260 {add = true, strides = array<i32>} : memref<64x16xf32, #tpu.memory_space<vmem>>, vector<16xf32>,
      %add3A_1265 = arith.addf %add3A_576, %get3A_1252 : vector<16xf32>
      %exp3A_1266 = math.exp %add3A_1265 : vector<16xf32>
      %add3A_1267 = arith.constant 1.000000e+00 : f32
      %add3A_1268 = vector.broadcast %add3A_1267 : f32 to vector<16xf32>
      %add3A_1269 = arith.addf %add3A_1268, %exp3A_1266 : vector<16xf32>
      %div3A_1270 = arith.constant 1.000000e+00 : f32
      %div3A_1271 = vector.broadcast %div3A_1270 : f32 to vector<16xf32>
      %div3A_1272 = arith.divf %div3A_1271, %add3A_1269 : vector<16xf32>
      %swap3A_1273 = arith.constant 53 : i32
      %swap3A_1274 = arith.index_cast %swap3A_1273 : i32 to index
      %swap3A_1275 = arith.constant 0 : index
      %swap3A_1276 = tpu.vector_load %arg11[%swap3A_1274, %swap3A_1275] {strides = array<i32>} : memref<64x16xf32, #tpu.memory_space<vmem>>, vector<16xf32>,
      tpu.vector_store %arg11[%swap3A_1274, %swap3A_1275], %div3A_1272 {add = true, strides = array<i32>} : memref<64x16xf32, #tpu.memory_space<vmem>>, vector<16xf32>,
      %get3A_1277 = arith.constant 432 : index
      %get3A_1278 = tpu.vector_load %arg10[%get3A_1277] {strides = array<i32>} : memref<512xf32, #tpu.memory_space<vmem>>, vector<16xf32>,
      %add3A_1279 = arith.addf %add3A_571, %get3A_1278 : vector<16xf32>
      %exp3A_1280 = math.exp %add3A_1279 : vector<16xf32>
      %add3A_1281 = arith.constant 1.000000e+00 : f32
      %add3A_1282 = vector.broadcast %add3A_1281 : f32 to vector<16xf32>
      %add3A_1283 = arith.addf %add3A_1282, %exp3A_1280 : vector<16xf32>
      %div3A_1284 = arith.constant 1.000000e+00 : f32
      %div3A_1285 = vector.broadcast %div3A_1284 : f32 to vector<16xf32>
      %div3A_1286 = arith.divf %div3A_1285, %add3A_1283 : vector<16xf32>
      %swap3A_1287 = arith.constant 54 : i32
      %swap3A_1288 = arith.index_cast %swap3A_1287 : i32 to index
      %swap3A_1289 = arith.constant 0 : index
      %swap3A_1290 = tpu.vector_load %arg11[%swap3A_1288, %swap3A_1289] {strides = array<i32>} : memref<64x16xf32, #tpu.memory_space<vmem>>, vector<16xf32>,
      tpu.vector_store %arg11[%swap3A_1288, %swap3A_1289], %div3A_1286 {add = true, strides = array<i32>} : memref<64x16xf32, #tpu.memory_space<vmem>>, vector<16xf32>,
      %add3A_1291 = arith.addf %add3A_576, %get3A_1278 : vector<16xf32>
      %exp3A_1292 = math.exp %add3A_1291 : vector<16xf32>
      %add3A_1293 = arith.constant 1.000000e+00 : f32
      %add3A_1294 = vector.broadcast %add3A_1293 : f32 to vector<16xf32>
      %add3A_1295 = arith.addf %add3A_1294, %exp3A_1292 : vector<16xf32>
      %div3A_1296 = arith.constant 1.000000e+00 : f32
      %div3A_1297 = vector.broadcast %div3A_1296 : f32 to vector<16xf32>
      %div3A_1298 = arith.divf %div3A_1297, %add3A_1295 : vector<16xf32>
      %swap3A_1299 = arith.constant 55 : i32
      %swap3A_1300 = arith.index_cast %swap3A_1299 : i32 to index
      %swap3A_1301 = arith.constant 0 : index
      %swap3A_1302 = tpu.vector_load %arg11[%swap3A_1300, %swap3A_1301] {strides = array<i32>} : memref<64x16xf32, #tpu.memory_space<vmem>>, vector<16xf32>,
      tpu.vector_store %arg11[%swap3A_1300, %swap3A_1301], %div3A_1298 {add = true, strides = array<i32>} : memref<64x16xf32, #tpu.memory_space<vmem>>, vector<16xf32>,
      %get3A_1303 = arith.constant 448 : index
      %get3A_1304 = tpu.vector_load %arg10[%get3A_1303] {strides = array<i32>} : memref<512xf32, #tpu.memory_space<vmem>>, vector<16xf32>,
      %add3A_1305 = arith.addf %add3A_571, %get3A_1304 : vector<16xf32>
      %exp3A_1306 = math.exp %add3A_1305 : vector<16xf32>
      %add3A_1307 = arith.constant 1.000000e+00 : f32
      %add3A_1308 = vector.broadcast %add3A_1307 : f32 to vector<16xf32>
      %add3A_1309 = arith.addf %add3A_1308, %exp3A_1306 : vector<16xf32>
      %div3A_1310 = arith.constant 1.000000e+00 : f32
      %div3A_1311 = vector.broadcast %div3A_1310 : f32 to vector<16xf32>
      %div3A_1312 = arith.divf %div3A_1311, %add3A_1309 : vector<16xf32>
      %swap3A_1313 = arith.constant 56 : i32
      %swap3A_1314 = arith.index_cast %swap3A_1313 : i32 to index
      %swap3A_1315 = arith.constant 0 : index
      %swap3A_1316 = tpu.vector_load %arg11[%swap3A_1314, %swap3A_1315] {strides = array<i32>} : memref<64x16xf32, #tpu.memory_space<vmem>>, vector<16xf32>,
      tpu.vector_store %arg11[%swap3A_1314, %swap3A_1315], %div3A_1312 {add = true, strides = array<i32>} : memref<64x16xf32, #tpu.memory_space<vmem>>, vector<16xf32>,
      %add3A_1317 = arith.addf %add3A_576, %get3A_1304 : vector<16xf32>
      %exp3A_1318 = math.exp %add3A_1317 : vector<16xf32>
      %add3A_1319 = arith.constant 1.000000e+00 : f32
      %add3A_1320 = vector.broadcast %add3A_1319 : f32 to vector<16xf32>
      %add3A_1321 = arith.addf %add3A_1320, %exp3A_1318 : vector<16xf32>
      %div3A_1322 = arith.constant 1.000000e+00 : f32
      %div3A_1323 = vector.broadcast %div3A_1322 : f32 to vector<16xf32>
      %div3A_1324 = arith.divf %div3A_1323, %add3A_1321 : vector<16xf32>
      %swap3A_1325 = arith.constant 57 : i32
      %swap3A_1326 = arith.index_cast %swap3A_1325 : i32 to index
      %swap3A_1327 = arith.constant 0 : index
      %swap3A_1328 = tpu.vector_load %arg11[%swap3A_1326, %swap3A_1327] {strides = array<i32>} : memref<64x16xf32, #tpu.memory_space<vmem>>, vector<16xf32>,
      tpu.vector_store %arg11[%swap3A_1326, %swap3A_1327], %div3A_1324 {add = true, strides = array<i32>} : memref<64x16xf32, #tpu.memory_space<vmem>>, vector<16xf32>,
      %get3A_1329 = arith.constant 464 : index
      %get3A_1330 = tpu.vector_load %arg10[%get3A_1329] {strides = array<i32>} : memref<512xf32, #tpu.memory_space<vmem>>, vector<16xf32>,
      %add3A_1331 = arith.addf %add3A_571, %get3A_1330 : vector<16xf32>
      %exp3A_1332 = math.exp %add3A_1331 : vector<16xf32>
      %add3A_1333 = arith.constant 1.000000e+00 : f32
      %add3A_1334 = vector.broadcast %add3A_1333 : f32 to vector<16xf32>
      %add3A_1335 = arith.addf %add3A_1334, %exp3A_1332 : vector<16xf32>
      %div3A_1336 = arith.constant 1.000000e+00 : f32
      %div3A_1337 = vector.broadcast %div3A_1336 : f32 to vector<16xf32>
      %div3A_1338 = arith.divf %div3A_1337, %add3A_1335 : vector<16xf32>
      %swap3A_1339 = arith.constant 58 : i32
      %swap3A_1340 = arith.index_cast %swap3A_1339 : i32 to index
      %swap3A_1341 = arith.constant 0 : index
      %swap3A_1342 = tpu.vector_load %arg11[%swap3A_1340, %swap3A_1341] {strides = array<i32>} : memref<64x16xf32, #tpu.memory_space<vmem>>, vector<16xf32>,
      tpu.vector_store %arg11[%swap3A_1340, %swap3A_1341], %div3A_1338 {add = true, strides = array<i32>} : memref<64x16xf32, #tpu.memory_space<vmem>>, vector<16xf32>,
      %add3A_1343 = arith.addf %add3A_576, %get3A_1330 : vector<16xf32>
      %exp3A_1344 = math.exp %add3A_1343 : vector<16xf32>
      %add3A_1345 = arith.constant 1.000000e+00 : f32
      %add3A_1346 = vector.broadcast %add3A_1345 : f32 to vector<16xf32>
      %add3A_1347 = arith.addf %add3A_1346, %exp3A_1344 : vector<16xf32>
      %div3A_1348 = arith.constant 1.000000e+00 : f32
      %div3A_1349 = vector.broadcast %div3A_1348 : f32 to vector<16xf32>
      %div3A_1350 = arith.divf %div3A_1349, %add3A_1347 : vector<16xf32>
      %swap3A_1351 = arith.constant 59 : i32
      %swap3A_1352 = arith.index_cast %swap3A_1351 : i32 to index
      %swap3A_1353 = arith.constant 0 : index
      %swap3A_1354 = tpu.vector_load %arg11[%swap3A_1352, %swap3A_1353] {strides = array<i32>} : memref<64x16xf32, #tpu.memory_space<vmem>>, vector<16xf32>,
      tpu.vector_store %arg11[%swap3A_1352, %swap3A_1353], %div3A_1350 {add = true, strides = array<i32>} : memref<64x16xf32, #tpu.memory_space<vmem>>, vector<16xf32>,
      %get3A_1355 = arith.constant 480 : index
      %get3A_1356 = tpu.vector_load %arg10[%get3A_1355] {strides = array<i32>} : memref<512xf32, #tpu.memory_space<vmem>>, vector<16xf32>,
      %add3A_1357 = arith.addf %add3A_571, %get3A_1356 : vector<16xf32>
      %exp3A_1358 = math.exp %add3A_1357 : vector<16xf32>
      %add3A_1359 = arith.constant 1.000000e+00 : f32
      %add3A_1360 = vector.broadcast %add3A_1359 : f32 to vector<16xf32>
      %add3A_1361 = arith.addf %add3A_1360, %exp3A_1358 : vector<16xf32>
      %div3A_1362 = arith.constant 1.000000e+00 : f32
      %div3A_1363 = vector.broadcast %div3A_1362 : f32 to vector<16xf32>
      %div3A_1364 = arith.divf %div3A_1363, %add3A_1361 : vector<16xf32>
      %swap3A_1365 = arith.constant 60 : i32
      %swap3A_1366 = arith.index_cast %swap3A_1365 : i32 to index
      %swap3A_1367 = arith.constant 0 : index
      %swap3A_1368 = tpu.vector_load %arg11[%swap3A_1366, %swap3A_1367] {strides = array<i32>} : memref<64x16xf32, #tpu.memory_space<vmem>>, vector<16xf32>,
      tpu.vector_store %arg11[%swap3A_1366, %swap3A_1367], %div3A_1364 {add = true, strides = array<i32>} : memref<64x16xf32, #tpu.memory_space<vmem>>, vector<16xf32>,
      %add3A_1369 = arith.addf %add3A_576, %get3A_1356 : vector<16xf32>
      %exp3A_1370 = math.exp %add3A_1369 : vector<16xf32>
      %add3A_1371 = arith.constant 1.000000e+00 : f32
      %add3A_1372 = vector.broadcast %add3A_1371 : f32 to vector<16xf32>
      %add3A_1373 = arith.addf %add3A_1372, %exp3A_1370 : vector<16xf32>
      %div3A_1374 = arith.constant 1.000000e+00 : f32
      %div3A_1375 = vector.broadcast %div3A_1374 : f32 to vector<16xf32>
      %div3A_1376 = arith.divf %div3A_1375, %add3A_1373 : vector<16xf32>
      %swap3A_1377 = arith.constant 61 : i32
      %swap3A_1378 = arith.index_cast %swap3A_1377 : i32 to index
      %swap3A_1379 = arith.constant 0 : index
      %swap3A_1380 = tpu.vector_load %arg11[%swap3A_1378, %swap3A_1379] {strides = array<i32>} : memref<64x16xf32, #tpu.memory_space<vmem>>, vector<16xf32>,
      tpu.vector_store %arg11[%swap3A_1378, %swap3A_1379], %div3A_1376 {add = true, strides = array<i32>} : memref<64x16xf32, #tpu.memory_space<vmem>>, vector<16xf32>,
      %get3A_1381 = arith.constant 496 : index
      %get3A_1382 = tpu.vector_load %arg10[%get3A_1381] {strides = array<i32>} : memref<512xf32, #tpu.memory_space<vmem>>, vector<16xf32>,
      %add3A_1383 = arith.addf %add3A_571, %get3A_1382 : vector<16xf32>
      %exp3A_1384 = math.exp %add3A_1383 : vector<16xf32>
      %add3A_1385 = arith.constant 1.000000e+00 : f32
      %add3A_1386 = vector.broadcast %add3A_1385 : f32 to vector<16xf32>
      %add3A_1387 = arith.addf %add3A_1386, %exp3A_1384 : vector<16xf32>
      %div3A_1388 = arith.constant 1.000000e+00 : f32
      %div3A_1389 = vector.broadcast %div3A_1388 : f32 to vector<16xf32>
      %div3A_1390 = arith.divf %div3A_1389, %add3A_1387 : vector<16xf32>
      %swap3A_1391 = arith.constant 62 : i32
      %swap3A_1392 = arith.index_cast %swap3A_1391 : i32 to index
      %swap3A_1393 = arith.constant 0 : index
      %swap3A_1394 = tpu.vector_load %arg11[%swap3A_1392, %swap3A_1393] {strides = array<i32>} : memref<64x16xf32, #tpu.memory_space<vmem>>, vector<16xf32>,
      tpu.vector_store %arg11[%swap3A_1392, %swap3A_1393], %div3A_1390 {add = true, strides = array<i32>} : memref<64x16xf32, #tpu.memory_space<vmem>>, vector<16xf32>,
      %add3A_1395 = arith.addf %add3A_576, %get3A_1382 : vector<16xf32>
      %exp3A_1396 = math.exp %add3A_1395 : vector<16xf32>
      %add3A_1397 = arith.constant 1.000000e+00 : f32
      %add3A_1398 = vector.broadcast %add3A_1397 : f32 to vector<16xf32>
      %add3A_1399 = arith.addf %add3A_1398, %exp3A_1396 : vector<16xf32>
      %div3A_1400 = arith.constant 1.000000e+00 : f32
      %div3A_1401 = vector.broadcast %div3A_1400 : f32 to vector<16xf32>
      %div3A_1402 = arith.divf %div3A_1401, %add3A_1399 : vector<16xf32>
      %swap3A_1403 = arith.constant 63 : i32
      %swap3A_1404 = arith.index_cast %swap3A_1403 : i32 to index
      %swap3A_1405 = arith.constant 0 : index
      %swap3A_1406 = tpu.vector_load %arg11[%swap3A_1404, %swap3A_1405] {strides = array<i32>} : memref<64x16xf32, #tpu.memory_space<vmem>>, vector<16xf32>,
      tpu.vector_store %arg11[%swap3A_1404, %swap3A_1405], %div3A_1402 {add = true, strides = array<i32>} : memref<64x16xf32, #tpu.memory_space<vmem>>, vector<16xf32>,
      scf.yield %gather3A_546 : vector<16xi32>
    }
    %scan3A_274 = arith.constant 32 : i32
    %mul3A_275 = arith.constant 129 : i32
    %mul3A_276 = arith.muli %add3A, %mul3A_275 : i32
    %reduce_max3A = arith.constant true
    %reduce_max3A_277 = vector.broadcast %reduce_max3A : i1 to vector<16xi1>
    %reduce_max3A_278 = arith.constant -2147483648 : i32
    %reduce_max3A_279 = vector.broadcast %reduce_max3A_278 : i32 to vector<16xi32>
    %reduce_max3A_280 = arith.xori %scan3A_273, %reduce_max3A_279 : vector<16xi32>
    %reduce_max3A_281 = tpu.scan <max>, %reduce_max3A_280 masked %reduce_max3A_277 : vector<16xi32>, vector<16xi1> -> vector<16xi32>
    %reduce_max3A_282 = arith.xori %reduce_max3A_281, %reduce_max3A_279 : vector<16xi32>
    %reduce_max3A_283 = vector.extract %reduce_max3A_282[15] : i32 from vector<16xi32>
    %add3A_284 = arith.addi %mul3A_276, %reduce_max3A_283 : i32
    %mul3A_285 = arith.constant 64 : i32
    %mul3A_286 = arith.muli %add3A_284, %mul3A_285 : i32
    "tpu.region"() ({
      %run_scoped3A = tpu.sem_alloc : memref<!tpu.dma_semaphore, #tpu.memory_space<semaphore_mem>>
      %dma_start3A = arith.constant 0 : i32
      %dma_start3A_543 = tpu.memref_slice %arg6[%mul3A_286, %dma_start3A] : memref<264192x16xf32, #tpu.memory_space<hbm>> -> memref<64x16xf32, #tpu.memory_space<hbm>>
      %dma_start3A_544 = arith.constant 0 : i32
      %dma_start3A_545 = tpu.memref_slice %arg6[%mul3A_286, %dma_start3A_544] : memref<264192x16xf32, #tpu.memory_space<hbm>> -> memref<64x16xf32, #tpu.memory_space<hbm>>
      tpu.enqueue_dma source(%arg11 : memref<64x16xf32, #tpu.memory_space<vmem>>) target(%dma_start3A_545 : memref<64x16xf32, #tpu.memory_space<hbm>>) target_semaphore(%run_scoped3A : memref<!tpu.dma_semaphore, #tpu.memory_space<semaphore_mem>>)
      %dma_wait3A = arith.constant 0 : i32
      %dma_wait3A_546 = tpu.memref_slice %arg6[%mul3A_286, %dma_wait3A] : memref<264192x16xf32, #tpu.memory_space<hbm>> -> memref<64x16xf32, #tpu.memory_space<hbm>>
      %dma_wait3A_547 = arith.constant 0 : i32
      %dma_wait3A_548 = tpu.memref_slice %arg6[%mul3A_286, %dma_wait3A_547] : memref<264192x16xf32, #tpu.memory_space<hbm>> -> memref<64x16xf32, #tpu.memory_space<hbm>>
      tpu.wait_dma2 semaphore(%run_scoped3A : memref<!tpu.dma_semaphore, #tpu.memory_space<semaphore_mem>>) src(%arg11 : memref<64x16xf32, #tpu.memory_space<vmem>>) dst(%dma_wait3A_548 : memref<64x16xf32, #tpu.memory_space<hbm>>)
      tpu.yield
    }) : () -> ()
    %swap3A_287 = arith.constant 0 : i32
    %swap3A_288 = arith.index_cast %swap3A_287 : i32 to index
    %swap3A_289 = arith.constant 0 : index
    %swap3A_290 = tpu.vector_load %arg11[%swap3A_288, %swap3A_289] {strides = array<i32>} : memref<64x16xf32, #tpu.memory_space<vmem>>, vector<16xf32>,
    tpu.vector_store %arg11[%swap3A_288, %swap3A_289], %broadcast_in_dim3A_1 {strides = array<i32>} : memref<64x16xf32, #tpu.memory_space<vmem>>, vector<16xf32>,
    %swap3A_291 = arith.constant 1 : i32
    %swap3A_292 = arith.index_cast %swap3A_291 : i32 to index
    %swap3A_293 = arith.constant 0 : index
    %swap3A_294 = tpu.vector_load %arg11[%swap3A_292, %swap3A_293] {strides = array<i32>} : memref<64x16xf32, #tpu.memory_space<vmem>>, vector<16xf32>,
    tpu.vector_store %arg11[%swap3A_292, %swap3A_293], %broadcast_in_dim3A_1 {strides = array<i32>} : memref<64x16xf32, #tpu.memory_space<vmem>>, vector<16xf32>,
    %swap3A_295 = arith.constant 2 : i32
    %swap3A_296 = arith.index_cast %swap3A_295 : i32 to index
    %swap3A_297 = arith.constant 0 : index
    %swap3A_298 = tpu.vector_load %arg11[%swap3A_296, %swap3A_297] {strides = array<i32>} : memref<64x16xf32, #tpu.memory_space<vmem>>, vector<16xf32>,
    tpu.vector_store %arg11[%swap3A_296, %swap3A_297], %broadcast_in_dim3A_1 {strides = array<i32>} : memref<64x16xf32, #tpu.memory_space<vmem>>, vector<16xf32>,
    %swap3A_299 = arith.constant 3 : i32
    %swap3A_300 = arith.index_cast %swap3A_299 : i32 to index
    %swap3A_301 = arith.constant 0 : index
    %swap3A_302 = tpu.vector_load %arg11[%swap3A_300, %swap3A_301] {strides = array<i32>} : memref<64x16xf32, #tpu.memory_space<vmem>>, vector<16xf32>,
    tpu.vector_store %arg11[%swap3A_300, %swap3A_301], %broadcast_in_dim3A_1 {strides = array<i32>} : memref<64x16xf32, #tpu.memory_space<vmem>>, vector<16xf32>,
    %swap3A_303 = arith.constant 4 : i32
    %swap3A_304 = arith.index_cast %swap3A_303 : i32 to index
    %swap3A_305 = arith.constant 0 : index
    %swap3A_306 = tpu.vector_load %arg11[%swap3A_304, %swap3A_305] {strides = array<i32>} : memref<64x16xf32, #tpu.memory_space<vmem>>, vector<16xf32>,
    tpu.vector_store %arg11[%swap3A_304, %swap3A_305], %broadcast_in_dim3A_1 {strides = array<i32>} : memref<64x16xf32, #tpu.memory_space<vmem>>, vector<16xf32>,
    %swap3A_307 = arith.constant 5 : i32
    %swap3A_308 = arith.index_cast %swap3A_307 : i32 to index
    %swap3A_309 = arith.constant 0 : index
    %swap3A_310 = tpu.vector_load %arg11[%swap3A_308, %swap3A_309] {strides = array<i32>} : memref<64x16xf32, #tpu.memory_space<vmem>>, vector<16xf32>,
    tpu.vector_store %arg11[%swap3A_308, %swap3A_309], %broadcast_in_dim3A_1 {strides = array<i32>} : memref<64x16xf32, #tpu.memory_space<vmem>>, vector<16xf32>,
    %swap3A_311 = arith.constant 6 : i32
    %swap3A_312 = arith.index_cast %swap3A_311 : i32 to index
    %swap3A_313 = arith.constant 0 : index
    %swap3A_314 = tpu.vector_load %arg11[%swap3A_312, %swap3A_313] {strides = array<i32>} : memref<64x16xf32, #tpu.memory_space<vmem>>, vector<16xf32>,
    tpu.vector_store %arg11[%swap3A_312, %swap3A_313], %broadcast_in_dim3A_1 {strides = array<i32>} : memref<64x16xf32, #tpu.memory_space<vmem>>, vector<16xf32>,
    %swap3A_315 = arith.constant 7 : i32
    %swap3A_316 = arith.index_cast %swap3A_315 : i32 to index
    %swap3A_317 = arith.constant 0 : index
    %swap3A_318 = tpu.vector_load %arg11[%swap3A_316, %swap3A_317] {strides = array<i32>} : memref<64x16xf32, #tpu.memory_space<vmem>>, vector<16xf32>,
    tpu.vector_store %arg11[%swap3A_316, %swap3A_317], %broadcast_in_dim3A_1 {strides = array<i32>} : memref<64x16xf32, #tpu.memory_space<vmem>>, vector<16xf32>,
    %swap3A_319 = arith.constant 8 : i32
    %swap3A_320 = arith.index_cast %swap3A_319 : i32 to index
    %swap3A_321 = arith.constant 0 : index
    %swap3A_322 = tpu.vector_load %arg11[%swap3A_320, %swap3A_321] {strides = array<i32>} : memref<64x16xf32, #tpu.memory_space<vmem>>, vector<16xf32>,
    tpu.vector_store %arg11[%swap3A_320, %swap3A_321], %broadcast_in_dim3A_1 {strides = array<i32>} : memref<64x16xf32, #tpu.memory_space<vmem>>, vector<16xf32>,
    %swap3A_323 = arith.constant 9 : i32
    %swap3A_324 = arith.index_cast %swap3A_323 : i32 to index
    %swap3A_325 = arith.constant 0 : index
    %swap3A_326 = tpu.vector_load %arg11[%swap3A_324, %swap3A_325] {strides = array<i32>} : memref<64x16xf32, #tpu.memory_space<vmem>>, vector<16xf32>,
    tpu.vector_store %arg11[%swap3A_324, %swap3A_325], %broadcast_in_dim3A_1 {strides = array<i32>} : memref<64x16xf32, #tpu.memory_space<vmem>>, vector<16xf32>,
    %swap3A_327 = arith.constant 10 : i32
    %swap3A_328 = arith.index_cast %swap3A_327 : i32 to index
    %swap3A_329 = arith.constant 0 : index
    %swap3A_330 = tpu.vector_load %arg11[%swap3A_328, %swap3A_329] {strides = array<i32>} : memref<64x16xf32, #tpu.memory_space<vmem>>, vector<16xf32>,
    tpu.vector_store %arg11[%swap3A_328, %swap3A_329], %broadcast_in_dim3A_1 {strides = array<i32>} : memref<64x16xf32, #tpu.memory_space<vmem>>, vector<16xf32>,
    %swap3A_331 = arith.constant 11 : i32
    %swap3A_332 = arith.index_cast %swap3A_331 : i32 to index
    %swap3A_333 = arith.constant 0 : index
    %swap3A_334 = tpu.vector_load %arg11[%swap3A_332, %swap3A_333] {strides = array<i32>} : memref<64x16xf32, #tpu.memory_space<vmem>>, vector<16xf32>,
    tpu.vector_store %arg11[%swap3A_332, %swap3A_333], %broadcast_in_dim3A_1 {strides = array<i32>} : memref<64x16xf32, #tpu.memory_space<vmem>>, vector<16xf32>,
    %swap3A_335 = arith.constant 12 : i32
    %swap3A_336 = arith.index_cast %swap3A_335 : i32 to index
    %swap3A_337 = arith.constant 0 : index
    %swap3A_338 = tpu.vector_load %arg11[%swap3A_336, %swap3A_337] {strides = array<i32>} : memref<64x16xf32, #tpu.memory_space<vmem>>, vector<16xf32>,
    tpu.vector_store %arg11[%swap3A_336, %swap3A_337], %broadcast_in_dim3A_1 {strides = array<i32>} : memref<64x16xf32, #tpu.memory_space<vmem>>, vector<16xf32>,
    %swap3A_339 = arith.constant 13 : i32
    %swap3A_340 = arith.index_cast %swap3A_339 : i32 to index
    %swap3A_341 = arith.constant 0 : index
    %swap3A_342 = tpu.vector_load %arg11[%swap3A_340, %swap3A_341] {strides = array<i32>} : memref<64x16xf32, #tpu.memory_space<vmem>>, vector<16xf32>,
    tpu.vector_store %arg11[%swap3A_340, %swap3A_341], %broadcast_in_dim3A_1 {strides = array<i32>} : memref<64x16xf32, #tpu.memory_space<vmem>>, vector<16xf32>,
    %swap3A_343 = arith.constant 14 : i32
    %swap3A_344 = arith.index_cast %swap3A_343 : i32 to index
    %swap3A_345 = arith.constant 0 : index
    %swap3A_346 = tpu.vector_load %arg11[%swap3A_344, %swap3A_345] {strides = array<i32>} : memref<64x16xf32, #tpu.memory_space<vmem>>, vector<16xf32>,
    tpu.vector_store %arg11[%swap3A_344, %swap3A_345], %broadcast_in_dim3A_1 {strides = array<i32>} : memref<64x16xf32, #tpu.memory_space<vmem>>, vector<16xf32>,
    %swap3A_347 = arith.constant 15 : i32
    %swap3A_348 = arith.index_cast %swap3A_347 : i32 to index
    %swap3A_349 = arith.constant 0 : index
    %swap3A_350 = tpu.vector_load %arg11[%swap3A_348, %swap3A_349] {strides = array<i32>} : memref<64x16xf32, #tpu.memory_space<vmem>>, vector<16xf32>,
    tpu.vector_store %arg11[%swap3A_348, %swap3A_349], %broadcast_in_dim3A_1 {strides = array<i32>} : memref<64x16xf32, #tpu.memory_space<vmem>>, vector<16xf32>,
    %swap3A_351 = arith.constant 16 : i32
    %swap3A_352 = arith.index_cast %swap3A_351 : i32 to index
    %swap3A_353 = arith.constant 0 : index
    %swap3A_354 = tpu.vector_load %arg11[%swap3A_352, %swap3A_353] {strides = array<i32>} : memref<64x16xf32, #tpu.memory_space<vmem>>, vector<16xf32>,
    tpu.vector_store %arg11[%swap3A_352, %swap3A_353], %broadcast_in_dim3A_1 {strides = array<i32>} : memref<64x16xf32, #tpu.memory_space<vmem>>, vector<16xf32>,
    %swap3A_355 = arith.constant 17 : i32
    %swap3A_356 = arith.index_cast %swap3A_355 : i32 to index
    %swap3A_357 = arith.constant 0 : index
    %swap3A_358 = tpu.vector_load %arg11[%swap3A_356, %swap3A_357] {strides = array<i32>} : memref<64x16xf32, #tpu.memory_space<vmem>>, vector<16xf32>,
    tpu.vector_store %arg11[%swap3A_356, %swap3A_357], %broadcast_in_dim3A_1 {strides = array<i32>} : memref<64x16xf32, #tpu.memory_space<vmem>>, vector<16xf32>,
    %swap3A_359 = arith.constant 18 : i32
    %swap3A_360 = arith.index_cast %swap3A_359 : i32 to index
    %swap3A_361 = arith.constant 0 : index
    %swap3A_362 = tpu.vector_load %arg11[%swap3A_360, %swap3A_361] {strides = array<i32>} : memref<64x16xf32, #tpu.memory_space<vmem>>, vector<16xf32>,
    tpu.vector_store %arg11[%swap3A_360, %swap3A_361], %broadcast_in_dim3A_1 {strides = array<i32>} : memref<64x16xf32, #tpu.memory_space<vmem>>, vector<16xf32>,
    %swap3A_363 = arith.constant 19 : i32
    %swap3A_364 = arith.index_cast %swap3A_363 : i32 to index
    %swap3A_365 = arith.constant 0 : index
    %swap3A_366 = tpu.vector_load %arg11[%swap3A_364, %swap3A_365] {strides = array<i32>} : memref<64x16xf32, #tpu.memory_space<vmem>>, vector<16xf32>,
    tpu.vector_store %arg11[%swap3A_364, %swap3A_365], %broadcast_in_dim3A_1 {strides = array<i32>} : memref<64x16xf32, #tpu.memory_space<vmem>>, vector<16xf32>,
    %swap3A_367 = arith.constant 20 : i32
    %swap3A_368 = arith.index_cast %swap3A_367 : i32 to index
    %swap3A_369 = arith.constant 0 : index
    %swap3A_370 = tpu.vector_load %arg11[%swap3A_368, %swap3A_369] {strides = array<i32>} : memref<64x16xf32, #tpu.memory_space<vmem>>, vector<16xf32>,
    tpu.vector_store %arg11[%swap3A_368, %swap3A_369], %broadcast_in_dim3A_1 {strides = array<i32>} : memref<64x16xf32, #tpu.memory_space<vmem>>, vector<16xf32>,
    %swap3A_371 = arith.constant 21 : i32
    %swap3A_372 = arith.index_cast %swap3A_371 : i32 to index
    %swap3A_373 = arith.constant 0 : index
    %swap3A_374 = tpu.vector_load %arg11[%swap3A_372, %swap3A_373] {strides = array<i32>} : memref<64x16xf32, #tpu.memory_space<vmem>>, vector<16xf32>,
    tpu.vector_store %arg11[%swap3A_372, %swap3A_373], %broadcast_in_dim3A_1 {strides = array<i32>} : memref<64x16xf32, #tpu.memory_space<vmem>>, vector<16xf32>,
    %swap3A_375 = arith.constant 22 : i32
    %swap3A_376 = arith.index_cast %swap3A_375 : i32 to index
    %swap3A_377 = arith.constant 0 : index
    %swap3A_378 = tpu.vector_load %arg11[%swap3A_376, %swap3A_377] {strides = array<i32>} : memref<64x16xf32, #tpu.memory_space<vmem>>, vector<16xf32>,
    tpu.vector_store %arg11[%swap3A_376, %swap3A_377], %broadcast_in_dim3A_1 {strides = array<i32>} : memref<64x16xf32, #tpu.memory_space<vmem>>, vector<16xf32>,
    %swap3A_379 = arith.constant 23 : i32
    %swap3A_380 = arith.index_cast %swap3A_379 : i32 to index
    %swap3A_381 = arith.constant 0 : index
    %swap3A_382 = tpu.vector_load %arg11[%swap3A_380, %swap3A_381] {strides = array<i32>} : memref<64x16xf32, #tpu.memory_space<vmem>>, vector<16xf32>,
    tpu.vector_store %arg11[%swap3A_380, %swap3A_381], %broadcast_in_dim3A_1 {strides = array<i32>} : memref<64x16xf32, #tpu.memory_space<vmem>>, vector<16xf32>,
    %swap3A_383 = arith.constant 24 : i32
    %swap3A_384 = arith.index_cast %swap3A_383 : i32 to index
    %swap3A_385 = arith.constant 0 : index
    %swap3A_386 = tpu.vector_load %arg11[%swap3A_384, %swap3A_385] {strides = array<i32>} : memref<64x16xf32, #tpu.memory_space<vmem>>, vector<16xf32>,
    tpu.vector_store %arg11[%swap3A_384, %swap3A_385], %broadcast_in_dim3A_1 {strides = array<i32>} : memref<64x16xf32, #tpu.memory_space<vmem>>, vector<16xf32>,
    %swap3A_387 = arith.constant 25 : i32
    %swap3A_388 = arith.index_cast %swap3A_387 : i32 to index
    %swap3A_389 = arith.constant 0 : index
    %swap3A_390 = tpu.vector_load %arg11[%swap3A_388, %swap3A_389] {strides = array<i32>} : memref<64x16xf32, #tpu.memory_space<vmem>>, vector<16xf32>,
    tpu.vector_store %arg11[%swap3A_388, %swap3A_389], %broadcast_in_dim3A_1 {strides = array<i32>} : memref<64x16xf32, #tpu.memory_space<vmem>>, vector<16xf32>,
    %swap3A_391 = arith.constant 26 : i32
    %swap3A_392 = arith.index_cast %swap3A_391 : i32 to index
    %swap3A_393 = arith.constant 0 : index
    %swap3A_394 = tpu.vector_load %arg11[%swap3A_392, %swap3A_393] {strides = array<i32>} : memref<64x16xf32, #tpu.memory_space<vmem>>, vector<16xf32>,
    tpu.vector_store %arg11[%swap3A_392, %swap3A_393], %broadcast_in_dim3A_1 {strides = array<i32>} : memref<64x16xf32, #tpu.memory_space<vmem>>, vector<16xf32>,
    %swap3A_395 = arith.constant 27 : i32
    %swap3A_396 = arith.index_cast %swap3A_395 : i32 to index
    %swap3A_397 = arith.constant 0 : index
    %swap3A_398 = tpu.vector_load %arg11[%swap3A_396, %swap3A_397] {strides = array<i32>} : memref<64x16xf32, #tpu.memory_space<vmem>>, vector<16xf32>,
    tpu.vector_store %arg11[%swap3A_396, %swap3A_397], %broadcast_in_dim3A_1 {strides = array<i32>} : memref<64x16xf32, #tpu.memory_space<vmem>>, vector<16xf32>,
    %swap3A_399 = arith.constant 28 : i32
    %swap3A_400 = arith.index_cast %swap3A_399 : i32 to index
    %swap3A_401 = arith.constant 0 : index
    %swap3A_402 = tpu.vector_load %arg11[%swap3A_400, %swap3A_401] {strides = array<i32>} : memref<64x16xf32, #tpu.memory_space<vmem>>, vector<16xf32>,
    tpu.vector_store %arg11[%swap3A_400, %swap3A_401], %broadcast_in_dim3A_1 {strides = array<i32>} : memref<64x16xf32, #tpu.memory_space<vmem>>, vector<16xf32>,
    %swap3A_403 = arith.constant 29 : i32
    %swap3A_404 = arith.index_cast %swap3A_403 : i32 to index
    %swap3A_405 = arith.constant 0 : index
    %swap3A_406 = tpu.vector_load %arg11[%swap3A_404, %swap3A_405] {strides = array<i32>} : memref<64x16xf32, #tpu.memory_space<vmem>>, vector<16xf32>,
    tpu.vector_store %arg11[%swap3A_404, %swap3A_405], %broadcast_in_dim3A_1 {strides = array<i32>} : memref<64x16xf32, #tpu.memory_space<vmem>>, vector<16xf32>,
    %swap3A_407 = arith.constant 30 : i32
    %swap3A_408 = arith.index_cast %swap3A_407 : i32 to index
    %swap3A_409 = arith.constant 0 : index
    %swap3A_410 = tpu.vector_load %arg11[%swap3A_408, %swap3A_409] {strides = array<i32>} : memref<64x16xf32, #tpu.memory_space<vmem>>, vector<16xf32>,
    tpu.vector_store %arg11[%swap3A_408, %swap3A_409], %broadcast_in_dim3A_1 {strides = array<i32>} : memref<64x16xf32, #tpu.memory_space<vmem>>, vector<16xf32>,
    %swap3A_411 = arith.constant 31 : i32
    %swap3A_412 = arith.index_cast %swap3A_411 : i32 to index
    %swap3A_413 = arith.constant 0 : index
    %swap3A_414 = tpu.vector_load %arg11[%swap3A_412, %swap3A_413] {strides = array<i32>} : memref<64x16xf32, #tpu.memory_space<vmem>>, vector<16xf32>,
    tpu.vector_store %arg11[%swap3A_412, %swap3A_413], %broadcast_in_dim3A_1 {strides = array<i32>} : memref<64x16xf32, #tpu.memory_space<vmem>>, vector<16xf32>,
    %swap3A_415 = arith.constant 32 : i32
    %swap3A_416 = arith.index_cast %swap3A_415 : i32 to index
    %swap3A_417 = arith.constant 0 : index
    %swap3A_418 = tpu.vector_load %arg11[%swap3A_416, %swap3A_417] {strides = array<i32>} : memref<64x16xf32, #tpu.memory_space<vmem>>, vector<16xf32>,
    tpu.vector_store %arg11[%swap3A_416, %swap3A_417], %broadcast_in_dim3A_1 {strides = array<i32>} : memref<64x16xf32, #tpu.memory_space<vmem>>, vector<16xf32>,
    %swap3A_419 = arith.constant 33 : i32
    %swap3A_420 = arith.index_cast %swap3A_419 : i32 to index
    %swap3A_421 = arith.constant 0 : index
    %swap3A_422 = tpu.vector_load %arg11[%swap3A_420, %swap3A_421] {strides = array<i32>} : memref<64x16xf32, #tpu.memory_space<vmem>>, vector<16xf32>,
    tpu.vector_store %arg11[%swap3A_420, %swap3A_421], %broadcast_in_dim3A_1 {strides = array<i32>} : memref<64x16xf32, #tpu.memory_space<vmem>>, vector<16xf32>,
    %swap3A_423 = arith.constant 34 : i32
    %swap3A_424 = arith.index_cast %swap3A_423 : i32 to index
    %swap3A_425 = arith.constant 0 : index
    %swap3A_426 = tpu.vector_load %arg11[%swap3A_424, %swap3A_425] {strides = array<i32>} : memref<64x16xf32, #tpu.memory_space<vmem>>, vector<16xf32>,
    tpu.vector_store %arg11[%swap3A_424, %swap3A_425], %broadcast_in_dim3A_1 {strides = array<i32>} : memref<64x16xf32, #tpu.memory_space<vmem>>, vector<16xf32>,
    %swap3A_427 = arith.constant 35 : i32
    %swap3A_428 = arith.index_cast %swap3A_427 : i32 to index
    %swap3A_429 = arith.constant 0 : index
    %swap3A_430 = tpu.vector_load %arg11[%swap3A_428, %swap3A_429] {strides = array<i32>} : memref<64x16xf32, #tpu.memory_space<vmem>>, vector<16xf32>,
    tpu.vector_store %arg11[%swap3A_428, %swap3A_429], %broadcast_in_dim3A_1 {strides = array<i32>} : memref<64x16xf32, #tpu.memory_space<vmem>>, vector<16xf32>,
    %swap3A_431 = arith.constant 36 : i32
    %swap3A_432 = arith.index_cast %swap3A_431 : i32 to index
    %swap3A_433 = arith.constant 0 : index
    %swap3A_434 = tpu.vector_load %arg11[%swap3A_432, %swap3A_433] {strides = array<i32>} : memref<64x16xf32, #tpu.memory_space<vmem>>, vector<16xf32>,
    tpu.vector_store %arg11[%swap3A_432, %swap3A_433], %broadcast_in_dim3A_1 {strides = array<i32>} : memref<64x16xf32, #tpu.memory_space<vmem>>, vector<16xf32>,
    %swap3A_435 = arith.constant 37 : i32
    %swap3A_436 = arith.index_cast %swap3A_435 : i32 to index
    %swap3A_437 = arith.constant 0 : index
    %swap3A_438 = tpu.vector_load %arg11[%swap3A_436, %swap3A_437] {strides = array<i32>} : memref<64x16xf32, #tpu.memory_space<vmem>>, vector<16xf32>,
    tpu.vector_store %arg11[%swap3A_436, %swap3A_437], %broadcast_in_dim3A_1 {strides = array<i32>} : memref<64x16xf32, #tpu.memory_space<vmem>>, vector<16xf32>,
    %swap3A_439 = arith.constant 38 : i32
    %swap3A_440 = arith.index_cast %swap3A_439 : i32 to index
    %swap3A_441 = arith.constant 0 : index
    %swap3A_442 = tpu.vector_load %arg11[%swap3A_440, %swap3A_441] {strides = array<i32>} : memref<64x16xf32, #tpu.memory_space<vmem>>, vector<16xf32>,
    tpu.vector_store %arg11[%swap3A_440, %swap3A_441], %broadcast_in_dim3A_1 {strides = array<i32>} : memref<64x16xf32, #tpu.memory_space<vmem>>, vector<16xf32>,
    %swap3A_443 = arith.constant 39 : i32
    %swap3A_444 = arith.index_cast %swap3A_443 : i32 to index
    %swap3A_445 = arith.constant 0 : index
    %swap3A_446 = tpu.vector_load %arg11[%swap3A_444, %swap3A_445] {strides = array<i32>} : memref<64x16xf32, #tpu.memory_space<vmem>>, vector<16xf32>,
    tpu.vector_store %arg11[%swap3A_444, %swap3A_445], %broadcast_in_dim3A_1 {strides = array<i32>} : memref<64x16xf32, #tpu.memory_space<vmem>>, vector<16xf32>,
    %swap3A_447 = arith.constant 40 : i32
    %swap3A_448 = arith.index_cast %swap3A_447 : i32 to index
    %swap3A_449 = arith.constant 0 : index
    %swap3A_450 = tpu.vector_load %arg11[%swap3A_448, %swap3A_449] {strides = array<i32>} : memref<64x16xf32, #tpu.memory_space<vmem>>, vector<16xf32>,
    tpu.vector_store %arg11[%swap3A_448, %swap3A_449], %broadcast_in_dim3A_1 {strides = array<i32>} : memref<64x16xf32, #tpu.memory_space<vmem>>, vector<16xf32>,
    %swap3A_451 = arith.constant 41 : i32
    %swap3A_452 = arith.index_cast %swap3A_451 : i32 to index
    %swap3A_453 = arith.constant 0 : index
    %swap3A_454 = tpu.vector_load %arg11[%swap3A_452, %swap3A_453] {strides = array<i32>} : memref<64x16xf32, #tpu.memory_space<vmem>>, vector<16xf32>,
    tpu.vector_store %arg11[%swap3A_452, %swap3A_453], %broadcast_in_dim3A_1 {strides = array<i32>} : memref<64x16xf32, #tpu.memory_space<vmem>>, vector<16xf32>,
    %swap3A_455 = arith.constant 42 : i32
    %swap3A_456 = arith.index_cast %swap3A_455 : i32 to index
    %swap3A_457 = arith.constant 0 : index
    %swap3A_458 = tpu.vector_load %arg11[%swap3A_456, %swap3A_457] {strides = array<i32>} : memref<64x16xf32, #tpu.memory_space<vmem>>, vector<16xf32>,
    tpu.vector_store %arg11[%swap3A_456, %swap3A_457], %broadcast_in_dim3A_1 {strides = array<i32>} : memref<64x16xf32, #tpu.memory_space<vmem>>, vector<16xf32>,
    %swap3A_459 = arith.constant 43 : i32
    %swap3A_460 = arith.index_cast %swap3A_459 : i32 to index
    %swap3A_461 = arith.constant 0 : index
    %swap3A_462 = tpu.vector_load %arg11[%swap3A_460, %swap3A_461] {strides = array<i32>} : memref<64x16xf32, #tpu.memory_space<vmem>>, vector<16xf32>,
    tpu.vector_store %arg11[%swap3A_460, %swap3A_461], %broadcast_in_dim3A_1 {strides = array<i32>} : memref<64x16xf32, #tpu.memory_space<vmem>>, vector<16xf32>,
    %swap3A_463 = arith.constant 44 : i32
    %swap3A_464 = arith.index_cast %swap3A_463 : i32 to index
    %swap3A_465 = arith.constant 0 : index
    %swap3A_466 = tpu.vector_load %arg11[%swap3A_464, %swap3A_465] {strides = array<i32>} : memref<64x16xf32, #tpu.memory_space<vmem>>, vector<16xf32>,
    tpu.vector_store %arg11[%swap3A_464, %swap3A_465], %broadcast_in_dim3A_1 {strides = array<i32>} : memref<64x16xf32, #tpu.memory_space<vmem>>, vector<16xf32>,
    %swap3A_467 = arith.constant 45 : i32
    %swap3A_468 = arith.index_cast %swap3A_467 : i32 to index
    %swap3A_469 = arith.constant 0 : index
    %swap3A_470 = tpu.vector_load %arg11[%swap3A_468, %swap3A_469] {strides = array<i32>} : memref<64x16xf32, #tpu.memory_space<vmem>>, vector<16xf32>,
    tpu.vector_store %arg11[%swap3A_468, %swap3A_469], %broadcast_in_dim3A_1 {strides = array<i32>} : memref<64x16xf32, #tpu.memory_space<vmem>>, vector<16xf32>,
    %swap3A_471 = arith.constant 46 : i32
    %swap3A_472 = arith.index_cast %swap3A_471 : i32 to index
    %swap3A_473 = arith.constant 0 : index
    %swap3A_474 = tpu.vector_load %arg11[%swap3A_472, %swap3A_473] {strides = array<i32>} : memref<64x16xf32, #tpu.memory_space<vmem>>, vector<16xf32>,
    tpu.vector_store %arg11[%swap3A_472, %swap3A_473], %broadcast_in_dim3A_1 {strides = array<i32>} : memref<64x16xf32, #tpu.memory_space<vmem>>, vector<16xf32>,
    %swap3A_475 = arith.constant 47 : i32
    %swap3A_476 = arith.index_cast %swap3A_475 : i32 to index
    %swap3A_477 = arith.constant 0 : index
    %swap3A_478 = tpu.vector_load %arg11[%swap3A_476, %swap3A_477] {strides = array<i32>} : memref<64x16xf32, #tpu.memory_space<vmem>>, vector<16xf32>,
    tpu.vector_store %arg11[%swap3A_476, %swap3A_477], %broadcast_in_dim3A_1 {strides = array<i32>} : memref<64x16xf32, #tpu.memory_space<vmem>>, vector<16xf32>,
    %swap3A_479 = arith.constant 48 : i32
    %swap3A_480 = arith.index_cast %swap3A_479 : i32 to index
    %swap3A_481 = arith.constant 0 : index
    %swap3A_482 = tpu.vector_load %arg11[%swap3A_480, %swap3A_481] {strides = array<i32>} : memref<64x16xf32, #tpu.memory_space<vmem>>, vector<16xf32>,
    tpu.vector_store %arg11[%swap3A_480, %swap3A_481], %broadcast_in_dim3A_1 {strides = array<i32>} : memref<64x16xf32, #tpu.memory_space<vmem>>, vector<16xf32>,
    %swap3A_483 = arith.constant 49 : i32
    %swap3A_484 = arith.index_cast %swap3A_483 : i32 to index
    %swap3A_485 = arith.constant 0 : index
    %swap3A_486 = tpu.vector_load %arg11[%swap3A_484, %swap3A_485] {strides = array<i32>} : memref<64x16xf32, #tpu.memory_space<vmem>>, vector<16xf32>,
    tpu.vector_store %arg11[%swap3A_484, %swap3A_485], %broadcast_in_dim3A_1 {strides = array<i32>} : memref<64x16xf32, #tpu.memory_space<vmem>>, vector<16xf32>,
    %swap3A_487 = arith.constant 50 : i32
    %swap3A_488 = arith.index_cast %swap3A_487 : i32 to index
    %swap3A_489 = arith.constant 0 : index
    %swap3A_490 = tpu.vector_load %arg11[%swap3A_488, %swap3A_489] {strides = array<i32>} : memref<64x16xf32, #tpu.memory_space<vmem>>, vector<16xf32>,
    tpu.vector_store %arg11[%swap3A_488, %swap3A_489], %broadcast_in_dim3A_1 {strides = array<i32>} : memref<64x16xf32, #tpu.memory_space<vmem>>, vector<16xf32>,
    %swap3A_491 = arith.constant 51 : i32
    %swap3A_492 = arith.index_cast %swap3A_491 : i32 to index
    %swap3A_493 = arith.constant 0 : index
    %swap3A_494 = tpu.vector_load %arg11[%swap3A_492, %swap3A_493] {strides = array<i32>} : memref<64x16xf32, #tpu.memory_space<vmem>>, vector<16xf32>,
    tpu.vector_store %arg11[%swap3A_492, %swap3A_493], %broadcast_in_dim3A_1 {strides = array<i32>} : memref<64x16xf32, #tpu.memory_space<vmem>>, vector<16xf32>,
    %swap3A_495 = arith.constant 52 : i32
    %swap3A_496 = arith.index_cast %swap3A_495 : i32 to index
    %swap3A_497 = arith.constant 0 : index
    %swap3A_498 = tpu.vector_load %arg11[%swap3A_496, %swap3A_497] {strides = array<i32>} : memref<64x16xf32, #tpu.memory_space<vmem>>, vector<16xf32>,
    tpu.vector_store %arg11[%swap3A_496, %swap3A_497], %broadcast_in_dim3A_1 {strides = array<i32>} : memref<64x16xf32, #tpu.memory_space<vmem>>, vector<16xf32>,
    %swap3A_499 = arith.constant 53 : i32
    %swap3A_500 = arith.index_cast %swap3A_499 : i32 to index
    %swap3A_501 = arith.constant 0 : index
    %swap3A_502 = tpu.vector_load %arg11[%swap3A_500, %swap3A_501] {strides = array<i32>} : memref<64x16xf32, #tpu.memory_space<vmem>>, vector<16xf32>,
    tpu.vector_store %arg11[%swap3A_500, %swap3A_501], %broadcast_in_dim3A_1 {strides = array<i32>} : memref<64x16xf32, #tpu.memory_space<vmem>>, vector<16xf32>,
    %swap3A_503 = arith.constant 54 : i32
    %swap3A_504 = arith.index_cast %swap3A_503 : i32 to index
    %swap3A_505 = arith.constant 0 : index
    %swap3A_506 = tpu.vector_load %arg11[%swap3A_504, %swap3A_505] {strides = array<i32>} : memref<64x16xf32, #tpu.memory_space<vmem>>, vector<16xf32>,
    tpu.vector_store %arg11[%swap3A_504, %swap3A_505], %broadcast_in_dim3A_1 {strides = array<i32>} : memref<64x16xf32, #tpu.memory_space<vmem>>, vector<16xf32>,
    %swap3A_507 = arith.constant 55 : i32
    %swap3A_508 = arith.index_cast %swap3A_507 : i32 to index
    %swap3A_509 = arith.constant 0 : index
    %swap3A_510 = tpu.vector_load %arg11[%swap3A_508, %swap3A_509] {strides = array<i32>} : memref<64x16xf32, #tpu.memory_space<vmem>>, vector<16xf32>,
    tpu.vector_store %arg11[%swap3A_508, %swap3A_509], %broadcast_in_dim3A_1 {strides = array<i32>} : memref<64x16xf32, #tpu.memory_space<vmem>>, vector<16xf32>,
    %swap3A_511 = arith.constant 56 : i32
    %swap3A_512 = arith.index_cast %swap3A_511 : i32 to index
    %swap3A_513 = arith.constant 0 : index
    %swap3A_514 = tpu.vector_load %arg11[%swap3A_512, %swap3A_513] {strides = array<i32>} : memref<64x16xf32, #tpu.memory_space<vmem>>, vector<16xf32>,
    tpu.vector_store %arg11[%swap3A_512, %swap3A_513], %broadcast_in_dim3A_1 {strides = array<i32>} : memref<64x16xf32, #tpu.memory_space<vmem>>, vector<16xf32>,
    %swap3A_515 = arith.constant 57 : i32
    %swap3A_516 = arith.index_cast %swap3A_515 : i32 to index
    %swap3A_517 = arith.constant 0 : index
    %swap3A_518 = tpu.vector_load %arg11[%swap3A_516, %swap3A_517] {strides = array<i32>} : memref<64x16xf32, #tpu.memory_space<vmem>>, vector<16xf32>,
    tpu.vector_store %arg11[%swap3A_516, %swap3A_517], %broadcast_in_dim3A_1 {strides = array<i32>} : memref<64x16xf32, #tpu.memory_space<vmem>>, vector<16xf32>,
    %swap3A_519 = arith.constant 58 : i32
    %swap3A_520 = arith.index_cast %swap3A_519 : i32 to index
    %swap3A_521 = arith.constant 0 : index
    %swap3A_522 = tpu.vector_load %arg11[%swap3A_520, %swap3A_521] {strides = array<i32>} : memref<64x16xf32, #tpu.memory_space<vmem>>, vector<16xf32>,
    tpu.vector_store %arg11[%swap3A_520, %swap3A_521], %broadcast_in_dim3A_1 {strides = array<i32>} : memref<64x16xf32, #tpu.memory_space<vmem>>, vector<16xf32>,
    %swap3A_523 = arith.constant 59 : i32
    %swap3A_524 = arith.index_cast %swap3A_523 : i32 to index
    %swap3A_525 = arith.constant 0 : index
    %swap3A_526 = tpu.vector_load %arg11[%swap3A_524, %swap3A_525] {strides = array<i32>} : memref<64x16xf32, #tpu.memory_space<vmem>>, vector<16xf32>,
    tpu.vector_store %arg11[%swap3A_524, %swap3A_525], %broadcast_in_dim3A_1 {strides = array<i32>} : memref<64x16xf32, #tpu.memory_space<vmem>>, vector<16xf32>,
    %swap3A_527 = arith.constant 60 : i32
    %swap3A_528 = arith.index_cast %swap3A_527 : i32 to index
    %swap3A_529 = arith.constant 0 : index
    %swap3A_530 = tpu.vector_load %arg11[%swap3A_528, %swap3A_529] {strides = array<i32>} : memref<64x16xf32, #tpu.memory_space<vmem>>, vector<16xf32>,
    tpu.vector_store %arg11[%swap3A_528, %swap3A_529], %broadcast_in_dim3A_1 {strides = array<i32>} : memref<64x16xf32, #tpu.memory_space<vmem>>, vector<16xf32>,
    %swap3A_531 = arith.constant 61 : i32
    %swap3A_532 = arith.index_cast %swap3A_531 : i32 to index
    %swap3A_533 = arith.constant 0 : index
    %swap3A_534 = tpu.vector_load %arg11[%swap3A_532, %swap3A_533] {strides = array<i32>} : memref<64x16xf32, #tpu.memory_space<vmem>>, vector<16xf32>,
    tpu.vector_store %arg11[%swap3A_532, %swap3A_533], %broadcast_in_dim3A_1 {strides = array<i32>} : memref<64x16xf32, #tpu.memory_space<vmem>>, vector<16xf32>,
    %swap3A_535 = arith.constant 62 : i32
    %swap3A_536 = arith.index_cast %swap3A_535 : i32 to index
    %swap3A_537 = arith.constant 0 : index
    %swap3A_538 = tpu.vector_load %arg11[%swap3A_536, %swap3A_537] {strides = array<i32>} : memref<64x16xf32, #tpu.memory_space<vmem>>, vector<16xf32>,
    tpu.vector_store %arg11[%swap3A_536, %swap3A_537], %broadcast_in_dim3A_1 {strides = array<i32>} : memref<64x16xf32, #tpu.memory_space<vmem>>, vector<16xf32>,
    %swap3A_539 = arith.constant 63 : i32
    %swap3A_540 = arith.index_cast %swap3A_539 : i32 to index
    %swap3A_541 = arith.constant 0 : index
    %swap3A_542 = tpu.vector_load %arg11[%swap3A_540, %swap3A_541] {strides = array<i32>} : memref<64x16xf32, #tpu.memory_space<vmem>>, vector<16xf32>,
    tpu.vector_store %arg11[%swap3A_540, %swap3A_541], %broadcast_in_dim3A_1 {strides = array<i32>} : memref<64x16xf32, #tpu.memory_space<vmem>>, vector<16xf32>,
    return
  }
}

module attributes {stable_mosaic.version = 14 : i64} {
  func.func @_ect_block_kernel(%arg0: i32, %arg1: memref<1x1x2000xi32, #tpu.memory_space<vmem>>, %arg2: memref<2000x3xf32, #tpu.memory_space<vmem>>, %arg3: memref<3x128xf32, #tpu.memory_space<vmem>>, %arg4: memref<8x128xf32, #tpu.memory_space<vmem>>, %arg5: memref<4x128x1xf32, #tpu.memory_space<vmem>>, %arg6: memref<4x128x1024xf32, #tpu.memory_space<vmem>>, %arg7: memref<128x1024xf32, #tpu.memory_space<vmem>>) attributes {dimension_semantics = [#tpu.dimension_semantics<arbitrary>], iteration_bounds = array<i64: 33>, scalar_prefetch = 0 : i64, scratch_operands = 0 : i64, tpu.core_type = #tpu.core_type<tc>, window_params = [{transform_indices = @transform_0, window_bounds = array<i64: 1, 1, 2000>}, {transform_indices = @transform_1, window_bounds = array<i64: 2000, 3>}, {pipeline_mode = #tpu.pipeline_mode<synchronous>, transform_indices = @transform_2, window_bounds = array<i64: 3, 128>}, {pipeline_mode = #tpu.pipeline_mode<synchronous>, transform_indices = @transform_3, window_bounds = array<i64: 8, 128>}, {transform_indices = @transform_4, window_bounds = array<i64: 4, 128, 1>}, {transform_indices = @transform_5, window_bounds = array<i64: 4, 128, 1024>}, {pipeline_mode = #tpu.pipeline_mode<synchronous>, transform_indices = @transform_6, window_bounds = array<i64: 128, 1024>}]} {
    %eq3A = arith.constant 0 : i32
    %eq3A_0 = arith.cmpi eq, %arg0, %eq3A : i32
    %convert_element_type3A = arith.extui %eq3A_0 : i1 to i32
    %cond3A = arith.constant 0 : i32
    %cond3A_1 = arith.cmpi ne, %convert_element_type3A, %cond3A : i32
    scf.if %cond3A_1 {
      %broadcast_in_dim3A = arith.constant 0.000000e+00 : f32
      %broadcast_in_dim3A_10 = vector.broadcast %broadcast_in_dim3A : f32 to vector<128x1024xf32>
      %swap3A = arith.constant 0 : index
      %swap3A_11 = arith.constant 0 : index
      %swap3A_12 = vector.load %arg7[%swap3A, %swap3A_11] : memref<128x1024xf32, #tpu.memory_space<vmem>>, vector<128x1024xf32>
      tpu.vector_store %arg7[%swap3A, %swap3A_11], %broadcast_in_dim3A_10 {strides = array<i32>} : memref<128x1024xf32, #tpu.memory_space<vmem>>, vector<128x1024xf32>,
    } else {
    }
    %lt3A = arith.constant 25 : i32
    %lt3A_2 = arith.cmpi slt, %arg0, %lt3A : i32
    %convert_element_type3A_3 = arith.extui %lt3A_2 : i1 to i32
    %cond3A_4 = arith.constant 0 : i32
    %cond3A_5 = arith.cmpi ne, %convert_element_type3A_3, %cond3A_4 : i32
    scf.if %cond3A_5 {
      %get3A = arith.constant 0 : index
      %get3A_10 = arith.constant 0 : index
      %get3A_11 = vector.load %arg2[%get3A, %get3A_10] : memref<2000x3xf32, #tpu.memory_space<vmem>>, vector<2000x3xf32>
      %get3A_12 = arith.constant 0 : index
      %get3A_13 = arith.constant 0 : index
      %get3A_14 = vector.load %arg3[%get3A_12, %get3A_13] : memref<3x128xf32, #tpu.memory_space<vmem>>, vector<3x128xf32>
      %dot_general3A = arith.constant dense<0.000000e+00> : vector<2000x128xf32>
      %dot_general3A_15 = tpu.matmul %get3A_11, %get3A_14, %dot_general3A {dimension_numbers = #tpu.dot_dimension_numbers<[1], [0], [0], [1], [0, 0, 1, 1], [], []>, transpose_lhs_hint = false} : vector<2000x3xf32>, vector<3x128xf32>, vector<2000x128xf32> -> vector<2000x128xf32>
      %get3A_16 = arith.constant 0 : index
      %get3A_17 = arith.constant 0 : index
      %get3A_18 = arith.constant 0 : index
      %get3A_19 = vector.load %arg1[%get3A_16, %get3A_17, %get3A_18] : memref<1x1x2000xi32, #tpu.memory_space<vmem>>, vector<1x1x2000xi32>
      %get3A_20 = vector.shape_cast %get3A_19 : vector<1x1x2000xi32> to vector<2000xi32>
      %reshape3A = vector.shape_cast %get3A_20 : vector<2000xi32> to vector<2000x1xi32>
      %iota3A = tpu.iota {dimensions = array<i32: 1>} : vector<2000x128xi32>
      %eq3A_21 = vector.broadcast %reshape3A : vector<2000x1xi32> to vector<2000x128xi32>
      %eq3A_22 = arith.cmpi eq, %eq3A_21, %iota3A : vector<2000x128xi32>
      %convert_element_type3A_23 = arith.extui %eq3A_22 : vector<2000x128xi1> to vector<2000x128xi32>
      %convert_element_type3A_24 = arith.sitofp %convert_element_type3A_23 : vector<2000x128xi32> to vector<2000x128xf32>
      %get3A_25 = arith.constant 0 : index
      %get3A_26 = arith.constant 0 : index
      %get3A_27 = vector.load %arg4[%get3A_25, %get3A_26] : memref<8x128xf32, #tpu.memory_space<vmem>>, vector<1x128xf32>
      %sub3A = vector.broadcast %get3A_27 : vector<1x128xf32> to vector<2000x128xf32>
      %sub3A_28 = arith.subf %sub3A, %dot_general3A_15 : vector<2000x128xf32>
      %mul3A = arith.constant 1.000000e+02 : f32
      %mul3A_29 = vector.broadcast %mul3A : f32 to vector<2000x128xf32>
      %mul3A_30 = arith.mulf %mul3A_29, %sub3A_28 : vector<2000x128xf32>
      %logistic3A = arith.negf %mul3A_30 : vector<2000x128xf32>
      %logistic3A_31 = math.exp %logistic3A : vector<2000x128xf32>
      %logistic3A_32 = arith.constant 1.000000e+00 : f32
      %logistic3A_33 = vector.broadcast %logistic3A_32 : f32 to vector<2000x128xf32>
      %logistic3A_34 = arith.addf %logistic3A_33, %logistic3A_31 : vector<2000x128xf32>
      %logistic3A_35 = arith.divf %logistic3A_33, %logistic3A_34 : vector<2000x128xf32>
      %dot_general3A_36 = arith.constant dense<0.000000e+00> : vector<128x128xf32>
      %dot_general3A_37 = tpu.matmul %convert_element_type3A_24, %logistic3A_35, %dot_general3A_36 {dimension_numbers = #tpu.dot_dimension_numbers<[0], [0], [1], [1], [0, 1, 1, 1], [], []>, transpose_lhs_hint = false} : vector<2000x128xf32>, vector<2000x128xf32>, vector<128x128xf32> -> vector<128x128xf32>
      %get3A_38 = arith.constant 0 : index
      %get3A_39 = arith.constant 0 : index
      %get3A_40 = vector.load %arg7[%get3A_38, %get3A_39] : memref<128x1024xf32, #tpu.memory_space<vmem>>, vector<128x128xf32>
      %add3A = arith.addf %get3A_40, %dot_general3A_37 : vector<128x128xf32>
      %swap3A = arith.constant 0 : index
      %swap3A_41 = arith.constant 0 : index
      %swap3A_42 = vector.load %arg7[%swap3A, %swap3A_41] : memref<128x1024xf32, #tpu.memory_space<vmem>>, vector<128x128xf32>
      tpu.vector_store %arg7[%swap3A, %swap3A_41], %add3A {strides = array<i32>} : memref<128x1024xf32, #tpu.memory_space<vmem>>, vector<128x128xf32>,
      %get3A_43 = arith.constant 1 : index
      %get3A_44 = arith.constant 0 : index
      %get3A_45 = vector.load %arg4[%get3A_43, %get3A_44] : memref<8x128xf32, #tpu.memory_space<vmem>>, vector<1x128xf32>
      %sub3A_46 = vector.broadcast %get3A_45 : vector<1x128xf32> to vector<2000x128xf32>
      %sub3A_47 = arith.subf %sub3A_46, %dot_general3A_15 : vector<2000x128xf32>
      %mul3A_48 = arith.constant 1.000000e+02 : f32
      %mul3A_49 = vector.broadcast %mul3A_48 : f32 to vector<2000x128xf32>
      %mul3A_50 = arith.mulf %mul3A_49, %sub3A_47 : vector<2000x128xf32>
      %logistic3A_51 = arith.negf %mul3A_50 : vector<2000x128xf32>
      %logistic3A_52 = math.exp %logistic3A_51 : vector<2000x128xf32>
      %logistic3A_53 = arith.constant 1.000000e+00 : f32
      %logistic3A_54 = vector.broadcast %logistic3A_53 : f32 to vector<2000x128xf32>
      %logistic3A_55 = arith.addf %logistic3A_54, %logistic3A_52 : vector<2000x128xf32>
      %logistic3A_56 = arith.divf %logistic3A_54, %logistic3A_55 : vector<2000x128xf32>
      %dot_general3A_57 = arith.constant dense<0.000000e+00> : vector<128x128xf32>
      %dot_general3A_58 = tpu.matmul %convert_element_type3A_24, %logistic3A_56, %dot_general3A_57 {dimension_numbers = #tpu.dot_dimension_numbers<[0], [0], [1], [1], [0, 1, 1, 1], [], []>, transpose_lhs_hint = false} : vector<2000x128xf32>, vector<2000x128xf32>, vector<128x128xf32> -> vector<128x128xf32>
      %get3A_59 = arith.constant 0 : index
      %get3A_60 = arith.constant 128 : index
      %get3A_61 = vector.load %arg7[%get3A_59, %get3A_60] : memref<128x1024xf32, #tpu.memory_space<vmem>>, vector<128x128xf32>
      %add3A_62 = arith.addf %get3A_61, %dot_general3A_58 : vector<128x128xf32>
      %swap3A_63 = arith.constant 0 : index
      %swap3A_64 = arith.constant 128 : index
      %swap3A_65 = vector.load %arg7[%swap3A_63, %swap3A_64] : memref<128x1024xf32, #tpu.memory_space<vmem>>, vector<128x128xf32>
      tpu.vector_store %arg7[%swap3A_63, %swap3A_64], %add3A_62 {strides = array<i32>} : memref<128x1024xf32, #tpu.memory_space<vmem>>, vector<128x128xf32>,
      %get3A_66 = arith.constant 2 : index
      %get3A_67 = arith.constant 0 : index
      %get3A_68 = vector.load %arg4[%get3A_66, %get3A_67] : memref<8x128xf32, #tpu.memory_space<vmem>>, vector<1x128xf32>
      %sub3A_69 = vector.broadcast %get3A_68 : vector<1x128xf32> to vector<2000x128xf32>
      %sub3A_70 = arith.subf %sub3A_69, %dot_general3A_15 : vector<2000x128xf32>
      %mul3A_71 = arith.constant 1.000000e+02 : f32
      %mul3A_72 = vector.broadcast %mul3A_71 : f32 to vector<2000x128xf32>
      %mul3A_73 = arith.mulf %mul3A_72, %sub3A_70 : vector<2000x128xf32>
      %logistic3A_74 = arith.negf %mul3A_73 : vector<2000x128xf32>
      %logistic3A_75 = math.exp %logistic3A_74 : vector<2000x128xf32>
      %logistic3A_76 = arith.constant 1.000000e+00 : f32
      %logistic3A_77 = vector.broadcast %logistic3A_76 : f32 to vector<2000x128xf32>
      %logistic3A_78 = arith.addf %logistic3A_77, %logistic3A_75 : vector<2000x128xf32>
      %logistic3A_79 = arith.divf %logistic3A_77, %logistic3A_78 : vector<2000x128xf32>
      %dot_general3A_80 = arith.constant dense<0.000000e+00> : vector<128x128xf32>
      %dot_general3A_81 = tpu.matmul %convert_element_type3A_24, %logistic3A_79, %dot_general3A_80 {dimension_numbers = #tpu.dot_dimension_numbers<[0], [0], [1], [1], [0, 1, 1, 1], [], []>, transpose_lhs_hint = false} : vector<2000x128xf32>, vector<2000x128xf32>, vector<128x128xf32> -> vector<128x128xf32>
      %get3A_82 = arith.constant 0 : index
      %get3A_83 = arith.constant 256 : index
      %get3A_84 = vector.load %arg7[%get3A_82, %get3A_83] : memref<128x1024xf32, #tpu.memory_space<vmem>>, vector<128x128xf32>
      %add3A_85 = arith.addf %get3A_84, %dot_general3A_81 : vector<128x128xf32>
      %swap3A_86 = arith.constant 0 : index
      %swap3A_87 = arith.constant 256 : index
      %swap3A_88 = vector.load %arg7[%swap3A_86, %swap3A_87] : memref<128x1024xf32, #tpu.memory_space<vmem>>, vector<128x128xf32>
      tpu.vector_store %arg7[%swap3A_86, %swap3A_87], %add3A_85 {strides = array<i32>} : memref<128x1024xf32, #tpu.memory_space<vmem>>, vector<128x128xf32>,
      %get3A_89 = arith.constant 3 : index
      %get3A_90 = arith.constant 0 : index
      %get3A_91 = vector.load %arg4[%get3A_89, %get3A_90] : memref<8x128xf32, #tpu.memory_space<vmem>>, vector<1x128xf32>
      %sub3A_92 = vector.broadcast %get3A_91 : vector<1x128xf32> to vector<2000x128xf32>
      %sub3A_93 = arith.subf %sub3A_92, %dot_general3A_15 : vector<2000x128xf32>
      %mul3A_94 = arith.constant 1.000000e+02 : f32
      %mul3A_95 = vector.broadcast %mul3A_94 : f32 to vector<2000x128xf32>
      %mul3A_96 = arith.mulf %mul3A_95, %sub3A_93 : vector<2000x128xf32>
      %logistic3A_97 = arith.negf %mul3A_96 : vector<2000x128xf32>
      %logistic3A_98 = math.exp %logistic3A_97 : vector<2000x128xf32>
      %logistic3A_99 = arith.constant 1.000000e+00 : f32
      %logistic3A_100 = vector.broadcast %logistic3A_99 : f32 to vector<2000x128xf32>
      %logistic3A_101 = arith.addf %logistic3A_100, %logistic3A_98 : vector<2000x128xf32>
      %logistic3A_102 = arith.divf %logistic3A_100, %logistic3A_101 : vector<2000x128xf32>
      %dot_general3A_103 = arith.constant dense<0.000000e+00> : vector<128x128xf32>
      %dot_general3A_104 = tpu.matmul %convert_element_type3A_24, %logistic3A_102, %dot_general3A_103 {dimension_numbers = #tpu.dot_dimension_numbers<[0], [0], [1], [1], [0, 1, 1, 1], [], []>, transpose_lhs_hint = false} : vector<2000x128xf32>, vector<2000x128xf32>, vector<128x128xf32> -> vector<128x128xf32>
      %get3A_105 = arith.constant 0 : index
      %get3A_106 = arith.constant 384 : index
      %get3A_107 = vector.load %arg7[%get3A_105, %get3A_106] : memref<128x1024xf32, #tpu.memory_space<vmem>>, vector<128x128xf32>
      %add3A_108 = arith.addf %get3A_107, %dot_general3A_104 : vector<128x128xf32>
      %swap3A_109 = arith.constant 0 : index
      %swap3A_110 = arith.constant 384 : index
      %swap3A_111 = vector.load %arg7[%swap3A_109, %swap3A_110] : memref<128x1024xf32, #tpu.memory_space<vmem>>, vector<128x128xf32>
      tpu.vector_store %arg7[%swap3A_109, %swap3A_110], %add3A_108 {strides = array<i32>} : memref<128x1024xf32, #tpu.memory_space<vmem>>, vector<128x128xf32>,
      %get3A_112 = arith.constant 4 : index
      %get3A_113 = arith.constant 0 : index
      %get3A_114 = vector.load %arg4[%get3A_112, %get3A_113] : memref<8x128xf32, #tpu.memory_space<vmem>>, vector<1x128xf32>
      %sub3A_115 = vector.broadcast %get3A_114 : vector<1x128xf32> to vector<2000x128xf32>
      %sub3A_116 = arith.subf %sub3A_115, %dot_general3A_15 : vector<2000x128xf32>
      %mul3A_117 = arith.constant 1.000000e+02 : f32
      %mul3A_118 = vector.broadcast %mul3A_117 : f32 to vector<2000x128xf32>
      %mul3A_119 = arith.mulf %mul3A_118, %sub3A_116 : vector<2000x128xf32>
      %logistic3A_120 = arith.negf %mul3A_119 : vector<2000x128xf32>
      %logistic3A_121 = math.exp %logistic3A_120 : vector<2000x128xf32>
      %logistic3A_122 = arith.constant 1.000000e+00 : f32
      %logistic3A_123 = vector.broadcast %logistic3A_122 : f32 to vector<2000x128xf32>
      %logistic3A_124 = arith.addf %logistic3A_123, %logistic3A_121 : vector<2000x128xf32>
      %logistic3A_125 = arith.divf %logistic3A_123, %logistic3A_124 : vector<2000x128xf32>
      %dot_general3A_126 = arith.constant dense<0.000000e+00> : vector<128x128xf32>
      %dot_general3A_127 = tpu.matmul %convert_element_type3A_24, %logistic3A_125, %dot_general3A_126 {dimension_numbers = #tpu.dot_dimension_numbers<[0], [0], [1], [1], [0, 1, 1, 1], [], []>, transpose_lhs_hint = false} : vector<2000x128xf32>, vector<2000x128xf32>, vector<128x128xf32> -> vector<128x128xf32>
      %get3A_128 = arith.constant 0 : index
      %get3A_129 = arith.constant 512 : index
      %get3A_130 = vector.load %arg7[%get3A_128, %get3A_129] : memref<128x1024xf32, #tpu.memory_space<vmem>>, vector<128x128xf32>
      %add3A_131 = arith.addf %get3A_130, %dot_general3A_127 : vector<128x128xf32>
      %swap3A_132 = arith.constant 0 : index
      %swap3A_133 = arith.constant 512 : index
      %swap3A_134 = vector.load %arg7[%swap3A_132, %swap3A_133] : memref<128x1024xf32, #tpu.memory_space<vmem>>, vector<128x128xf32>
      tpu.vector_store %arg7[%swap3A_132, %swap3A_133], %add3A_131 {strides = array<i32>} : memref<128x1024xf32, #tpu.memory_space<vmem>>, vector<128x128xf32>,
      %get3A_135 = arith.constant 5 : index
      %get3A_136 = arith.constant 0 : index
      %get3A_137 = vector.load %arg4[%get3A_135, %get3A_136] : memref<8x128xf32, #tpu.memory_space<vmem>>, vector<1x128xf32>
      %sub3A_138 = vector.broadcast %get3A_137 : vector<1x128xf32> to vector<2000x128xf32>
      %sub3A_139 = arith.subf %sub3A_138, %dot_general3A_15 : vector<2000x128xf32>
      %mul3A_140 = arith.constant 1.000000e+02 : f32
      %mul3A_141 = vector.broadcast %mul3A_140 : f32 to vector<2000x128xf32>
      %mul3A_142 = arith.mulf %mul3A_141, %sub3A_139 : vector<2000x128xf32>
      %logistic3A_143 = arith.negf %mul3A_142 : vector<2000x128xf32>
      %logistic3A_144 = math.exp %logistic3A_143 : vector<2000x128xf32>
      %logistic3A_145 = arith.constant 1.000000e+00 : f32
      %logistic3A_146 = vector.broadcast %logistic3A_145 : f32 to vector<2000x128xf32>
      %logistic3A_147 = arith.addf %logistic3A_146, %logistic3A_144 : vector<2000x128xf32>
      %logistic3A_148 = arith.divf %logistic3A_146, %logistic3A_147 : vector<2000x128xf32>
      %dot_general3A_149 = arith.constant dense<0.000000e+00> : vector<128x128xf32>
      %dot_general3A_150 = tpu.matmul %convert_element_type3A_24, %logistic3A_148, %dot_general3A_149 {dimension_numbers = #tpu.dot_dimension_numbers<[0], [0], [1], [1], [0, 1, 1, 1], [], []>, transpose_lhs_hint = false} : vector<2000x128xf32>, vector<2000x128xf32>, vector<128x128xf32> -> vector<128x128xf32>
      %get3A_151 = arith.constant 0 : index
      %get3A_152 = arith.constant 640 : index
      %get3A_153 = vector.load %arg7[%get3A_151, %get3A_152] : memref<128x1024xf32, #tpu.memory_space<vmem>>, vector<128x128xf32>
      %add3A_154 = arith.addf %get3A_153, %dot_general3A_150 : vector<128x128xf32>
      %swap3A_155 = arith.constant 0 : index
      %swap3A_156 = arith.constant 640 : index
      %swap3A_157 = vector.load %arg7[%swap3A_155, %swap3A_156] : memref<128x1024xf32, #tpu.memory_space<vmem>>, vector<128x128xf32>
      tpu.vector_store %arg7[%swap3A_155, %swap3A_156], %add3A_154 {strides = array<i32>} : memref<128x1024xf32, #tpu.memory_space<vmem>>, vector<128x128xf32>,
      %get3A_158 = arith.constant 6 : index
      %get3A_159 = arith.constant 0 : index
      %get3A_160 = vector.load %arg4[%get3A_158, %get3A_159] : memref<8x128xf32, #tpu.memory_space<vmem>>, vector<1x128xf32>
      %sub3A_161 = vector.broadcast %get3A_160 : vector<1x128xf32> to vector<2000x128xf32>
      %sub3A_162 = arith.subf %sub3A_161, %dot_general3A_15 : vector<2000x128xf32>
      %mul3A_163 = arith.constant 1.000000e+02 : f32
      %mul3A_164 = vector.broadcast %mul3A_163 : f32 to vector<2000x128xf32>
      %mul3A_165 = arith.mulf %mul3A_164, %sub3A_162 : vector<2000x128xf32>
      %logistic3A_166 = arith.negf %mul3A_165 : vector<2000x128xf32>
      %logistic3A_167 = math.exp %logistic3A_166 : vector<2000x128xf32>
      %logistic3A_168 = arith.constant 1.000000e+00 : f32
      %logistic3A_169 = vector.broadcast %logistic3A_168 : f32 to vector<2000x128xf32>
      %logistic3A_170 = arith.addf %logistic3A_169, %logistic3A_167 : vector<2000x128xf32>
      %logistic3A_171 = arith.divf %logistic3A_169, %logistic3A_170 : vector<2000x128xf32>
      %dot_general3A_172 = arith.constant dense<0.000000e+00> : vector<128x128xf32>
      %dot_general3A_173 = tpu.matmul %convert_element_type3A_24, %logistic3A_171, %dot_general3A_172 {dimension_numbers = #tpu.dot_dimension_numbers<[0], [0], [1], [1], [0, 1, 1, 1], [], []>, transpose_lhs_hint = false} : vector<2000x128xf32>, vector<2000x128xf32>, vector<128x128xf32> -> vector<128x128xf32>
      %get3A_174 = arith.constant 0 : index
      %get3A_175 = arith.constant 768 : index
      %get3A_176 = vector.load %arg7[%get3A_174, %get3A_175] : memref<128x1024xf32, #tpu.memory_space<vmem>>, vector<128x128xf32>
      %add3A_177 = arith.addf %get3A_176, %dot_general3A_173 : vector<128x128xf32>
      %swap3A_178 = arith.constant 0 : index
      %swap3A_179 = arith.constant 768 : index
      %swap3A_180 = vector.load %arg7[%swap3A_178, %swap3A_179] : memref<128x1024xf32, #tpu.memory_space<vmem>>, vector<128x128xf32>
      tpu.vector_store %arg7[%swap3A_178, %swap3A_179], %add3A_177 {strides = array<i32>} : memref<128x1024xf32, #tpu.memory_space<vmem>>, vector<128x128xf32>,
      %get3A_181 = arith.constant 7 : index
      %get3A_182 = arith.constant 0 : index
      %get3A_183 = vector.load %arg4[%get3A_181, %get3A_182] : memref<8x128xf32, #tpu.memory_space<vmem>>, vector<1x128xf32>
      %sub3A_184 = vector.broadcast %get3A_183 : vector<1x128xf32> to vector<2000x128xf32>
      %sub3A_185 = arith.subf %sub3A_184, %dot_general3A_15 : vector<2000x128xf32>
      %mul3A_186 = arith.constant 1.000000e+02 : f32
      %mul3A_187 = vector.broadcast %mul3A_186 : f32 to vector<2000x128xf32>
      %mul3A_188 = arith.mulf %mul3A_187, %sub3A_185 : vector<2000x128xf32>
      %logistic3A_189 = arith.negf %mul3A_188 : vector<2000x128xf32>
      %logistic3A_190 = math.exp %logistic3A_189 : vector<2000x128xf32>
      %logistic3A_191 = arith.constant 1.000000e+00 : f32
      %logistic3A_192 = vector.broadcast %logistic3A_191 : f32 to vector<2000x128xf32>
      %logistic3A_193 = arith.addf %logistic3A_192, %logistic3A_190 : vector<2000x128xf32>
      %logistic3A_194 = arith.divf %logistic3A_192, %logistic3A_193 : vector<2000x128xf32>
      %dot_general3A_195 = arith.constant dense<0.000000e+00> : vector<128x128xf32>
      %dot_general3A_196 = tpu.matmul %convert_element_type3A_24, %logistic3A_194, %dot_general3A_195 {dimension_numbers = #tpu.dot_dimension_numbers<[0], [0], [1], [1], [0, 1, 1, 1], [], []>, transpose_lhs_hint = false} : vector<2000x128xf32>, vector<2000x128xf32>, vector<128x128xf32> -> vector<128x128xf32>
      %get3A_197 = arith.constant 0 : index
      %get3A_198 = arith.constant 896 : index
      %get3A_199 = vector.load %arg7[%get3A_197, %get3A_198] : memref<128x1024xf32, #tpu.memory_space<vmem>>, vector<128x128xf32>
      %add3A_200 = arith.addf %get3A_199, %dot_general3A_196 : vector<128x128xf32>
      %swap3A_201 = arith.constant 0 : index
      %swap3A_202 = arith.constant 896 : index
      %swap3A_203 = vector.load %arg7[%swap3A_201, %swap3A_202] : memref<128x1024xf32, #tpu.memory_space<vmem>>, vector<128x128xf32>
      tpu.vector_store %arg7[%swap3A_201, %swap3A_202], %add3A_200 {strides = array<i32>} : memref<128x1024xf32, #tpu.memory_space<vmem>>, vector<128x128xf32>,
    } else {
    }
    %ge3A = arith.constant 25 : i32
    %ge3A_6 = arith.cmpi sge, %arg0, %ge3A : i32
    %convert_element_type3A_7 = arith.extui %ge3A_6 : i1 to i32
    %cond3A_8 = arith.constant 0 : i32
    %cond3A_9 = arith.cmpi ne, %convert_element_type3A_7, %cond3A_8 : i32
    scf.if %cond3A_9 {
      %get3A = arith.constant 0 : index
      %get3A_10 = arith.constant 0 : index
      %get3A_11 = vector.load %arg7[%get3A, %get3A_10] : memref<128x1024xf32, #tpu.memory_space<vmem>>, vector<128x1024xf32>
      %get3A_12 = arith.constant 0 : index
      %get3A_13 = arith.constant 0 : index
      %get3A_14 = arith.constant 0 : index
      %get3A_15 = vector.load %arg5[%get3A_12, %get3A_13, %get3A_14] : memref<4x128x1xf32, #tpu.memory_space<vmem>>, vector<4x128x1xf32>
      %get3A_16 = arith.constant 0 : index
      %get3A_17 = arith.constant 0 : index
      %get3A_18 = arith.constant 0 : index
      %get3A_19 = vector.load %arg6[%get3A_16, %get3A_17, %get3A_18] : memref<4x128x1024xf32, #tpu.memory_space<vmem>>, vector<4x128x1024xf32>
      %mul3A = vector.broadcast %get3A_15 : vector<4x128x1xf32> to vector<4x128x1024xf32>
      %mul3A_20 = arith.mulf %mul3A, %get3A_19 : vector<4x128x1024xf32>
      %reduce_sum3A = arith.constant dense<0.000000e+00> : vector<128x1024xf32>
      %reduce_sum3A_21 = vector.multi_reduction <add>, %mul3A_20, %reduce_sum3A [0] : vector<4x128x1024xf32> to vector<128x1024xf32>
      %add3A = arith.addf %get3A_11, %reduce_sum3A_21 : vector<128x1024xf32>
      %swap3A = arith.constant 0 : index
      %swap3A_22 = arith.constant 0 : index
      %swap3A_23 = vector.load %arg7[%swap3A, %swap3A_22] : memref<128x1024xf32, #tpu.memory_space<vmem>>, vector<128x1024xf32>
      tpu.vector_store %arg7[%swap3A, %swap3A_22], %add3A {strides = array<i32>} : memref<128x1024xf32, #tpu.memory_space<vmem>>, vector<128x1024xf32>,
    } else {
    }
    return
  }
  func.func @transform_0(%arg0: i32) -> (i32, i32, i32) {
    %min3A = arith.constant 24 : i32
    %min3A_0 = arith.minsi %arg0, %min3A : i32
    %c0_i32 = arith.constant 0 : i32
    %c0_i32_1 = arith.constant 0 : i32
    %c0_i32_2 = arith.constant 0 : i32
    return %min3A_0, %c0_i32, %c0_i32_1 : i32, i32, i32
  }
  func.func @transform_1(%arg0: i32) -> (i32, i32) {
    %min3A = arith.constant 24 : i32
    %min3A_0 = arith.minsi %arg0, %min3A : i32
    %c0_i32 = arith.constant 0 : i32
    %c0_i32_1 = arith.constant 0 : i32
    return %min3A_0, %c0_i32 : i32, i32
  }
  func.func @transform_2(%arg0: i32) -> (i32, i32) {
    %c0_i32 = arith.constant 0 : i32
    %c0_i32_0 = arith.constant 0 : i32
    %c0_i32_1 = arith.constant 0 : i32
    return %c0_i32, %c0_i32_0 : i32, i32
  }
  func.func @transform_3(%arg0: i32) -> (i32, i32) {
    %c0_i32 = arith.constant 0 : i32
    %c0_i32_0 = arith.constant 0 : i32
    %c0_i32_1 = arith.constant 0 : i32
    return %c0_i32, %c0_i32_0 : i32, i32
  }
  func.func @transform_4(%arg0: i32) -> (i32, i32, i32) {
    %sub3A = arith.constant 25 : i32
    %sub3A_0 = arith.subi %arg0, %sub3A : i32
    %max3A = arith.constant 0 : i32
    %max3A_1 = arith.maxsi %sub3A_0, %max3A : i32
    %c0_i32 = arith.constant 0 : i32
    %c0_i32_2 = arith.constant 0 : i32
    %c0_i32_3 = arith.constant 0 : i32
    return %max3A_1, %c0_i32, %c0_i32_2 : i32, i32, i32
  }
  func.func @transform_5(%arg0: i32) -> (i32, i32, i32) {
    %sub3A = arith.constant 25 : i32
    %sub3A_0 = arith.subi %arg0, %sub3A : i32
    %max3A = arith.constant 0 : i32
    %max3A_1 = arith.maxsi %sub3A_0, %max3A : i32
    %c0_i32 = arith.constant 0 : i32
    %c0_i32_2 = arith.constant 0 : i32
    %c0_i32_3 = arith.constant 0 : i32
    return %max3A_1, %c0_i32, %c0_i32_2 : i32, i32, i32
  }
  func.func @transform_6(%arg0: i32) -> (i32, i32) {
    %c0_i32 = arith.constant 0 : i32
    %c0_i32_0 = arith.constant 0 : i32
    %c0_i32_1 = arith.constant 0 : i32
    return %c0_i32, %c0_i32_0 : i32, i32
  }
}

</mosaic_0001>

<sc_bundles>
// kernel: kernel.4.cloned.1.call-start
scs
__scs_entry_jumppad:
0x0: {  	(pc) =	sbr.rel $0x88, $3  }
0x1: {  	(tag) =	ssettag $0x0;
	lr =	simm.s32 $0x1  }
0x2: {  	[smem:$0x3F9D] =	sst lr;
	_ =	strace $0xD0000000  }
0x3: {  	_ = 	snop  }
0x4: {  	_ = 	snop  }
0x5: {  	_ = 	snop  }
0x6: {  	_ = 	snop  }
0x7: {  	_ = 	snop  }
__scs_overlays_trampoline_lowered:
0x8: {  	[smem:$0x3FAC] =	sst s0  }
0x9: {  	[smem:$0x3FAD] =	sst s1  }
0xa: {  	[smem:$0x3FAE] =	sst s2  }
0xb: {  	[smem:$0x3FAF] =	sst s3  }
0xc: {  	[smem:$0x3FB0] =	sst s4  }
0xd: {  	[smem:$0x3FB1] =	sst s5  }
0xe: {  	[smem:$0x3FB2] =	sst s6  }
0xf: {  	[smem:$0x3FB3] =	sst s7  }
0x10: {  	[smem:$0x3FB4] =	sst s8  }
0x11: {  	[smem:$0x3FB5] =	sst s9;
	s0 =	simm.s32 @!p0 $0x0  }
0x12: {  	s1 =	sld [smem:$0x3F9B];
	s0 =	simm.s32 @p0 $0x1  }
0x13: {  	[smem:$0x3FB6] =	sst s0;
	s0 =	simm.s32 @!p1 $0x0  }
0x14: {  	s2 =	sld [smem:$0x3F9A];
	s0 =	simm.s32 @p1 $0x1  }
0x15: {  	[smem:$0x3FB7] =	sst s0;
	s0 =	simm.s32 @!p2 $0x0  }
0x16: {  	s3 =	sld [smem:$0x3FDB];
	s0 =	simm.s32 @p2 $0x1  }
0x17: {  	s4 =	simm.s32 $0x1BF5;
	[smem:$0x3FB9] =	sst s0  }
0x18: {  	s0 =	sld [smem:$0x3F9C];
	_ =	swait.ge [sflag:s4], $0x0  }
0x19: {  	s7 =	sld [smem:$0x3F9D]  }
0x1a: {  	s8 =	sadd.s32 $0xFFFFE003, lr  }
0x1b: {  	s9 =	sadd.s32 $0xFFFFFEF7, lr;
	s5 =	simm.s32 $0xFFFFFFFF;
	p2 =	slt.u32 s8, $0xFFFFF086  }
0x1c: {  	p1 =	slt.u32 s9, $0xF7A;
	s5 =	simm.s32 @!p2 $0x0  }
0x1d: {  	s5 =	simm.s32 @p1 $0x1;
	p0 =	seq.s32 s7, s2  }
0x1e: {  	s7 =	smul.u32 @!p0 $0xF7A, s2;
	p2 =	seq.s32 @!p0 s5, $0x0  }
0x1f: {  	s9 =	smul.u32 $0xF7A, s1;
	s8 =	simm.s32 @!p0 $0x1BF5;
	p2 =	por !p2, p0  }
0x20: {  	[sflag:s8] =	ssyncset.s32 @!p0 $0xFFFFF086;
	s6 =	sadd.s32 @!p0 s3, s7;
	s7 =	simm.s32 @!p0 $0x108  }
0x21: {  	s3 =	sadd.s32 s3, s9;
	s6 =	sadd.s32 @!p0 $0x88, s6;
	s7 =	simm.s32 @p2 $0x1082  }
0x22: {  	[simem:s7], [sflag:s8] =	dma.local @!p0 [hbm:s6], $0xF7A  }
0x23: {  	s9 =	sor.u32 $0xD0000000, s2;
	s6 =	simm.s32 $0x108;
	_ =	swait.ge @!p0 [sflag:s8], $0x0  }
0x24: {  	s3 =	sadd.s32 $0x88, s3;
	s6 =	simm.s32 @!p1 $0x1082;
	[sflag:s4] =	ssyncset.s32 $0xFFFFF086  }
0x25: {  	[simem:s6], [sflag:s4] =	dma.local [hbm:s3], $0xF7A  }
0x26: {  	[smem:$0x3F9D] =	sst s1;
	(tag) =	ssettag s2;
	_ =	strace s9  }
0x27: {  	s1 =	sld [smem:$0x3FAD]  }
0x28: {  	s2 =	sld [smem:$0x3FAE]  }
0x29: {  	s4 =	sld [smem:$0x3FB0]  }
0x2a: {  	p0 =	seq.s32 s5, $0x0;
	s5 =	sld [smem:$0x3FB1]  }
0x2b: {  	s6 =	sld [smem:$0x3FB2]  }
0x2c: {  	s7 =	sld [smem:$0x3FB3]  }
0x2d: {  	s3 =	simm.s32 $0x108;
	s8 =	sld [smem:$0x3FB4]  }
0x2e: {  	s3 =	simm.s32 @!p0 $0x1082;
	s9 =	sld [smem:$0x3FB5]  }
0x2f: {  	lr =	sadd.s32 s0, s3;
	s0 =	sld [smem:$0x3FAC]  }
0x30: {  	s3 =	sld [smem:$0x3FAF]  }
0x31: {  	[smem:$0x3FB8] =	sst s10  }
0x32: {  	s10 =	sld [smem:$0x3FB6];
	_ =	sdelay $0x3  }
0x33: {  	p0 =	seq.s32 s10, $0x1;
	s10 =	sld [smem:$0x3FB8];
	_ =	sdelay $0x3  }
0x34: {  	[smem:$0x3FB8] =	sst s10  }
0x35: {  	s10 =	sld [smem:$0x3FB7];
	_ =	sdelay $0x3  }
0x36: {  	p1 =	seq.s32 s10, $0x1;
	s10 =	sld [smem:$0x3FB8];
	_ =	sdelay $0x3  }
0x37: {  	[smem:$0x3FB8] =	sst s10  }
0x38: {  	s10 =	sld [smem:$0x3FB9]  }
0x39: {  	_ = 	snop;
	(pc) =	sbr.ind lr, $3  }
0x3a: {  	_ = 	snop  }
0x3b: {  	_ = 	snop  }
0x3c: {  	p2 =	seq.s32 s10, $0x1;
	s10 =	sld [smem:$0x3FB8]  }
0x3d: {  	_ =	shalt  }
0x3e: {  	_ =	shalt  }
0x3f: {  	_ =	shalt  }
0x40: {  	_ =	shalt  }
0x41: {  	_ =	shalt  }
0x42: {  	_ =	shalt  }
0x43: {  	_ =	shalt  }
0x44: {  	_ =	shalt  }
0x45: {  	_ =	shalt  }
0x46: {  	_ =	shalt  }
0x47: {  	_ =	shalt  }
0x48: {  	_ =	shalt  }
0x49: {  	_ =	shalt  }
0x4a: {  	_ =	shalt  }
0x4b: {  	_ =	shalt  }
0x4c: {  	_ =	shalt  }
0x4d: {  	_ =	shalt  }
0x4e: {  	_ =	shalt  }
0x4f: {  	_ =	shalt  }
0x50: {  	_ =	shalt  }
0x51: {  	_ =	shalt  }
0x52: {  	_ =	shalt  }
0x53: {  	_ =	shalt  }
0x54: {  	_ =	shalt  }
0x55: {  	_ =	shalt  }
0x56: {  	_ =	shalt  }
0x57: {  	_ =	shalt  }
0x58: {  	_ =	shalt  }
0x59: {  	_ =	shalt  }
0x5a: {  	_ =	shalt  }
0x5b: {  	_ =	shalt  }
0x5c: {  	_ =	shalt  }
0x5d: {  	_ =	shalt  }
0x5e: {  	_ =	shalt  }
0x5f: {  	_ =	shalt  }
0x60: {  	_ =	shalt  }
0x61: {  	_ =	shalt  }
0x62: {  	_ =	shalt  }
0x63: {  	_ =	shalt  }
0x64: {  	_ =	shalt  }
0x65: {  	_ =	shalt  }
0x66: {  	_ =	shalt  }
0x67: {  	_ =	shalt  }
0x68: {  	_ =	shalt  }
0x69: {  	_ =	shalt  }
0x6a: {  	_ =	shalt  }
0x6b: {  	_ =	shalt  }
0x6c: {  	_ =	shalt  }
0x6d: {  	_ =	shalt  }
0x6e: {  	_ =	shalt  }
0x6f: {  	_ =	shalt  }
0x70: {  	_ =	shalt  }
0x71: {  	_ =	shalt  }
0x72: {  	_ =	shalt  }
0x73: {  	_ =	shalt  }
0x74: {  	_ =	shalt  }
0x75: {  	_ =	shalt  }
0x76: {  	_ =	shalt  }
0x77: {  	_ =	shalt  }
0x78: {  	_ =	shalt  }
0x79: {  	_ =	shalt  }
0x7a: {  	_ =	shalt  }
0x7b: {  	_ =	shalt  }
0x7c: {  	_ =	shalt  }
0x7d: {  	_ =	shalt  }
0x7e: {  	_ =	shalt  }
0x7f: {  	_ =	shalt  }
0x80: {  	_ =	shalt  }
0x81: {  	_ =	shalt  }
0x82: {  	_ =	shalt  }
0x83: {  	_ =	shalt  }
0x84: {  	_ =	shalt  }
0x85: {  	_ =	shalt  }
0x86: {  	_ =	shalt  }
0x87: {  	_ =	shalt  }
.Lfunc_end0:
.L_simem_size_0:
called_computation_lowered:
.L_overlay_start_0:
0x88: {  	s2 =	sld [smem:$0x3FD9]  }
0x89: {  	s3 =	sld [smem:$0x3FFE];
	_ =	sdelay $0x1  }
0x8a: {  	s1 =	srdreg.scid  }
0x8b: {  	s0 =	sand.u32 $0x1, s1  }
0x8c: {  	s17 =	sshll.u32 s0, $0xA;
	s2 =	sadd.s32 s3, s2  }
0x8d: {  	s2 =	sadd.s32 s2, s17  }
0x8e: {  	[smem:$0x3FC4] =	sst s2  }
0x8f: {  	_ = 	snop  }
0x90: {  	s2 =	sld [smem:$0x3FD0];
	(tm) =	ssettm $0x1  }
0x91: {  	s18 =	sld [smem:$0x3FFB];
	_ =	sdelay $0x3  }
0x92: {  	_ =	strace s18  }
0x93: {  	s3 =	sld [smem:$0x3FFC];
	_ =	sdelay $0x3  }
0x94: {  	_ =	strace s3  }
0x95: {  	s3 =	sld [smem:$0x3FFD];
	_ =	sdelay $0x3  }
0x96: {  	_ =	strace s3  }
0x97: {  	_ =	strace $0x8FFFFFFF  }
0x98: {  	s19 =	sld [smem:$0x3FDB];
	_ =	sdelay $0x1  }
0x99: {  	s4 =	simm.s32 $_scs_section_size  }
0x9a: {  	s5 =	simm.s32 $_size__tile_overlayer_lowered;
	s6 =	simm.s32 $_tile_overlayer_lowered  }
0x9b: {  	s22 =	simm.s32 $0x1BFF;
	s21 =	sshll.u32 s6, $0x1;
	s3 =	sadd.s32 s4, s19  }
0x9c: {  	s7 =	simm.s32 $0x0;
	s20 =	sshll.u32 s5, $0x1;
	s5 =	sadd.s32 s21, s3  }
0x9d: {  	[timem:s7], [sflag:s22] =	dma.local [hbm:s5], s20  }
0x9e: {  	_ =	swait.ge [sflag:s22], s20  }
0x9f: {  	s4 =	ssub.s32 $0x0, s20;
	[sflag:s22] =	ssyncset.done $0x0  }
0xa0: {  	[sflag:s22] =	ssyncadd.s32 s4;
	_ =	sdelay $0x1  }
0xa1: {  	s23 =	simm.s32 $0x1B8B  }
0xa2: {  	_ =	swait.ge [sflag:s23], $0x1  }
0xa3: {  	[sflag:s23] =	ssyncset.done $0x0  }
0xa4: {  	s25 =	simm.s32 $0x1B8E;
	s24 =	sld [smem:$0x3FFE];
	[sflag:s23] =	ssyncadd.s32 $0xFFFFFFFF  }
0xa5: {  	s26 =	simm.s32 $execute0_lowered;
	[smem:$0x3FD2] =	sst s25  }
0xa6: {  	s5 =	sshll.u32 s26, $0x1;
	_ =	strace $0x80000046;
	[dreg:$0x1] =	wrdreg $0xFFFFFFFF  }
0xa7: {  	s28 =	simm.s32 $_size_execute0_lowered;
	s3 =	sadd.s32 s3, s5;
	[dreg:$0x0] =	wrdreg $0x0  }
0xa8: {  	s5 =	sshll.u32 s28, $0x1;
	[dreg:$0x2] =	wrdreg s3  }
0xa9: {  	[dreg:$0x3] =	wrdreg s5  }
0xaa: {  	[dreg:$0x4] =	wrdreg $0xC0  }
0xab: {  	_ =	task [dreg:s7], $0x5FFFF  }
0xac: {  	[dreg:$0x1] =	wrdreg $0xFFFFFFFF  }
0xad: {  	[dreg:$0x0] =	wrdreg $0x60  }
0xae: {  	[dreg:$0x2] =	wrdreg s24  }
0xaf: {  	[dreg:$0x3] =	wrdreg s2  }
0xb0: {  	[dreg:$0x4] =	wrdreg $0x9  }
0xb1: {  	_ =	task.clear_ibuf [dreg:s7], $0x5FFFF;
	_ =	strace $0x90000046  }
0xb2: {  	s29 =	simm.s32 $0x9;
	_ =	strace $0x80000048  }
0xb3: {  	_ =	swait.ge [sflag:s29], $0x1  }
0xb4: {  	[sflag:s29] =	ssyncadd.s32 $0xFFFFFFFF  }
0xb5: {  	_ =	strace $0x90000048  }
0xb6: {  	_ =	sfence  }
0xb7: {  	s30 =	sld [smem:$0x0];
	_ =	sdelay $0x2  }
0xb8: {  	s31 =	sshll.u32 s1, $0xD;
	s1 =	sshrl.u32 s1, $0x2  }
0xb9: {  	s3 =	sand.u32 $0x4000, s31;
	s1 =	sadd.s32 s1, s30  }
0xba: {  	s0 =	sor.u32 s3, s0;
	s1 =	sshll.u32 s1, $0x11  }
0xbb: {  	s0 =	sor.u32 s1, s0  }
0xbc: {  	s0 =	sadd.s32 $0x8F2B, s0  }
0xbd: {  	[sflag:s0] =	ssyncadd.remote.s32 $0x1  }
0xbe: {  	_ =	sfence.sel $0xFFFF  }
0xbf: {  	[dreg:$0x0] =	wrdreg $0xFFFFFFFF;
	(pc) =	sbr.abs _section_cstart, $3  }
0xc0: {  	[dreg:$0x1] =	wrdreg $0xFFFFFFFF  }
0xc1: {  	_ =	task.clear_ibuf [dreg:s7], $0x2FFFF;
	_ =	strace $0x9FFFFFFF  }
0xc2: {  	(tm) =	ssettm $0x7FFFFFFF  }
0xc3: {  	_ =	shalt  }
tec
execute0_lowered:
.L_overlay_start_1:
0x0: {  	(tag) =	ssettag $0x1  }
0x1: {  	s0 =	srdreg.scid;
	s1 =	rddreg [dreg:$0x0]  }
0x2: {  	s6 =	stileid.u32;
	s3 =	rddreg [dreg:$0x1];
	s10 =	simm.s32 $0x1  }
0x3: {  	s11 =	simm.s32 $0x80;
	s14 =	simm.s32 $0x380;
	s31 =	simm.s32 $0x1800  }
0x4: {  	s12 =	simm.s32 $0x1980;
	s13 =	simm.s32 $0x1A00;
	s9 =	simm.s32 $0x1C80  }
0x5: {  	s15 =	simm.s32 $0x1D00;
	s16 =	simm.s32 $0x1D80;
	s17 =	simm.s32 $0x1E00  }
0x6: {  	s18 =	simm.s32 $0x1E80;
	s19 =	simm.s32 $0x1F00;
	s20 =	simm.s32 $0x1F80  }
0x7: {  	s21 =	simm.s32 $0x2000;
	s22 =	simm.s32 $0x2080;
	s23 =	simm.s32 $0x2100  }
0x8: {  	s28 =	simm.s32 $0x2300;
	s30 =	simm.s32 $0x0;
	s0 =	sand.u32 $0x1, s0  }
0x9: {  	s24 =	sadd.s32 $0x1000, s1;
	s25 =	sadd.s32 $0xE00, s1;
	s2 =	sshll.u32 s0, $0x4  }
0xa: {  	s0 =	ssub.s32 $0x2, s0;
	s4 =	sor.u32 s6, s2;
	s6 =	sshll.u32 s6, $0x4  }
0xb: {  	s2 =	simm.s32 $0x0;
	s8 =	sshrl.u32 s0, $0x1;
	s5 =	sshll.u32 s4, $0x4  }
0xc: {  	s6 =	sand.u32 $0x70, s6;
	[smem:$0x7FF] =	sst s2;
	s0 =	ssub.s32 s0, s8  }
0xd: {  	s8 =	smul.u32 $0x81, s4;
	_ =	strace $0x80000047;
	[dreg:$0x3] =	wrdreg s24  }
0xe: {  	s4 =	simm.s32 $0x1B00;
	s5 =	sand.u32 $0x180, s5;
	[dreg:$0x4] =	wrdreg s25  }
0xf: {  	s0 =	smax.u32 s0, $0x1;
	s24 =	simm.s32 $0x2180;
	s25 =	simm.s32 $0x2200  }
.Ltmp0:
0x10: {  	s6 =	sor.u32 s6, s5;
	s5 =	sadd.s32 $0x1200, s1;
	(pc) =	sbr.rel .LBB2_1-.Ltmp0, $4  }
0x11: {  	[dreg:$0x7] =	wrdreg s0;
	s0 =	simm.s32 $0x1900;
	s7 =	sadd.s32 s6, s1  }
0x12: {  	s29 =	sadd.s32 s3, s6;
	s1 =	simm.s32 $0x1880;
	s3 =	simm.s32 $0x1A80  }
0x13: {  	s6 =	simm.s32 $0x1B80;
	s26 =	sadd.s32 $0xC00, s7;
	[dreg:$0x6] =	wrdreg s29  }
0x14: {  	v0 =	vimm.f32 $0.0e+00;
	v1 =	vimm.f32 $1.000000000e+00;
	s7 =	simm.s32 $0x1C00;
	[dreg:$0x5] =	wrdreg s26;
	s26 =	simm.s32 $0x2280  }
.LBB2_5:
0x15: {  	v2 =	vxor.u32 $0x80000000, v8  }
0x16: {  	(xrf0) =	vmax.scan.msk.u32 $0xffff, v2;
	_ =	sdelay $0x5  }
0x17: {  	v2, _, _ =	vpop (xrf0)  }
0x18: {  	(v2sf) =	vpush v2, $0xF;
	_ =	sdelay $0xe  }
0x19: {  	s29 =	spop (v2sf)  }
0x1a: {  	s29 =	sadd.s32 s8, s29  }
0x1b: {  	s29 =	sshll.u32 s29, $0xA  }
0x1c: {  	s29 =	sand.u32 $0x1FFFFC00, s29  }
0x1d: {  	s29 =	sadd.s32 s5, s29  }
0x1e: {  	[hbm4b:s29+s2] =	stream.linear.scatter [tilespmem:s14], [sflag:$0x1], $0x2000, $0x38;
	[tilespmem:$0x2380] =	vst v63  }
0x1f: {  	_ =	swait.ge [sflag:s10], $0x2000  }
0x20: {  	[sflag:s10] =	ssyncset.done $0x0  }
0x21: {  	[sflag:s10] =	ssyncadd.s32 $0xFFFFE000  }
0x22: {  	[tilespmem:$0x380] =	vst v0  }
0x23: {  	[tilespmem:$0x400] =	vst v0  }
0x24: {  	[tilespmem:$0x480] =	vst v0  }
0x25: {  	[tilespmem:$0x500] =	vst v0  }
0x26: {  	[tilespmem:$0x580] =	vst v0  }
0x27: {  	[tilespmem:$0x600] =	vst v0  }
0x28: {  	[tilespmem:$0x680] =	vst v0  }
0x29: {  	[tilespmem:$0x700] =	vst v0  }
0x2a: {  	[tilespmem:$0x780] =	vst v0  }
0x2b: {  	[tilespmem:$0x800] =	vst v0  }
0x2c: {  	[tilespmem:$0x880] =	vst v0  }
0x2d: {  	[tilespmem:$0x900] =	vst v0  }
0x2e: {  	[tilespmem:$0x980] =	vst v0  }
0x2f: {  	[tilespmem:$0xA00] =	vst v0  }
0x30: {  	[tilespmem:$0xA80] =	vst v0  }
0x31: {  	[tilespmem:$0xB00] =	vst v0  }
0x32: {  	[tilespmem:$0xB80] =	vst v0  }
0x33: {  	[tilespmem:$0xC00] =	vst v0  }
0x34: {  	[tilespmem:$0xC80] =	vst v0  }
0x35: {  	[tilespmem:$0xD00] =	vst v0  }
0x36: {  	[tilespmem:$0xD80] =	vst v0  }
0x37: {  	[tilespmem:$0xE00] =	vst v0  }
0x38: {  	[tilespmem:$0xE80] =	vst v0  }
0x39: {  	[tilespmem:$0xF00] =	vst v0  }
0x3a: {  	[tilespmem:$0xF80] =	vst v0  }
0x3b: {  	[tilespmem:$0x1000] =	vst v0  }
0x3c: {  	[tilespmem:$0x1080] =	vst v0  }
0x3d: {  	[tilespmem:$0x1100] =	vst v0  }
0x3e: {  	[tilespmem:$0x1180] =	vst v0  }
0x3f: {  	[tilespmem:$0x1200] =	vst v0  }
0x40: {  	[tilespmem:$0x1280] =	vst v0  }
0x41: {  	[tilespmem:$0x1300] =	vst v0  }
0x42: {  	[tilespmem:$0x1380] =	vst v0  }
0x43: {  	[tilespmem:$0x1400] =	vst v0  }
0x44: {  	[tilespmem:$0x1480] =	vst v0  }
0x45: {  	[tilespmem:$0x1500] =	vst v0  }
0x46: {  	[tilespmem:$0x1580] =	vst v0  }
0x47: {  	[tilespmem:$0x1600] =	vst v0  }
0x48: {  	[tilespmem:$0x1680] =	vst v0  }
0x49: {  	[tilespmem:$0x1700] =	vst v0  }
0x4a: {  	[tilespmem:$0x1780] =	vst v0  }
0x4b: {  	[tilespmem:$0x1800] =	vst v0  }
0x4c: {  	[tilespmem:$0x1880] =	vst v0  }
0x4d: {  	[tilespmem:$0x1900] =	vst v0  }
0x4e: {  	[tilespmem:$0x1980] =	vst v0  }
0x4f: {  	[tilespmem:$0x1A00] =	vst v0  }
0x50: {  	[tilespmem:$0x1A80] =	vst v0  }
0x51: {  	[tilespmem:$0x1B00] =	vst v0  }
0x52: {  	[tilespmem:$0x1B80] =	vst v0  }
0x53: {  	[tilespmem:$0x1C00] =	vst v0  }
0x54: {  	[tilespmem:$0x1C80] =	vst v0  }
0x55: {  	[tilespmem:$0x1D00] =	vst v0  }
0x56: {  	[tilespmem:$0x1D80] =	vst v0  }
0x57: {  	[tilespmem:$0x1E00] =	vst v0  }
0x58: {  	[tilespmem:$0x1E80] =	vst v0  }
0x59: {  	[tilespmem:$0x1F00] =	vst v0  }
0x5a: {  	s30 =	rddreg [dreg:$0x8];
	[tilespmem:$0x1F80] =	vst v0  }
0x5b: {  	s29 =	rddreg [dreg:$0x7];
	s30 =	sadd.s32 $0x1, s30;
	[tilespmem:$0x2000] =	vst v0  }
0x5c: {  	[tilespmem:$0x2080] =	vst v0;
	p0 =	sne.s32 s30, s29  }
.Ltmp1:
0x5d: {  	[tilespmem:$0x2100] =	vst v0;
	(pc) =	sbr.rel @!p0 .LBB2_6-.Ltmp1, $4  }
0x5e: {  	[tilespmem:$0x2180] =	vst v0  }
0x5f: {  	[tilespmem:$0x2200] =	vst v0  }
0x60: {  	[tilespmem:$0x2280] =	vst v0  }
0x61: {  	[tilespmem:$0x2300] =	vst v0  }
.LBB2_1:
0x62: {  	[dreg:$0x8] =	wrdreg s30  }
0x63: {  	s29 =	rddreg [dreg:$0x5]  }
0x64: {  	[tilespmem:s2], [sflag:$0x1] =	stream.linear.gather [hbm4b:s29+s2], $0x80, $0x38;
	[tilespmem:$0x2380] =	vst v63  }
0x65: {  	_ =	swait.ge [sflag:s10], $0x80  }
0x66: {  	[sflag:s10] =	ssyncset.done $0x0  }
0x67: {  	s29 =	rddreg [dreg:$0x6];
	[sflag:s10] =	ssyncadd.s32 $0xFFFFFF80  }
0x68: {  	[tilespmem:s11], [sflag:$0x1] =	stream.linear.gather [hbm4b:s29+s2], $0x80, $0x38;
	[tilespmem:$0x2380] =	vst v63  }
0x69: {  	_ =	swait.ge [sflag:s10], $0x80  }
0x6a: {  	[sflag:s10] =	ssyncset.done $0x0  }
0x6b: {  	s30 =	simm.s32 $0x100;
	s29 =	rddreg [dreg:$0x3];
	[sflag:s10] =	ssyncadd.s32 $0xFFFFFF80  }
0x6c: {  	[tilespmem:s30], [sflag:$0x1] =	stream.linear.gather [hbm4b:s29+s2], $0x80, $0x38;
	[tilespmem:$0x2380] =	vst v63  }
0x6d: {  	_ =	swait.ge [sflag:s10], $0x80  }
0x6e: {  	[sflag:s10] =	ssyncset.done $0x0  }
0x6f: {  	s30 =	simm.s32 $0x180;
	s29 =	rddreg [dreg:$0x4];
	[sflag:s10] =	ssyncadd.s32 $0xFFFFFF80  }
0x70: {  	[tilespmem:s30], [sflag:$0x1] =	stream.linear.gather [hbm4b:s29+s2], $0x200, $0x38;
	[tilespmem:$0x2380] =	vst v63  }
0x71: {  	_ =	swait.ge [sflag:s10], $0x200  }
0x72: {  	[sflag:s10] =	ssyncset.done $0x0  }
0x73: {  	[sflag:s10] =	ssyncadd.s32 $0xFFFFFE00  }
0x74: {  	[tilespmem:$0x380] =	vst v0  }
0x75: {  	[tilespmem:$0x400] =	vst v0  }
0x76: {  	[tilespmem:$0x480] =	vst v0  }
0x77: {  	[tilespmem:$0x500] =	vst v0  }
0x78: {  	[tilespmem:$0x580] =	vst v0  }
0x79: {  	[tilespmem:$0x600] =	vst v0  }
0x7a: {  	[tilespmem:$0x680] =	vst v0  }
0x7b: {  	[tilespmem:$0x700] =	vst v0  }
0x7c: {  	[tilespmem:$0x780] =	vst v0  }
0x7d: {  	[tilespmem:$0x800] =	vst v0  }
0x7e: {  	[tilespmem:$0x880] =	vst v0  }
0x7f: {  	[tilespmem:$0x900] =	vst v0  }
0x80: {  	[tilespmem:$0x980] =	vst v0  }
0x81: {  	[tilespmem:$0xA00] =	vst v0  }
0x82: {  	[tilespmem:$0xA80] =	vst v0  }
0x83: {  	[tilespmem:$0xB00] =	vst v0  }
0x84: {  	[tilespmem:$0xB80] =	vst v0  }
0x85: {  	[tilespmem:$0xC00] =	vst v0  }
0x86: {  	[tilespmem:$0xC80] =	vst v0  }
0x87: {  	[tilespmem:$0xD00] =	vst v0  }
0x88: {  	[tilespmem:$0xD80] =	vst v0  }
0x89: {  	[tilespmem:$0xE00] =	vst v0  }
0x8a: {  	[tilespmem:$0xE80] =	vst v0  }
0x8b: {  	[tilespmem:$0xF00] =	vst v0  }
0x8c: {  	[tilespmem:$0xF80] =	vst v0  }
0x8d: {  	[tilespmem:$0x1000] =	vst v0  }
0x8e: {  	[tilespmem:$0x1080] =	vst v0  }
0x8f: {  	[tilespmem:$0x1100] =	vst v0  }
0x90: {  	[tilespmem:$0x1180] =	vst v0  }
0x91: {  	[tilespmem:$0x1200] =	vst v0  }
0x92: {  	[tilespmem:$0x1280] =	vst v0  }
0x93: {  	[tilespmem:$0x1300] =	vst v0  }
0x94: {  	[tilespmem:$0x1380] =	vst v0  }
0x95: {  	[tilespmem:$0x1400] =	vst v0  }
0x96: {  	[tilespmem:$0x1480] =	vst v0  }
0x97: {  	[tilespmem:$0x1500] =	vst v0  }
0x98: {  	[tilespmem:$0x1580] =	vst v0  }
0x99: {  	[tilespmem:$0x1600] =	vst v0  }
0x9a: {  	[tilespmem:$0x1680] =	vst v0  }
0x9b: {  	[tilespmem:$0x1700] =	vst v0  }
0x9c: {  	[tilespmem:$0x1780] =	vst v0  }
0x9d: {  	[tilespmem:$0x1800] =	vst v0  }
0x9e: {  	[tilespmem:$0x1880] =	vst v0  }
0x9f: {  	[tilespmem:$0x1900] =	vst v0  }
0xa0: {  	[tilespmem:$0x1980] =	vst v0  }
0xa1: {  	[tilespmem:$0x1A00] =	vst v0  }
0xa2: {  	[tilespmem:$0x1A80] =	vst v0  }
0xa3: {  	[tilespmem:$0x1B00] =	vst v0  }
0xa4: {  	[tilespmem:$0x1B80] =	vst v0  }
0xa5: {  	[tilespmem:$0x1C00] =	vst v0  }
0xa6: {  	[tilespmem:$0x1C80] =	vst v0  }
0xa7: {  	[tilespmem:$0x1D00] =	vst v0  }
0xa8: {  	[tilespmem:$0x1D80] =	vst v0  }
0xa9: {  	[tilespmem:$0x1E00] =	vst v0  }
0xaa: {  	[tilespmem:$0x1E80] =	vst v0  }
0xab: {  	[tilespmem:$0x1F00] =	vst v0  }
0xac: {  	[tilespmem:$0x1F80] =	vst v0  }
0xad: {  	[tilespmem:$0x2000] =	vst v0  }
0xae: {  	[tilespmem:$0x2080] =	vst v0;
	v2 =	vld [tilespmem:$0x100]  }
0xaf: {  	[tilespmem:$0x2100] =	vst v0;
	v3 =	vld [tilespmem:$0x110]  }
.Ltmp2:
0xb0: {  	[tilespmem:$0x2180] =	vst v0;
	v4 =	vld [tilespmem:$0x120];
	(pc) =	sbr.rel .LBB2_2-.Ltmp2, $4  }
0xb1: {  	[tilespmem:$0x2200] =	vst v0;
	v5 =	vld [tilespmem:$0x130]  }
0xb2: {  	[tilespmem:$0x2280] =	vst v0;
	v6 =	vld [tilespmem:$0x140]  }
0xb3: {  	[tilespmem:$0x2300] =	vst v0;
	v7 =	vld [tilespmem:$0x150]  }
0xb4: {  	s29 =	simm.s32 $0x0;
	v10 =	vld.msk [tilespmem:s11+$0x0], $0xffff  }
.LBB2_4:
0xb5: {  	v10 =	vor.u32 $0x20, v9;
	_ =	sdelay $0x1  }
0xb6: {  	v11 =	vor.u32 $0x40, v9;
	_ =	sdelay $0x1  }
0xb7: {  	v12 =	vld.idx.msk [tilespmem:v9+s2+$0x0], $0xffff  }
0xb8: {  	v10 =	vld.idx.msk [tilespmem:v10+s2+$0x0], $0xffff;
	_ =	sdelay $0x1  }
0xb9: {  	v11 =	vld.idx.msk [tilespmem:v11+s2+$0x0], $0xffff;
	_ =	sdelay $0x2  }
0xba: {  	v9 =	vmul.f32 v12, v2;
	v13 =	vmul.f32 v10, v4  }
0xbb: {  	v14 =	vld [tilespmem:$0x180]  }
0xbc: {  	v50 =	vmul.f32 v11, v6;
	v9 =	vadd.f32 v13, v9;
	_ =	sdelay $0x1  }
0xbd: {  	v9 =	vadd.f32 v50, v9;
	_ =	sdelay $0x1  }
0xbe: {  	v13 =	vadd.f32 v9, v14;
	_ =	sdelay $0x1  }
0xbf: {  	v13 =	vmul.f32 $1.442695020e+00, v13;
	_ =	sdelay $0x1  }
0xc0: {  	(erf) = vpow2.f32 v13;
	_ =	sdelay $0x2  }
0xc1: {  	v12 =	vmul.f32 v12, v3;
	v10 =	vmul.f32 v10, v5;
	_ =	sdelay $0x1  }
0xc2: {  	v11 =	vmul.f32 v11, v7;
	v10 =	vadd.f32 v10, v12;
	_ =	sdelay $0x1  }
0xc3: {  	v10 =	vadd.f32 v11, v10;
	_ =	sdelay $0x1  }
0xc4: {  	v51 =	vadd.f32 v10, v14;
	v11 =	vpop (erf)  }
0xc5: {  	v11 =	vadd.f32 $1.000000000e+00, v11  }
0xc6: {  	v12 =	vmul.f32 $1.442695020e+00, v51  }
0xc7: {  	(erf) = vrcp.f32 v11  }
0xc8: {  	(erf) = vpow2.f32 v12;
	_ =	sdelay $0x7  }
0xc9: {  	v11 =	vpop (erf)  }
0xca: {  	v12 =	vpop (erf)  }
0xcb: {  	v12 =	vadd.f32 $1.000000000e+00, v12;
	_ =	sdelay $0x1  }
0xcc: {  	(erf) = vrcp.f32 v12;
	_ =	sdelay $0x8  }
0xcd: {  	s30 =	simm.s32 $0x400;
	[tilespmem:s14+$0x0] =	vst.add.f32.msk $0xffff, v11;
	v11 =	vpop (erf)  }
0xce: {  	[tilespmem:s30+$0x0] =	vst.add.f32.msk $0xffff, v11  }
0xcf: {  	v11 =	vld [tilespmem:$0x190];
	_ =	sdelay $0x4  }
0xd0: {  	v52 =	vadd.f32 v11, v9;
	_ =	sdelay $0x1  }
0xd1: {  	v12 =	vmul.f32 $1.442695020e+00, v52;
	_ =	sdelay $0x1  }
0xd2: {  	(erf) = vpow2.f32 v12;
	_ =	sdelay $0x8  }
0xd3: {  	v11 =	vadd.f32 v11, v10;
	v12 =	vpop (erf)  }
0xd4: {  	v12 =	vadd.f32 $1.000000000e+00, v12  }
0xd5: {  	v11 =	vmul.f32 $1.442695020e+00, v11  }
0xd6: {  	(erf) = vrcp.f32 v12  }
0xd7: {  	(erf) = vpow2.f32 v11;
	_ =	sdelay $0x7  }
0xd8: {  	v11 =	vpop (erf)  }
0xd9: {  	v53 =	vpop (erf)  }
0xda: {  	v12 =	vadd.f32 $1.000000000e+00, v53;
	_ =	sdelay $0x1  }
0xdb: {  	(erf) = vrcp.f32 v12;
	_ =	sdelay $0x7  }
0xdc: {  	s30 =	simm.s32 $0x480  }
0xdd: {  	[tilespmem:s30+$0x0] =	vst.add.f32.msk $0xffff, v11;
	s30 =	simm.s32 $0x500;
	v11 =	vpop (erf)  }
0xde: {  	[tilespmem:s30+$0x0] =	vst.add.f32.msk $0xffff, v11  }
0xdf: {  	v11 =	vld [tilespmem:$0x1A0];
	_ =	sdelay $0x4  }
0xe0: {  	v54 =	vadd.f32 v11, v9;
	_ =	sdelay $0x1  }
0xe1: {  	v12 =	vmul.f32 $1.442695020e+00, v54;
	_ =	sdelay $0x1  }
0xe2: {  	(erf) = vpow2.f32 v12;
	_ =	sdelay $0x8  }
0xe3: {  	v11 =	vadd.f32 v11, v10;
	v12 =	vpop (erf)  }
0xe4: {  	v12 =	vadd.f32 $1.000000000e+00, v12  }
0xe5: {  	v11 =	vmul.f32 $1.442695020e+00, v11  }
0xe6: {  	(erf) = vrcp.f32 v12  }
0xe7: {  	(erf) = vpow2.f32 v11;
	_ =	sdelay $0x7  }
0xe8: {  	v11 =	vpop (erf)  }
0xe9: {  	v55 =	vpop (erf)  }
0xea: {  	v12 =	vadd.f32 $1.000000000e+00, v55;
	_ =	sdelay $0x1  }
0xeb: {  	(erf) = vrcp.f32 v12;
	_ =	sdelay $0x7  }
0xec: {  	s30 =	simm.s32 $0x580  }
0xed: {  	[tilespmem:s30+$0x0] =	vst.add.f32.msk $0xffff, v11;
	s30 =	simm.s32 $0x600;
	v11 =	vpop (erf)  }
0xee: {  	[tilespmem:s30+$0x0] =	vst.add.f32.msk $0xffff, v11  }
0xef: {  	v11 =	vld [tilespmem:$0x1B0];
	_ =	sdelay $0x4  }
0xf0: {  	v56 =	vadd.f32 v11, v9;
	_ =	sdelay $0x1  }
0xf1: {  	v12 =	vmul.f32 $1.442695020e+00, v56;
	_ =	sdelay $0x1  }
0xf2: {  	(erf) = vpow2.f32 v12;
	_ =	sdelay $0x8  }
0xf3: {  	v11 =	vadd.f32 v11, v10;
	v12 =	vpop (erf)  }
0xf4: {  	v12 =	vadd.f32 $1.000000000e+00, v12  }
0xf5: {  	v11 =	vmul.f32 $1.442695020e+00, v11  }
0xf6: {  	(erf) = vrcp.f32 v12  }
0xf7: {  	(erf) = vpow2.f32 v11;
	_ =	sdelay $0x7  }
0xf8: {  	v11 =	vpop (erf)  }
0xf9: {  	v57 =	vpop (erf)  }
0xfa: {  	v12 =	vadd.f32 $1.000000000e+00, v57;
	_ =	sdelay $0x1  }
0xfb: {  	(erf) = vrcp.f32 v12;
	_ =	sdelay $0x7  }
0xfc: {  	s30 =	simm.s32 $0x680  }
0xfd: {  	[tilespmem:s30+$0x0] =	vst.add.f32.msk $0xffff, v11;
	s30 =	simm.s32 $0x700;
	v11 =	vpop (erf)  }
0xfe: {  	[tilespmem:s30+$0x0] =	vst.add.f32.msk $0xffff, v11  }
0xff: {  	v11 =	vld [tilespmem:$0x1C0];
	_ =	sdelay $0x4  }
0x100: {  	v58 =	vadd.f32 v11, v9;
	_ =	sdelay $0x1  }
0x101: {  	v12 =	vmul.f32 $1.442695020e+00, v58;
	_ =	sdelay $0x1  }
0x102: {  	(erf) = vpow2.f32 v12;
	_ =	sdelay $0x8  }
0x103: {  	v11 =	vadd.f32 v11, v10;
	v12 =	vpop (erf)  }
0x104: {  	v12 =	vadd.f32 $1.000000000e+00, v12  }
0x105: {  	v11 =	vmul.f32 $1.442695020e+00, v11  }
0x106: {  	(erf) = vrcp.f32 v12  }
0x107: {  	(erf) = vpow2.f32 v11;
	_ =	sdelay $0x7  }
0x108: {  	v11 =	vpop (erf)  }
0x109: {  	v59 =	vpop (erf)  }
0x10a: {  	v12 =	vadd.f32 $1.000000000e+00, v59;
	_ =	sdelay $0x1  }
0x10b: {  	(erf) = vrcp.f32 v12;
	_ =	sdelay $0x7  }
0x10c: {  	s30 =	simm.s32 $0x780  }
0x10d: {  	[tilespmem:s30+$0x0] =	vst.add.f32.msk $0xffff, v11;
	s30 =	simm.s32 $0x800;
	v11 =	vpop (erf)  }
0x10e: {  	[tilespmem:s30+$0x0] =	vst.add.f32.msk $0xffff, v11  }
0x10f: {  	v11 =	vld [tilespmem:$0x1D0];
	_ =	sdelay $0x4  }
0x110: {  	v60 =	vadd.f32 v11, v9;
	_ =	sdelay $0x1  }
0x111: {  	v12 =	vmul.f32 $1.442695020e+00, v60;
	_ =	sdelay $0x1  }
0x112: {  	(erf) = vpow2.f32 v12;
	_ =	sdelay $0x8  }
0x113: {  	v11 =	vadd.f32 v11, v10;
	v12 =	vpop (erf)  }
0x114: {  	v12 =	vadd.f32 $1.000000000e+00, v12  }
0x115: {  	v11 =	vmul.f32 $1.442695020e+00, v11  }
0x116: {  	(erf) = vrcp.f32 v12  }
0x117: {  	(erf) = vpow2.f32 v11;
	_ =	sdelay $0x7  }
0x118: {  	v11 =	vpop (erf)  }
0x119: {  	v61 =	vpop (erf)  }
0x11a: {  	v12 =	vadd.f32 $1.000000000e+00, v61;
	_ =	sdelay $0x1  }
0x11b: {  	(erf) = vrcp.f32 v12;
	_ =	sdelay $0x7  }
0x11c: {  	s30 =	simm.s32 $0x880  }
0x11d: {  	[tilespmem:s30+$0x0] =	vst.add.f32.msk $0xffff, v11;
	s30 =	simm.s32 $0x900;
	v11 =	vpop (erf)  }
0x11e: {  	[tilespmem:s30+$0x0] =	vst.add.f32.msk $0xffff, v11  }
0x11f: {  	v11 =	vld [tilespmem:$0x1E0];
	_ =	sdelay $0x4  }
0x120: {  	v62 =	vadd.f32 v11, v9;
	_ =	sdelay $0x1  }
0x121: {  	v12 =	vmul.f32 $1.442695020e+00, v62;
	_ =	sdelay $0x1  }
0x122: {  	(erf) = vpow2.f32 v12;
	_ =	sdelay $0x8  }
0x123: {  	v11 =	vadd.f32 v11, v10;
	v12 =	vpop (erf)  }
0x124: {  	v12 =	vadd.f32 $1.000000000e+00, v12  }
0x125: {  	v11 =	vmul.f32 $1.442695020e+00, v11  }
0x126: {  	(erf) = vrcp.f32 v12  }
0x127: {  	(erf) = vpow2.f32 v11;
	_ =	sdelay $0x7  }
0x128: {  	v11 =	vpop (erf)  }
0x129: {  	v63 =	vpop (erf)  }
0x12a: {  	v12 =	vadd.f32 $1.000000000e+00, v63;
	_ =	sdelay $0x1  }
0x12b: {  	(erf) = vrcp.f32 v12;
	_ =	sdelay $0x7  }
0x12c: {  	s30 =	simm.s32 $0x980  }
0x12d: {  	[tilespmem:s30+$0x0] =	vst.add.f32.msk $0xffff, v11;
	s30 =	simm.s32 $0xA00;
	v11 =	vpop (erf)  }
0x12e: {  	[tilespmem:s30+$0x0] =	vst.add.f32.msk $0xffff, v11  }
0x12f: {  	v11 =	vld [tilespmem:$0x1F0];
	_ =	sdelay $0x4  }
0x130: {  	v16 =	vadd.f32 v11, v9;
	_ =	sdelay $0x1  }
0x131: {  	v12 =	vmul.f32 $1.442695020e+00, v16;
	_ =	sdelay $0x1  }
0x132: {  	(erf) = vpow2.f32 v12;
	_ =	sdelay $0x8  }
0x133: {  	v11 =	vadd.f32 v11, v10;
	v12 =	vpop (erf)  }
0x134: {  	v12 =	vadd.f32 $1.000000000e+00, v12  }
0x135: {  	v11 =	vmul.f32 $1.442695020e+00, v11  }
0x136: {  	(erf) = vrcp.f32 v12  }
0x137: {  	(erf) = vpow2.f32 v11;
	_ =	sdelay $0x7  }
0x138: {  	v11 =	vpop (erf)  }
0x139: {  	v17 =	vpop (erf)  }
0x13a: {  	v12 =	vadd.f32 $1.000000000e+00, v17;
	_ =	sdelay $0x1  }
0x13b: {  	(erf) = vrcp.f32 v12;
	_ =	sdelay $0x7  }
0x13c: {  	s30 =	simm.s32 $0xA80  }
0x13d: {  	[tilespmem:s30+$0x0] =	vst.add.f32.msk $0xffff, v11;
	s30 =	simm.s32 $0xB00;
	v11 =	vpop (erf)  }
0x13e: {  	[tilespmem:s30+$0x0] =	vst.add.f32.msk $0xffff, v11  }
0x13f: {  	v11 =	vld [tilespmem:$0x200];
	_ =	sdelay $0x4  }
0x140: {  	v18 =	vadd.f32 v11, v9;
	_ =	sdelay $0x1  }
0x141: {  	v12 =	vmul.f32 $1.442695020e+00, v18;
	_ =	sdelay $0x1  }
0x142: {  	(erf) = vpow2.f32 v12;
	_ =	sdelay $0x8  }
0x143: {  	v11 =	vadd.f32 v11, v10;
	v12 =	vpop (erf)  }
0x144: {  	v12 =	vadd.f32 $1.000000000e+00, v12  }
0x145: {  	v11 =	vmul.f32 $1.442695020e+00, v11  }
0x146: {  	(erf) = vrcp.f32 v12  }
0x147: {  	(erf) = vpow2.f32 v11;
	_ =	sdelay $0x7  }
0x148: {  	v11 =	vpop (erf)  }
0x149: {  	v19 =	vpop (erf)  }
0x14a: {  	v12 =	vadd.f32 $1.000000000e+00, v19;
	_ =	sdelay $0x1  }
0x14b: {  	(erf) = vrcp.f32 v12;
	_ =	sdelay $0x7  }
0x14c: {  	s30 =	simm.s32 $0xB80  }
0x14d: {  	[tilespmem:s30+$0x0] =	vst.add.f32.msk $0xffff, v11;
	s30 =	simm.s32 $0xC00;
	v11 =	vpop (erf)  }
0x14e: {  	[tilespmem:s30+$0x0] =	vst.add.f32.msk $0xffff, v11  }
0x14f: {  	v11 =	vld [tilespmem:$0x210];
	_ =	sdelay $0x4  }
0x150: {  	v20 =	vadd.f32 v11, v9;
	_ =	sdelay $0x1  }
0x151: {  	v12 =	vmul.f32 $1.442695020e+00, v20;
	_ =	sdelay $0x1  }
0x152: {  	(erf) = vpow2.f32 v12;
	_ =	sdelay $0x8  }
0x153: {  	v11 =	vadd.f32 v11, v10;
	v12 =	vpop (erf)  }
0x154: {  	v12 =	vadd.f32 $1.000000000e+00, v12  }
0x155: {  	v11 =	vmul.f32 $1.442695020e+00, v11  }
0x156: {  	(erf) = vrcp.f32 v12  }
0x157: {  	(erf) = vpow2.f32 v11;
	_ =	sdelay $0x7  }
0x158: {  	v11 =	vpop (erf)  }
0x159: {  	v21 =	vpop (erf)  }
0x15a: {  	v12 =	vadd.f32 $1.000000000e+00, v21;
	_ =	sdelay $0x1  }
0x15b: {  	(erf) = vrcp.f32 v12;
	_ =	sdelay $0x7  }
0x15c: {  	s30 =	simm.s32 $0xC80  }
0x15d: {  	[tilespmem:s30+$0x0] =	vst.add.f32.msk $0xffff, v11;
	s30 =	simm.s32 $0xD00;
	v11 =	vpop (erf)  }
0x15e: {  	[tilespmem:s30+$0x0] =	vst.add.f32.msk $0xffff, v11  }
0x15f: {  	v11 =	vld [tilespmem:$0x220];
	_ =	sdelay $0x4  }
0x160: {  	v22 =	vadd.f32 v11, v9;
	_ =	sdelay $0x1  }
0x161: {  	v12 =	vmul.f32 $1.442695020e+00, v22;
	_ =	sdelay $0x1  }
0x162: {  	(erf) = vpow2.f32 v12;
	_ =	sdelay $0x8  }
0x163: {  	v11 =	vadd.f32 v11, v10;
	v12 =	vpop (erf)  }
0x164: {  	v12 =	vadd.f32 $1.000000000e+00, v12  }
0x165: {  	v11 =	vmul.f32 $1.442695020e+00, v11  }
0x166: {  	(erf) = vrcp.f32 v12  }
0x167: {  	(erf) = vpow2.f32 v11;
	_ =	sdelay $0x7  }
0x168: {  	v11 =	vpop (erf)  }
0x169: {  	v23 =	vpop (erf)  }
0x16a: {  	v12 =	vadd.f32 $1.000000000e+00, v23;
	_ =	sdelay $0x1  }
0x16b: {  	(erf) = vrcp.f32 v12;
	_ =	sdelay $0x7  }
0x16c: {  	s30 =	simm.s32 $0xD80  }
0x16d: {  	[tilespmem:s30+$0x0] =	vst.add.f32.msk $0xffff, v11;
	s30 =	simm.s32 $0xE00;
	v11 =	vpop (erf)  }
0x16e: {  	[tilespmem:s30+$0x0] =	vst.add.f32.msk $0xffff, v11  }
0x16f: {  	v11 =	vld [tilespmem:$0x230];
	_ =	sdelay $0x4  }
0x170: {  	v24 =	vadd.f32 v11, v9;
	_ =	sdelay $0x1  }
0x171: {  	v12 =	vmul.f32 $1.442695020e+00, v24;
	_ =	sdelay $0x1  }
0x172: {  	(erf) = vpow2.f32 v12;
	_ =	sdelay $0x8  }
0x173: {  	v11 =	vadd.f32 v11, v10;
	v12 =	vpop (erf)  }
0x174: {  	v12 =	vadd.f32 $1.000000000e+00, v12  }
0x175: {  	v11 =	vmul.f32 $1.442695020e+00, v11  }
0x176: {  	(erf) = vrcp.f32 v12  }
0x177: {  	(erf) = vpow2.f32 v11;
	_ =	sdelay $0x7  }
0x178: {  	v11 =	vpop (erf)  }
0x179: {  	v25 =	vpop (erf)  }
0x17a: {  	v12 =	vadd.f32 $1.000000000e+00, v25;
	_ =	sdelay $0x1  }
0x17b: {  	(erf) = vrcp.f32 v12;
	_ =	sdelay $0x7  }
0x17c: {  	s30 =	simm.s32 $0xE80  }
0x17d: {  	[tilespmem:s30+$0x0] =	vst.add.f32.msk $0xffff, v11;
	s30 =	simm.s32 $0xF00;
	v11 =	vpop (erf)  }
0x17e: {  	[tilespmem:s30+$0x0] =	vst.add.f32.msk $0xffff, v11  }
0x17f: {  	v11 =	vld [tilespmem:$0x240];
	_ =	sdelay $0x4  }
0x180: {  	v26 =	vadd.f32 v11, v9;
	_ =	sdelay $0x1  }
0x181: {  	v12 =	vmul.f32 $1.442695020e+00, v26;
	_ =	sdelay $0x1  }
0x182: {  	(erf) = vpow2.f32 v12;
	_ =	sdelay $0x8  }
0x183: {  	v11 =	vadd.f32 v11, v10;
	v12 =	vpop (erf)  }
0x184: {  	v12 =	vadd.f32 $1.000000000e+00, v12  }
0x185: {  	v11 =	vmul.f32 $1.442695020e+00, v11  }
0x186: {  	(erf) = vrcp.f32 v12  }
0x187: {  	(erf) = vpow2.f32 v11;
	_ =	sdelay $0x7  }
0x188: {  	v11 =	vpop (erf)  }
0x189: {  	v27 =	vpop (erf)  }
0x18a: {  	v12 =	vadd.f32 $1.000000000e+00, v27;
	_ =	sdelay $0x1  }
0x18b: {  	(erf) = vrcp.f32 v12;
	_ =	sdelay $0x7  }
0x18c: {  	s30 =	simm.s32 $0xF80  }
0x18d: {  	[tilespmem:s30+$0x0] =	vst.add.f32.msk $0xffff, v11;
	s30 =	simm.s32 $0x1000;
	v11 =	vpop (erf)  }
0x18e: {  	[tilespmem:s30+$0x0] =	vst.add.f32.msk $0xffff, v11  }
0x18f: {  	v11 =	vld [tilespmem:$0x250];
	_ =	sdelay $0x4  }
0x190: {  	v28 =	vadd.f32 v11, v9;
	_ =	sdelay $0x1  }
0x191: {  	v12 =	vmul.f32 $1.442695020e+00, v28;
	_ =	sdelay $0x1  }
0x192: {  	(erf) = vpow2.f32 v12;
	_ =	sdelay $0x8  }
0x193: {  	v11 =	vadd.f32 v11, v10;
	v12 =	vpop (erf)  }
0x194: {  	v12 =	vadd.f32 $1.000000000e+00, v12  }
0x195: {  	v11 =	vmul.f32 $1.442695020e+00, v11  }
0x196: {  	(erf) = vrcp.f32 v12  }
0x197: {  	(erf) = vpow2.f32 v11;
	_ =	sdelay $0x7  }
0x198: {  	v11 =	vpop (erf)  }
0x199: {  	v29 =	vpop (erf)  }
0x19a: {  	v12 =	vadd.f32 $1.000000000e+00, v29;
	_ =	sdelay $0x1  }
0x19b: {  	(erf) = vrcp.f32 v12;
	_ =	sdelay $0x7  }
0x19c: {  	s30 =	simm.s32 $0x1080  }
0x19d: {  	[tilespmem:s30+$0x0] =	vst.add.f32.msk $0xffff, v11;
	s30 =	simm.s32 $0x1100;
	v11 =	vpop (erf)  }
0x19e: {  	[tilespmem:s30+$0x0] =	vst.add.f32.msk $0xffff, v11  }
0x19f: {  	v11 =	vld [tilespmem:$0x260];
	_ =	sdelay $0x4  }
0x1a0: {  	v30 =	vadd.f32 v11, v9;
	_ =	sdelay $0x1  }
0x1a1: {  	v12 =	vmul.f32 $1.442695020e+00, v30;
	_ =	sdelay $0x1  }
0x1a2: {  	(erf) = vpow2.f32 v12;
	_ =	sdelay $0x8  }
0x1a3: {  	v11 =	vadd.f32 v11, v10;
	v12 =	vpop (erf)  }
0x1a4: {  	v12 =	vadd.f32 $1.000000000e+00, v12  }
0x1a5: {  	v11 =	vmul.f32 $1.442695020e+00, v11  }
0x1a6: {  	(erf) = vrcp.f32 v12  }
0x1a7: {  	(erf) = vpow2.f32 v11;
	_ =	sdelay $0x7  }
0x1a8: {  	v11 =	vpop (erf)  }
0x1a9: {  	v31 =	vpop (erf)  }
0x1aa: {  	v12 =	vadd.f32 $1.000000000e+00, v31;
	_ =	sdelay $0x1  }
0x1ab: {  	(erf) = vrcp.f32 v12;
	_ =	sdelay $0x7  }
0x1ac: {  	s30 =	simm.s32 $0x1180  }
0x1ad: {  	[tilespmem:s30+$0x0] =	vst.add.f32.msk $0xffff, v11;
	s30 =	simm.s32 $0x1200;
	v11 =	vpop (erf)  }
0x1ae: {  	[tilespmem:s30+$0x0] =	vst.add.f32.msk $0xffff, v11  }
0x1af: {  	v11 =	vld [tilespmem:$0x270];
	_ =	sdelay $0x4  }
0x1b0: {  	v32 =	vadd.f32 v11, v9;
	_ =	sdelay $0x1  }
0x1b1: {  	v12 =	vmul.f32 $1.442695020e+00, v32;
	_ =	sdelay $0x1  }
0x1b2: {  	(erf) = vpow2.f32 v12;
	_ =	sdelay $0x8  }
0x1b3: {  	v11 =	vadd.f32 v11, v10;
	v12 =	vpop (erf)  }
0x1b4: {  	v12 =	vadd.f32 $1.000000000e+00, v12  }
0x1b5: {  	v11 =	vmul.f32 $1.442695020e+00, v11  }
0x1b6: {  	(erf) = vrcp.f32 v12  }
0x1b7: {  	(erf) = vpow2.f32 v11;
	_ =	sdelay $0x7  }
0x1b8: {  	v11 =	vpop (erf)  }
0x1b9: {  	v33 =	vpop (erf)  }
0x1ba: {  	v12 =	vadd.f32 $1.000000000e+00, v33;
	_ =	sdelay $0x1  }
0x1bb: {  	(erf) = vrcp.f32 v12;
	_ =	sdelay $0x7  }
0x1bc: {  	s30 =	simm.s32 $0x1280  }
0x1bd: {  	[tilespmem:s30+$0x0] =	vst.add.f32.msk $0xffff, v11;
	s30 =	simm.s32 $0x1300;
	v11 =	vpop (erf)  }
0x1be: {  	[tilespmem:s30+$0x0] =	vst.add.f32.msk $0xffff, v11  }
0x1bf: {  	v11 =	vld [tilespmem:$0x280];
	_ =	sdelay $0x4  }
0x1c0: {  	v34 =	vadd.f32 v11, v9;
	_ =	sdelay $0x1  }
0x1c1: {  	v12 =	vmul.f32 $1.442695020e+00, v34;
	_ =	sdelay $0x1  }
0x1c2: {  	(erf) = vpow2.f32 v12;
	_ =	sdelay $0x8  }
0x1c3: {  	v11 =	vadd.f32 v11, v10;
	v12 =	vpop (erf)  }
0x1c4: {  	v12 =	vadd.f32 $1.000000000e+00, v12  }
0x1c5: {  	v11 =	vmul.f32 $1.442695020e+00, v11  }
0x1c6: {  	(erf) = vrcp.f32 v12  }
0x1c7: {  	(erf) = vpow2.f32 v11;
	_ =	sdelay $0x7  }
0x1c8: {  	v11 =	vpop (erf)  }
0x1c9: {  	v35 =	vpop (erf)  }
0x1ca: {  	v12 =	vadd.f32 $1.000000000e+00, v35;
	_ =	sdelay $0x1  }
0x1cb: {  	(erf) = vrcp.f32 v12;
	_ =	sdelay $0x7  }
0x1cc: {  	s30 =	simm.s32 $0x1380  }
0x1cd: {  	[tilespmem:s30+$0x0] =	vst.add.f32.msk $0xffff, v11;
	s30 =	simm.s32 $0x1400;
	v11 =	vpop (erf)  }
0x1ce: {  	[tilespmem:s30+$0x0] =	vst.add.f32.msk $0xffff, v11  }
0x1cf: {  	v11 =	vld [tilespmem:$0x290];
	_ =	sdelay $0x4  }
0x1d0: {  	v36 =	vadd.f32 v11, v9;
	_ =	sdelay $0x1  }
0x1d1: {  	v12 =	vmul.f32 $1.442695020e+00, v36;
	_ =	sdelay $0x1  }
0x1d2: {  	(erf) = vpow2.f32 v12;
	_ =	sdelay $0x8  }
0x1d3: {  	v11 =	vadd.f32 v11, v10;
	v12 =	vpop (erf)  }
0x1d4: {  	v12 =	vadd.f32 $1.000000000e+00, v12  }
0x1d5: {  	v11 =	vmul.f32 $1.442695020e+00, v11  }
0x1d6: {  	(erf) = vrcp.f32 v12  }
0x1d7: {  	(erf) = vpow2.f32 v11;
	_ =	sdelay $0x7  }
0x1d8: {  	v11 =	vpop (erf)  }
0x1d9: {  	v37 =	vpop (erf)  }
0x1da: {  	v12 =	vadd.f32 $1.000000000e+00, v37;
	_ =	sdelay $0x1  }
0x1db: {  	(erf) = vrcp.f32 v12;
	_ =	sdelay $0x7  }
0x1dc: {  	s30 =	simm.s32 $0x1480  }
0x1dd: {  	[tilespmem:s30+$0x0] =	vst.add.f32.msk $0xffff, v11;
	s30 =	simm.s32 $0x1500;
	v11 =	vpop (erf)  }
0x1de: {  	[tilespmem:s30+$0x0] =	vst.add.f32.msk $0xffff, v11  }
0x1df: {  	v11 =	vld [tilespmem:$0x2A0];
	_ =	sdelay $0x4  }
0x1e0: {  	v38 =	vadd.f32 v11, v9;
	_ =	sdelay $0x1  }
0x1e1: {  	v12 =	vmul.f32 $1.442695020e+00, v38;
	_ =	sdelay $0x1  }
0x1e2: {  	(erf) = vpow2.f32 v12;
	_ =	sdelay $0x8  }
0x1e3: {  	v11 =	vadd.f32 v11, v10;
	v12 =	vpop (erf)  }
0x1e4: {  	v12 =	vadd.f32 $1.000000000e+00, v12  }
0x1e5: {  	v11 =	vmul.f32 $1.442695020e+00, v11  }
0x1e6: {  	(erf) = vrcp.f32 v12  }
0x1e7: {  	(erf) = vpow2.f32 v11;
	_ =	sdelay $0x7  }
0x1e8: {  	v11 =	vpop (erf)  }
0x1e9: {  	v39 =	vpop (erf)  }
0x1ea: {  	v12 =	vadd.f32 $1.000000000e+00, v39;
	_ =	sdelay $0x1  }
0x1eb: {  	(erf) = vrcp.f32 v12;
	_ =	sdelay $0x7  }
0x1ec: {  	s30 =	simm.s32 $0x1580  }
0x1ed: {  	[tilespmem:s30+$0x0] =	vst.add.f32.msk $0xffff, v11;
	s30 =	simm.s32 $0x1600;
	v11 =	vpop (erf)  }
0x1ee: {  	[tilespmem:s30+$0x0] =	vst.add.f32.msk $0xffff, v11  }
0x1ef: {  	v11 =	vld [tilespmem:$0x2B0];
	_ =	sdelay $0x4  }
0x1f0: {  	v40 =	vadd.f32 v11, v9;
	_ =	sdelay $0x1  }
0x1f1: {  	v12 =	vmul.f32 $1.442695020e+00, v40;
	_ =	sdelay $0x1  }
0x1f2: {  	(erf) = vpow2.f32 v12;
	_ =	sdelay $0x8  }
0x1f3: {  	v11 =	vadd.f32 v11, v10;
	v12 =	vpop (erf)  }
0x1f4: {  	v12 =	vadd.f32 $1.000000000e+00, v12  }
0x1f5: {  	v11 =	vmul.f32 $1.442695020e+00, v11  }
0x1f6: {  	(erf) = vrcp.f32 v12  }
0x1f7: {  	(erf) = vpow2.f32 v11;
	_ =	sdelay $0x7  }
0x1f8: {  	v11 =	vpop (erf)  }
0x1f9: {  	v41 =	vpop (erf)  }
0x1fa: {  	v12 =	vadd.f32 $1.000000000e+00, v41;
	_ =	sdelay $0x1  }
0x1fb: {  	(erf) = vrcp.f32 v12;
	_ =	sdelay $0x7  }
0x1fc: {  	s30 =	simm.s32 $0x1680  }
0x1fd: {  	[tilespmem:s30+$0x0] =	vst.add.f32.msk $0xffff, v11;
	s30 =	simm.s32 $0x1700;
	v11 =	vpop (erf)  }
0x1fe: {  	[tilespmem:s30+$0x0] =	vst.add.f32.msk $0xffff, v11  }
0x1ff: {  	v11 =	vld [tilespmem:$0x2C0];
	_ =	sdelay $0x4  }
0x200: {  	v42 =	vadd.f32 v11, v9;
	_ =	sdelay $0x1  }
0x201: {  	v12 =	vmul.f32 $1.442695020e+00, v42;
	_ =	sdelay $0x1  }
0x202: {  	(erf) = vpow2.f32 v12;
	_ =	sdelay $0x8  }
0x203: {  	v11 =	vadd.f32 v11, v10;
	v12 =	vpop (erf)  }
0x204: {  	v12 =	vadd.f32 $1.000000000e+00, v12  }
0x205: {  	v11 =	vmul.f32 $1.442695020e+00, v11  }
0x206: {  	(erf) = vrcp.f32 v12  }
0x207: {  	(erf) = vpow2.f32 v11;
	_ =	sdelay $0x7  }
0x208: {  	v11 =	vpop (erf)  }
0x209: {  	v43 =	vpop (erf)  }
0x20a: {  	v12 =	vadd.f32 $1.000000000e+00, v43;
	_ =	sdelay $0x1  }
0x20b: {  	(erf) = vrcp.f32 v12;
	_ =	sdelay $0x7  }
0x20c: {  	s30 =	simm.s32 $0x1780  }
0x20d: {  	[tilespmem:s30+$0x0] =	vst.add.f32.msk $0xffff, v11;
	v11 =	vpop (erf)  }
0x20e: {  	[tilespmem:s31+$0x0] =	vst.add.f32.msk $0xffff, v11  }
0x20f: {  	v11 =	vld [tilespmem:$0x2D0];
	_ =	sdelay $0x4  }
0x210: {  	v44 =	vadd.f32 v11, v9;
	_ =	sdelay $0x1  }
0x211: {  	v12 =	vmul.f32 $1.442695020e+00, v44;
	_ =	sdelay $0x1  }
0x212: {  	(erf) = vpow2.f32 v12;
	_ =	sdelay $0x8  }
0x213: {  	v11 =	vadd.f32 v11, v10;
	v12 =	vpop (erf)  }
0x214: {  	v12 =	vadd.f32 $1.000000000e+00, v12  }
0x215: {  	v11 =	vmul.f32 $1.442695020e+00, v11  }
0x216: {  	(erf) = vrcp.f32 v12  }
0x217: {  	(erf) = vpow2.f32 v11;
	_ =	sdelay $0x7  }
0x218: {  	v11 =	vpop (erf)  }
0x219: {  	v45 =	vpop (erf)  }
0x21a: {  	v12 =	vadd.f32 $1.000000000e+00, v45;
	_ =	sdelay $0x1  }
0x21b: {  	(erf) = vrcp.f32 v12;
	_ =	sdelay $0x8  }
0x21c: {  	[tilespmem:s1+$0x0] =	vst.add.f32.msk $0xffff, v11;
	v11 =	vpop (erf)  }
0x21d: {  	[tilespmem:s0+$0x0] =	vst.add.f32.msk $0xffff, v11  }
0x21e: {  	v11 =	vld [tilespmem:$0x2E0];
	_ =	sdelay $0x4  }
0x21f: {  	v46 =	vadd.f32 v11, v9;
	_ =	sdelay $0x1  }
0x220: {  	v12 =	vmul.f32 $1.442695020e+00, v46;
	_ =	sdelay $0x1  }
0x221: {  	(erf) = vpow2.f32 v12;
	_ =	sdelay $0x8  }
0x222: {  	v11 =	vadd.f32 v11, v10;
	v12 =	vpop (erf)  }
0x223: {  	v12 =	vadd.f32 $1.000000000e+00, v12  }
0x224: {  	v11 =	vmul.f32 $1.442695020e+00, v11  }
0x225: {  	(erf) = vrcp.f32 v12  }
0x226: {  	(erf) = vpow2.f32 v11;
	_ =	sdelay $0x7  }
0x227: {  	v11 =	vpop (erf)  }
0x228: {  	v47 =	vpop (erf)  }
0x229: {  	v12 =	vadd.f32 $1.000000000e+00, v47;
	_ =	sdelay $0x1  }
0x22a: {  	(erf) = vrcp.f32 v12;
	_ =	sdelay $0x8  }
0x22b: {  	[tilespmem:s12+$0x0] =	vst.add.f32.msk $0xffff, v11;
	v11 =	vpop (erf)  }
0x22c: {  	[tilespmem:s13+$0x0] =	vst.add.f32.msk $0xffff, v11  }
0x22d: {  	v11 =	vld [tilespmem:$0x2F0];
	_ =	sdelay $0x4  }
0x22e: {  	v48 =	vadd.f32 v11, v9;
	_ =	sdelay $0x1  }
0x22f: {  	v12 =	vmul.f32 $1.442695020e+00, v48;
	_ =	sdelay $0x1  }
0x230: {  	(erf) = vpow2.f32 v12;
	_ =	sdelay $0x8  }
0x231: {  	v11 =	vadd.f32 v11, v10;
	v12 =	vpop (erf)  }
0x232: {  	v12 =	vadd.f32 $1.000000000e+00, v12  }
0x233: {  	v11 =	vmul.f32 $1.442695020e+00, v11  }
0x234: {  	(erf) = vrcp.f32 v12  }
0x235: {  	(erf) = vpow2.f32 v11;
	_ =	sdelay $0x7  }
0x236: {  	v11 =	vpop (erf)  }
0x237: {  	v49 =	vpop (erf)  }
0x238: {  	v12 =	vadd.f32 $1.000000000e+00, v49;
	_ =	sdelay $0x1  }
0x239: {  	(erf) = vrcp.f32 v12;
	_ =	sdelay $0x8  }
0x23a: {  	[tilespmem:s3+$0x0] =	vst.add.f32.msk $0xffff, v11;
	v11 =	vpop (erf)  }
0x23b: {  	[tilespmem:s4+$0x0] =	vst.add.f32.msk $0xffff, v11  }
0x23c: {  	v11 =	vld [tilespmem:$0x300];
	_ =	sdelay $0x4  }
0x23d: {  	v50 =	vadd.f32 v11, v9;
	_ =	sdelay $0x1  }
0x23e: {  	v12 =	vmul.f32 $1.442695020e+00, v50;
	_ =	sdelay $0x1  }
0x23f: {  	(erf) = vpow2.f32 v12;
	_ =	sdelay $0x8  }
0x240: {  	v11 =	vadd.f32 v11, v10;
	v12 =	vpop (erf)  }
0x241: {  	v12 =	vadd.f32 $1.000000000e+00, v12  }
0x242: {  	v11 =	vmul.f32 $1.442695020e+00, v11  }
0x243: {  	(erf) = vrcp.f32 v12  }
0x244: {  	(erf) = vpow2.f32 v11;
	_ =	sdelay $0x7  }
0x245: {  	v11 =	vpop (erf)  }
0x246: {  	v51 =	vpop (erf)  }
0x247: {  	v12 =	vadd.f32 $1.000000000e+00, v51;
	_ =	sdelay $0x1  }
0x248: {  	(erf) = vrcp.f32 v12;
	_ =	sdelay $0x8  }
0x249: {  	[tilespmem:s6+$0x0] =	vst.add.f32.msk $0xffff, v11;
	v11 =	vpop (erf)  }
0x24a: {  	[tilespmem:s7+$0x0] =	vst.add.f32.msk $0xffff, v11  }
0x24b: {  	v11 =	vld [tilespmem:$0x310];
	_ =	sdelay $0x4  }
0x24c: {  	v52 =	vadd.f32 v11, v9;
	_ =	sdelay $0x1  }
0x24d: {  	v12 =	vmul.f32 $1.442695020e+00, v52;
	_ =	sdelay $0x1  }
0x24e: {  	(erf) = vpow2.f32 v12;
	_ =	sdelay $0x8  }
0x24f: {  	v11 =	vadd.f32 v11, v10;
	v12 =	vpop (erf)  }
0x250: {  	v12 =	vadd.f32 $1.000000000e+00, v12  }
0x251: {  	v11 =	vmul.f32 $1.442695020e+00, v11  }
0x252: {  	(erf) = vrcp.f32 v12  }
0x253: {  	(erf) = vpow2.f32 v11;
	_ =	sdelay $0x7  }
0x254: {  	v11 =	vpop (erf)  }
0x255: {  	v53 =	vpop (erf)  }
0x256: {  	v12 =	vadd.f32 $1.000000000e+00, v53;
	_ =	sdelay $0x1  }
0x257: {  	(erf) = vrcp.f32 v12;
	_ =	sdelay $0x8  }
0x258: {  	[tilespmem:s9+$0x0] =	vst.add.f32.msk $0xffff, v11;
	v11 =	vpop (erf)  }
0x259: {  	[tilespmem:s15+$0x0] =	vst.add.f32.msk $0xffff, v11  }
0x25a: {  	v11 =	vld [tilespmem:$0x320];
	_ =	sdelay $0x4  }
0x25b: {  	v54 =	vadd.f32 v11, v9;
	_ =	sdelay $0x1  }
0x25c: {  	v12 =	vmul.f32 $1.442695020e+00, v54;
	_ =	sdelay $0x1  }
0x25d: {  	(erf) = vpow2.f32 v12;
	_ =	sdelay $0x8  }
0x25e: {  	v11 =	vadd.f32 v11, v10;
	v12 =	vpop (erf)  }
0x25f: {  	v12 =	vadd.f32 $1.000000000e+00, v12  }
0x260: {  	v11 =	vmul.f32 $1.442695020e+00, v11  }
0x261: {  	(erf) = vrcp.f32 v12  }
0x262: {  	(erf) = vpow2.f32 v11;
	_ =	sdelay $0x7  }
0x263: {  	v11 =	vpop (erf)  }
0x264: {  	v55 =	vpop (erf)  }
0x265: {  	v12 =	vadd.f32 $1.000000000e+00, v55;
	_ =	sdelay $0x1  }
0x266: {  	(erf) = vrcp.f32 v12;
	_ =	sdelay $0x8  }
0x267: {  	[tilespmem:s16+$0x0] =	vst.add.f32.msk $0xffff, v11;
	v11 =	vpop (erf)  }
0x268: {  	[tilespmem:s17+$0x0] =	vst.add.f32.msk $0xffff, v11  }
0x269: {  	v11 =	vld [tilespmem:$0x330];
	_ =	sdelay $0x4  }
0x26a: {  	v56 =	vadd.f32 v11, v9;
	_ =	sdelay $0x1  }
0x26b: {  	v12 =	vmul.f32 $1.442695020e+00, v56;
	_ =	sdelay $0x1  }
0x26c: {  	(erf) = vpow2.f32 v12;
	_ =	sdelay $0x8  }
0x26d: {  	v11 =	vadd.f32 v11, v10;
	v12 =	vpop (erf)  }
0x26e: {  	v12 =	vadd.f32 $1.000000000e+00, v12  }
0x26f: {  	v11 =	vmul.f32 $1.442695020e+00, v11  }
0x270: {  	(erf) = vrcp.f32 v12  }
0x271: {  	(erf) = vpow2.f32 v11;
	_ =	sdelay $0x7  }
0x272: {  	v11 =	vpop (erf)  }
0x273: {  	v57 =	vpop (erf)  }
0x274: {  	v12 =	vadd.f32 $1.000000000e+00, v57;
	_ =	sdelay $0x1  }
0x275: {  	(erf) = vrcp.f32 v12;
	_ =	sdelay $0x8  }
0x276: {  	[tilespmem:s18+$0x0] =	vst.add.f32.msk $0xffff, v11;
	v11 =	vpop (erf)  }
0x277: {  	[tilespmem:s19+$0x0] =	vst.add.f32.msk $0xffff, v11  }
0x278: {  	v11 =	vld [tilespmem:$0x340];
	_ =	sdelay $0x4  }
0x279: {  	v58 =	vadd.f32 v11, v9;
	_ =	sdelay $0x1  }
0x27a: {  	v12 =	vmul.f32 $1.442695020e+00, v58;
	_ =	sdelay $0x1  }
0x27b: {  	(erf) = vpow2.f32 v12;
	_ =	sdelay $0x8  }
0x27c: {  	v11 =	vadd.f32 v11, v10;
	v12 =	vpop (erf)  }
0x27d: {  	v12 =	vadd.f32 $1.000000000e+00, v12  }
0x27e: {  	v11 =	vmul.f32 $1.442695020e+00, v11  }
0x27f: {  	(erf) = vrcp.f32 v12  }
0x280: {  	(erf) = vpow2.f32 v11;
	_ =	sdelay $0x7  }
0x281: {  	v11 =	vpop (erf)  }
0x282: {  	v59 =	vpop (erf)  }
0x283: {  	v12 =	vadd.f32 $1.000000000e+00, v59;
	_ =	sdelay $0x1  }
0x284: {  	(erf) = vrcp.f32 v12;
	_ =	sdelay $0x8  }
0x285: {  	[tilespmem:s20+$0x0] =	vst.add.f32.msk $0xffff, v11;
	v11 =	vpop (erf)  }
0x286: {  	[tilespmem:s21+$0x0] =	vst.add.f32.msk $0xffff, v11  }
0x287: {  	v11 =	vld [tilespmem:$0x350];
	_ =	sdelay $0x4  }
0x288: {  	v60 =	vadd.f32 v11, v9;
	_ =	sdelay $0x1  }
0x289: {  	v12 =	vmul.f32 $1.442695020e+00, v60;
	_ =	sdelay $0x1  }
0x28a: {  	(erf) = vpow2.f32 v12;
	_ =	sdelay $0x8  }
0x28b: {  	v11 =	vadd.f32 v11, v10;
	v12 =	vpop (erf)  }
0x28c: {  	v12 =	vadd.f32 $1.000000000e+00, v12  }
0x28d: {  	v11 =	vmul.f32 $1.442695020e+00, v11  }
0x28e: {  	(erf) = vrcp.f32 v12  }
0x28f: {  	(erf) = vpow2.f32 v11;
	_ =	sdelay $0x7  }
0x290: {  	v11 =	vpop (erf)  }
0x291: {  	v61 =	vpop (erf)  }
0x292: {  	v12 =	vadd.f32 $1.000000000e+00, v61;
	_ =	sdelay $0x1  }
0x293: {  	(erf) = vrcp.f32 v12;
	_ =	sdelay $0x8  }
0x294: {  	[tilespmem:s22+$0x0] =	vst.add.f32.msk $0xffff, v11;
	v11 =	vpop (erf)  }
0x295: {  	[tilespmem:s23+$0x0] =	vst.add.f32.msk $0xffff, v11  }
0x296: {  	v11 =	vld [tilespmem:$0x360];
	_ =	sdelay $0x4  }
0x297: {  	v62 =	vadd.f32 v11, v9;
	_ =	sdelay $0x1  }
0x298: {  	v12 =	vmul.f32 $1.442695020e+00, v62;
	_ =	sdelay $0x1  }
0x299: {  	(erf) = vpow2.f32 v12;
	_ =	sdelay $0x8  }
0x29a: {  	v11 =	vadd.f32 v11, v10;
	v12 =	vpop (erf)  }
0x29b: {  	v12 =	vadd.f32 $1.000000000e+00, v12  }
0x29c: {  	v11 =	vmul.f32 $1.442695020e+00, v11  }
0x29d: {  	(erf) = vrcp.f32 v12  }
0x29e: {  	(erf) = vpow2.f32 v11;
	_ =	sdelay $0x7  }
0x29f: {  	v11 =	vpop (erf)  }
0x2a0: {  	v63 =	vpop (erf)  }
0x2a1: {  	v12 =	vadd.f32 $1.000000000e+00, v63;
	_ =	sdelay $0x1  }
0x2a2: {  	(erf) = vrcp.f32 v12;
	_ =	sdelay $0x8  }
0x2a3: {  	[tilespmem:s24+$0x0] =	vst.add.f32.msk $0xffff, v11;
	v11 =	vpop (erf)  }
0x2a4: {  	[tilespmem:s25+$0x0] =	vst.add.f32.msk $0xffff, v11  }
0x2a5: {  	v11 =	vld [tilespmem:$0x370];
	_ =	sdelay $0x4  }
0x2a6: {  	v9 =	vadd.f32 v11, v9;
	_ =	sdelay $0x1  }
0x2a7: {  	v9 =	vmul.f32 $1.442695020e+00, v9;
	_ =	sdelay $0x1  }
0x2a8: {  	(erf) = vpow2.f32 v9;
	_ =	sdelay $0x8  }
0x2a9: {  	v10 =	vadd.f32 v11, v10;
	v9 =	vpop (erf)  }
0x2aa: {  	v9 =	vadd.f32 $1.000000000e+00, v9  }
0x2ab: {  	v10 =	vmul.f32 $1.442695020e+00, v10  }
0x2ac: {  	(erf) = vrcp.f32 v9  }
0x2ad: {  	(erf) = vpow2.f32 v10;
	_ =	sdelay $0x7  }
0x2ae: {  	v9 =	vpop (erf)  }
0x2af: {  	v10 =	vpop (erf)  }
0x2b0: {  	v10 =	vadd.f32 $1.000000000e+00, v10;
	_ =	sdelay $0x1  }
0x2b1: {  	(erf) = vrcp.f32 v10;
	_ =	sdelay $0x3  }
0x2b2: {  	s29 =	sadd.s32 $0x1, s29  }
0x2b3: {  	p0 =	sne.s32 s29, $0x20  }
.Ltmp3:
0x2b4: {  	_ = 	snop;
	(pc) =	sbr.rel @!p0 .LBB2_5-.Ltmp3, $3  }
0x2b5: {  	_ =	sdelay $0x1  }
0x2b6: {  	[tilespmem:s26+$0x0] =	vst.add.f32.msk $0xffff, v9;
	v9 =	vpop (erf)  }
0x2b7: {  	v10 =	vmov v8;
	[tilespmem:s28+$0x0] =	vst.add.f32.msk $0xffff, v9  }
.LBB2_2:
0x2b8: {  	v9 =	vmov s29;
	_ =	sdelay $0x4  }
0x2b9: {  	v8 =	vld.idx.msk [tilespmem:v9+s11+$0x0], $0xffff;
	_ =	sdelay $0x4  }
0x2ba: {  	vm0 =	veq.s32 v8, v10  }
0x2bb: {  	v11 =	vsel vm0, $0x0, v1  }
0x2bc: {  	(xrf0) =	vmax.scan.msk.f32 $0xffff, v11;
	_ =	sdelay $0x5  }
0x2bd: {  	v11, _, _ =	vpop (xrf0)  }
0x2be: {  	(v2sf) =	vpush v11, $0xF;
	_ =	sdelay $0xe  }
0x2bf: {  	s30 =	spop (v2sf)  }
0x2c0: {  	p0 =	sgt.f32 s30, $0.0e+00  }
.Ltmp4:
0x2c1: {  	_ = 	snop;
	(pc) =	sbr.rel @!p0 .LBB2_4-.Ltmp4, $1  }
0x2c2: {  	_ =	sdelay $0x3  }
0x2c3: {  	v10 =	vxor.u32 $0x80000000, v10  }
0x2c4: {  	(xrf0) =	vmax.scan.msk.u32 $0xffff, v10;
	_ =	sdelay $0x5  }
0x2c5: {  	v10, _, _ =	vpop (xrf0)  }
0x2c6: {  	(v2sf) =	vpush v10, $0xF;
	_ =	sdelay $0xe  }
0x2c7: {  	s30 =	spop (v2sf)  }
0x2c8: {  	s30 =	sadd.s32 s8, s30  }
0x2c9: {  	s30 =	sshll.u32 s30, $0xA  }
0x2ca: {  	s30 =	sand.u32 $0x1FFFFC00, s30  }
0x2cb: {  	s30 =	sadd.s32 s5, s30  }
0x2cc: {  	[hbm4b:s30+s2] =	stream.linear.scatter [tilespmem:s14], [sflag:$0x1], $0x2000, $0x38;
	[tilespmem:$0x2380] =	vst v63  }
0x2cd: {  	_ =	swait.ge [sflag:s10], $0x2000  }
0x2ce: {  	[sflag:s10] =	ssyncset.done $0x0  }
0x2cf: {  	[sflag:s10] =	ssyncadd.s32 $0xFFFFE000  }
0x2d0: {  	[tilespmem:$0x380] =	vst v0  }
0x2d1: {  	[tilespmem:$0x400] =	vst v0  }
0x2d2: {  	[tilespmem:$0x480] =	vst v0  }
0x2d3: {  	[tilespmem:$0x500] =	vst v0  }
0x2d4: {  	[tilespmem:$0x580] =	vst v0  }
0x2d5: {  	[tilespmem:$0x600] =	vst v0  }
0x2d6: {  	[tilespmem:$0x680] =	vst v0  }
0x2d7: {  	[tilespmem:$0x700] =	vst v0  }
0x2d8: {  	[tilespmem:$0x780] =	vst v0  }
0x2d9: {  	[tilespmem:$0x800] =	vst v0  }
0x2da: {  	[tilespmem:$0x880] =	vst v0  }
0x2db: {  	[tilespmem:$0x900] =	vst v0  }
0x2dc: {  	[tilespmem:$0x980] =	vst v0  }
0x2dd: {  	[tilespmem:$0xA00] =	vst v0  }
0x2de: {  	[tilespmem:$0xA80] =	vst v0  }
0x2df: {  	[tilespmem:$0xB00] =	vst v0  }
0x2e0: {  	[tilespmem:$0xB80] =	vst v0  }
0x2e1: {  	[tilespmem:$0xC00] =	vst v0  }
0x2e2: {  	[tilespmem:$0xC80] =	vst v0  }
0x2e3: {  	[tilespmem:$0xD00] =	vst v0  }
0x2e4: {  	[tilespmem:$0xD80] =	vst v0  }
0x2e5: {  	[tilespmem:$0xE00] =	vst v0  }
0x2e6: {  	[tilespmem:$0xE80] =	vst v0  }
0x2e7: {  	[tilespmem:$0xF00] =	vst v0  }
0x2e8: {  	[tilespmem:$0xF80] =	vst v0  }
0x2e9: {  	[tilespmem:$0x1000] =	vst v0  }
0x2ea: {  	[tilespmem:$0x1080] =	vst v0  }
0x2eb: {  	[tilespmem:$0x1100] =	vst v0  }
0x2ec: {  	[tilespmem:$0x1180] =	vst v0  }
0x2ed: {  	[tilespmem:$0x1200] =	vst v0  }
0x2ee: {  	[tilespmem:$0x1280] =	vst v0  }
0x2ef: {  	[tilespmem:$0x1300] =	vst v0  }
0x2f0: {  	[tilespmem:$0x1380] =	vst v0  }
0x2f1: {  	[tilespmem:$0x1400] =	vst v0  }
0x2f2: {  	[tilespmem:$0x1480] =	vst v0  }
0x2f3: {  	[tilespmem:$0x1500] =	vst v0  }
0x2f4: {  	[tilespmem:$0x1580] =	vst v0  }
0x2f5: {  	[tilespmem:$0x1600] =	vst v0  }
0x2f6: {  	[tilespmem:$0x1680] =	vst v0  }
0x2f7: {  	[tilespmem:$0x1700] =	vst v0  }
0x2f8: {  	[tilespmem:$0x1780] =	vst v0  }
0x2f9: {  	[tilespmem:$0x1800] =	vst v0  }
0x2fa: {  	[tilespmem:$0x1880] =	vst v0  }
0x2fb: {  	[tilespmem:$0x1900] =	vst v0  }
0x2fc: {  	[tilespmem:$0x1980] =	vst v0  }
0x2fd: {  	[tilespmem:$0x1A00] =	vst v0  }
0x2fe: {  	[tilespmem:$0x1A80] =	vst v0  }
0x2ff: {  	[tilespmem:$0x1B00] =	vst v0  }
0x300: {  	[tilespmem:$0x1B80] =	vst v0  }
0x301: {  	[tilespmem:$0x1C00] =	vst v0  }
0x302: {  	[tilespmem:$0x1C80] =	vst v0  }
0x303: {  	[tilespmem:$0x1D00] =	vst v0  }
0x304: {  	[tilespmem:$0x1D80] =	vst v0  }
0x305: {  	[tilespmem:$0x1E00] =	vst v0  }
0x306: {  	[tilespmem:$0x1E80] =	vst v0  }
0x307: {  	[tilespmem:$0x1F00] =	vst v0  }
0x308: {  	[tilespmem:$0x1F80] =	vst v0  }
0x309: {  	[tilespmem:$0x2000] =	vst v0  }
0x30a: {  	[tilespmem:$0x2080] =	vst v0  }
.Ltmp5:
0x30b: {  	[tilespmem:$0x2100] =	vst v0;
	(pc) =	sbr.rel .LBB2_4-.Ltmp5, $4  }
0x30c: {  	[tilespmem:$0x2180] =	vst v0  }
0x30d: {  	[tilespmem:$0x2200] =	vst v0  }
0x30e: {  	[tilespmem:$0x2280] =	vst v0  }
0x30f: {  	[tilespmem:$0x2300] =	vst v0  }
.LBB2_6:
0x310: {  	_ =	sfence.sel $0x180000  }
0x311: {  	[bflag:$0x0] =	sbarrier.arrive $0xFFFF  }
0x312: {  	_ =	strace $0x90000047  }
0x313: {  	s0 =	stileid.u32;
	[bflag:$0x2] =	sbarrier.arrive $0xFFFF  }
0x314: {  	p0 =	sne.s32 s0, $0x0;
	s0 =	rddreg [dreg:$0x2]  }
0x315: {  	s0 =	sadd.s32 @!p0 $0x100000, s0  }
0x316: {  	[sflag:s0] =	ssyncadd.tile.s32 @!p0 $0x1;
	_ =	shalt  }
.Lfunc_end2:
_tile_overlayer_lowered:
.L_overlay_start_2:
0x317: {  	(tag) =	ssettag $0x2  }
0x318: {  	s0 =	rddreg [dreg:$0x0];
	s2 =	stileid.u32  }
0x319: {  	s1 =	rddreg [dreg:$0x1];
	p0 =	sne.s32 s2, $0x0  }
0x31a: {  	s3 =	rddreg [dreg:$0x2];
	[bflag:$0x3] =	sbarrier.arrive $0xFFFF;
	s2 =	simm.s32 @!p0 $0x1C01  }
0x31b: {  	[timem:s3], [sflag:s2] =	dma.local @!p0 [hbm:s0], s1  }
0x31c: {  	s0 =	simm.s32 @!p0 $0x1  }
0x31d: {  	_ =	swait.ge @!p0 [sflag:s0], s1  }
0x31e: {  	s1 =	ssub.s32 @!p0 $0x0, s1;
	[sflag:s0] =	ssyncset.done @!p0 $0x0  }
0x31f: {  	[sflag:s0] =	ssyncadd.s32 @!p0 s1  }
0x320: {  	[bflag:$0x3] =	sbarrier.arrive $0xFFFF  }
0x321: {  	_ =	shalt  }

</sc_bundles>
